<compile_context>
chip_gen: v7x
topology: tpu7x:2x2x1
jax: 0.10.2.dev20260603
libtpu: 0.0.44.dev20260713+nightly
codegen_flags: <defaults>
</compile_context>

<pallas_src>
import jax
import jax.numpy as jnp
from jax import lax
from jax.experimental import pallas as pl
from jax.experimental.pallas import tpu as pltpu
from jax.experimental.pallas import tpu_sc as plsc

B, AT, NBR, NFEAT = 2, 512, 16, 128
NM = NBR - 1
RPA = NBR * NM
NC, NS = 2, 16
NW = NC * NS
NATOMS = B * AT
APW = NATOMS // NW
WPB = AT // APW


def _write_runs(out_hbm, rows_v, wsem, bb, ab, issue):
    copy = pltpu.async_copy if issue else (
        lambda s, d, m: pltpu.make_async_copy(s, d, m).wait()
    )
    for i in range(NBR):
        if i > 0:
            copy(
                rows_v.at[:, pl.ds(0, i)],
                out_hbm.at[bb, pl.ds(ab, APW), i, pl.ds(0, i)],
                wsem,
            )
        if i < NBR - 1:
            copy(
                rows_v.at[:, pl.ds(i + 1, NM - i)],
                out_hbm.at[bb, pl.ds(ab, APW), i, pl.ds(i, NM - i)],
                wsem,
            )


def _sc_body(emb_hbm, nbr_hbm, out_hbm, nbr_v, rows_v, gsem, wsem):
    wid = lax.axis_index("s") * NC + lax.axis_index("c")
    base = wid * APW
    bb = wid // WPB
    ab = (wid % WPB) * APW
    pltpu.sync_copy(nbr_hbm.at[pl.ds(base, APW)], nbr_v)
    for a in range(APW):
        pltpu.async_copy(emb_hbm.at[nbr_v.at[a]], rows_v.at[a], gsem)
    for a in range(APW):
        pltpu.make_async_copy(emb_hbm.at[nbr_v.at[a]], rows_v.at[a], gsem).wait()
    _write_runs(out_hbm, rows_v, wsem, bb, ab, True)
    _write_runs(out_hbm, rows_v, wsem, bb, ab, False)


def kernel(node_embedding, nbr_idx):
    emb_flat = node_embedding.reshape(NATOMS, NFEAT)
    batch_off = (jnp.arange(B, dtype=jnp.int32) * AT)[:, None, None]
    nbr_glob = (nbr_idx.astype(jnp.int32) + batch_off).reshape(NATOMS, NBR)

    run = pl.kernel(
        _sc_body,
        out_type=jax.ShapeDtypeStruct((B, AT, NBR, NBR, NFEAT), jnp.float32),
        mesh=plsc.VectorSubcoreMesh(core_axis_name="c", subcore_axis_name="s"),
        scratch_types=[
            pltpu.VMEM((APW, NBR), jnp.int32),
            pltpu.VMEM((APW, NBR, NFEAT), jnp.float32),
            pltpu.SemaphoreType.DMA,
            pltpu.SemaphoreType.DMA,
        ],
        compiler_params=pltpu.CompilerParams(
            needs_layout_passes=False, use_tc_tiling_on_sc=False
        ),
    )
    return run(emb_flat, nbr_glob)[:, :, :, :NM, :]

# --- scband reference (transcript-rebuilt; emitter-appended) ---
"""Pipeline reference for scband-get-node-k-61332132987194 (READ-ONLY COPY).

The authoritative reference and input builder live on the scoring server;
editing this copy changes nothing except your own understanding.
"""

import jax, jax.numpy as jnp
import numpy as np

B, AT, NBR, NFEAT = 2, 512, 16, 128

def setup_inputs(seed: int = 0) -> dict:
    key = jax.random.key(seed)
    k1, k2 = jax.random.split(key)
    node_embedding = jax.random.normal(k1, (B, AT, NFEAT), dtype=jnp.float32)
    nbr_idx = jax.random.randint(k2, (B, AT, NBR), 0, AT, dtype=jnp.int64)
    return {"node_embedding": node_embedding, "nbr_idx": nbr_idx}

def reference(node_embedding, nbr_idx):
    b, at, nbr = nbr_idx.shape
    n_feat = node_embedding.shape[-1]
    # k_idx_list[i] = all neighbor slots except i -> (Nbr, Nbr-1)
    k_idx = np.stack([np.delete(np.arange(nbr), i) for i in range(nbr)], axis=0)
    k_idx = jnp.asarray(k_idx, dtype=jnp.int32)
    # nbr_k[b, a, i, m] = nbr_idx[b, a, k_idx[i, m]]  -> (B, At, Nbr, Nbr-1)
    nbr_k = jnp.take(nbr_idx, k_idx, axis=2)
    # flatten and gather node embeddings along atom axis
    m = at * nbr * (nbr - 1)
    nbr_k_flat = nbr_k.reshape(b, m)
    idx = jnp.broadcast_to(nbr_k_flat[:, :, None], (b, m, n_feat))
    node_k = jnp.take_along_axis(node_embedding, idx, axis=1)
    node_k = node_k.reshape(b, at, nbr, nbr - 1, n_feat)
    return node_k

if __name__ == "__main__":
    import jax
    _d = setup_inputs()
    print(jax.jit(kernel)(*tuple(_d.values())))

</pallas_src>

<mosaic_0001>
#map = affine_map<(d0, d1) -> (0, 0)>
#map1 = affine_map<(d0, d1) -> (0, 0, 0, 0, 0)>
module attributes {stable_mosaic.version = 14 : i64} {
  func.func @_sc_body(%arg0: i32, %arg1: i32, %arg2: memref<1024x128xf32, #tpu.memory_space<hbm>>, %arg3: memref<1024x16xi32, #tpu.memory_space<hbm>>, %arg4: memref<2x512x16x16x128xf32, #tpu.memory_space<hbm>>, %arg5: memref<32x16xi32, #tpu.memory_space<vmem>>, %arg6: memref<32x16x128xf32, #tpu.memory_space<vmem>>, %arg7: memref<!tpu.dma_semaphore, #tpu.memory_space<semaphore_mem>>, %arg8: memref<!tpu.dma_semaphore, #tpu.memory_space<semaphore_mem>>) attributes {dimension_semantics = [#tpu.dimension_semantics<core_parallel>, #tpu.dimension_semantics<subcore_parallel>], iteration_bounds = array<i64: 2, 16>, scalar_prefetch = 0 : i64, scratch_operands = 4 : i64, tpu.core_type = #tpu.core_type<sc_vector_subcore>, window_params = [{transform_indices = #map}, {transform_indices = #map}, {transform_indices = #map1}]} {
    %mul3A = arith.constant 2 : i32
    %mul3A_0 = arith.muli %arg1, %mul3A : i32
    %add3A = arith.addi %mul3A_0, %arg0 : i32
    %mul3A_1 = arith.constant 32 : i32
    %mul3A_2 = arith.muli %add3A, %mul3A_1 : i32
    %jit3A = arith.constant 16 : i32
    %div3A = arith.divsi %add3A, %jit3A : i32
    %sign3A = arith.constant 0 : i32
    %sign3A_3 = arith.cmpi sgt, %add3A, %sign3A : i32
    %sign3A_4 = arith.extui %sign3A_3 : i1 to i32
    %sign3A_5 = arith.constant 0 : i32
    %sign3A_6 = arith.cmpi slt, %add3A, %sign3A_5 : i32
    %sign3A_7 = arith.extui %sign3A_6 : i1 to i32
    %sign3A_8 = arith.subi %sign3A_4, %sign3A_7 : i32
    %sign3A_9 = arith.constant 0 : i32
    %sign3A_10 = arith.cmpi sgt, %jit3A, %sign3A_9 : i32
    %sign3A_11 = arith.extui %sign3A_10 : i1 to i32
    %sign3A_12 = arith.constant 0 : i32
    %sign3A_13 = arith.cmpi slt, %jit3A, %sign3A_12 : i32
    %sign3A_14 = arith.extui %sign3A_13 : i1 to i32
    %sign3A_15 = arith.subi %sign3A_11, %sign3A_14 : i32
    %ne3A = arith.cmpi ne, %sign3A_8, %sign3A_15 : i32
    %rem3A = arith.remsi %add3A, %jit3A : i32
    %ne3A_16 = arith.constant 0 : i32
    %ne3A_17 = arith.cmpi ne, %rem3A, %ne3A_16 : i32
    %and3A = arith.andi %ne3A, %ne3A_17 : i1
    %sub3A = arith.constant 1 : i32
    %sub3A_18 = arith.subi %div3A, %sub3A : i32
    %select_n3A = arith.select %and3A, %sub3A_18, %div3A : i32
    %jit3A_19 = arith.constant 16 : i32
    %eq3A = arith.constant 0 : i32
    %eq3A_20 = arith.cmpi eq, %jit3A_19, %eq3A : i32
    %jit3A_21 = arith.constant 1 : i32
    %select_n3A_22 = arith.select %eq3A_20, %jit3A_21, %jit3A_19 : i32
    %rem3A_23 = arith.remsi %add3A, %select_n3A_22 : i32
    %ne3A_24 = arith.constant 0 : i32
    %ne3A_25 = arith.cmpi ne, %rem3A_23, %ne3A_24 : i32
    %lt3A = arith.constant 0 : i32
    %lt3A_26 = arith.cmpi slt, %rem3A_23, %lt3A : i32
    %lt3A_27 = arith.constant 0 : i32
    %lt3A_28 = arith.cmpi slt, %select_n3A_22, %lt3A_27 : i32
    %ne3A_29 = arith.xori %lt3A_26, %lt3A_28 : i1
    %and3A_30 = arith.andi %ne3A_29, %ne3A_25 : i1
    %add3A_31 = arith.addi %rem3A_23, %select_n3A_22 : i32
    %select_n3A_32 = arith.select %and3A_30, %add3A_31, %rem3A_23 : i32
    %mul3A_33 = arith.constant 32 : i32
    %mul3A_34 = arith.muli %select_n3A_32, %mul3A_33 : i32
    "tpu.region"() ({
      %run_scoped3A = tpu.sem_alloc : memref<!tpu.dma_semaphore, #tpu.memory_space<semaphore_mem>>
      %dma_start3A_1821 = arith.constant 0 : i32
      %dma_start3A_1822 = tpu.memref_slice %arg3[%mul3A_2, %dma_start3A_1821] : memref<1024x16xi32, #tpu.memory_space<hbm>> -> memref<32x16xi32, #tpu.memory_space<hbm>>
      %dma_start3A_1823 = arith.constant 0 : i32
      %dma_start3A_1824 = tpu.memref_slice %arg3[%mul3A_2, %dma_start3A_1823] : memref<1024x16xi32, #tpu.memory_space<hbm>> -> memref<32x16xi32, #tpu.memory_space<hbm>>
      tpu.enqueue_dma source(%dma_start3A_1824 : memref<32x16xi32, #tpu.memory_space<hbm>>) target(%arg5 : memref<32x16xi32, #tpu.memory_space<vmem>>) target_semaphore(%run_scoped3A : memref<!tpu.dma_semaphore, #tpu.memory_space<semaphore_mem>>)
      %dma_wait3A_1825 = arith.constant 0 : i32
      %dma_wait3A_1826 = tpu.memref_slice %arg3[%mul3A_2, %dma_wait3A_1825] : memref<1024x16xi32, #tpu.memory_space<hbm>> -> memref<32x16xi32, #tpu.memory_space<hbm>>
      %dma_wait3A_1827 = arith.constant 0 : i32
      %dma_wait3A_1828 = tpu.memref_slice %arg3[%mul3A_2, %dma_wait3A_1827] : memref<1024x16xi32, #tpu.memory_space<hbm>> -> memref<32x16xi32, #tpu.memory_space<hbm>>
      tpu.wait_dma2 semaphore(%run_scoped3A : memref<!tpu.dma_semaphore, #tpu.memory_space<semaphore_mem>>) src(%dma_wait3A_1828 : memref<32x16xi32, #tpu.memory_space<hbm>>) dst(%arg5 : memref<32x16xi32, #tpu.memory_space<vmem>>)
      tpu.yield
    }) : () -> ()
    %dma_start3A = arith.constant 0 : i32
    %dma_start3A_35 = arith.constant 0 : i32
    %dma_start3A_36 = arith.constant 0 : i32
    %dma_start3A_37 = arith.constant 0 : i32
    %dma_start3A_38 = tpu.memref_slice %arg6[%dma_start3A_35, %dma_start3A_36, %dma_start3A_37] : memref<32x16x128xf32, #tpu.memory_space<vmem>> -> memref<1x16x128xf32, #tpu.memory_space<vmem>>
    %dma_start3A_39 = tpu.memref_squeeze %dma_start3A_38 : memref<1x16x128xf32, #tpu.memory_space<vmem>> -> memref<16x128xf32, #tpu.memory_space<vmem>>
    %dma_start3A_40 = arith.constant 0 : i32
    %dma_start3A_41 = tpu.memref_slice %arg5[%dma_start3A, %dma_start3A_40] : memref<32x16xi32, #tpu.memory_space<vmem>> -> memref<1x16xi32, #tpu.memory_space<vmem>>
    %dma_start3A_42 = tpu.memref_squeeze %dma_start3A_41 : memref<1x16xi32, #tpu.memory_space<vmem>> -> memref<16xi32, #tpu.memory_space<vmem>>
    %dma_start3A_43 = arith.constant 0 : i32
    %dma_start3A_44 = arith.constant 0 : i32
    %dma_start3A_45 = tpu.memref_slice %arg2[%dma_start3A_43, %dma_start3A_44] : memref<1024x128xf32, #tpu.memory_space<hbm>> -> memref<1024x128xf32, #tpu.memory_space<hbm>>
    tpu.enqueue_indirect_dma source(%dma_start3A_45 : memref<1024x128xf32, #tpu.memory_space<hbm>>) target(%dma_start3A_39 : memref<16x128xf32, #tpu.memory_space<vmem>>) offsets(%dma_start3A_42 : memref<16xi32, #tpu.memory_space<vmem>>) semaphore(%arg7 : memref<!tpu.dma_semaphore, #tpu.memory_space<semaphore_mem>>)
    %dma_start3A_46 = arith.constant 1 : i32
    %dma_start3A_47 = arith.constant 1 : i32
    %dma_start3A_48 = arith.constant 0 : i32
    %dma_start3A_49 = arith.constant 0 : i32
    %dma_start3A_50 = tpu.memref_slice %arg6[%dma_start3A_47, %dma_start3A_48, %dma_start3A_49] : memref<32x16x128xf32, #tpu.memory_space<vmem>> -> memref<1x16x128xf32, #tpu.memory_space<vmem>>
    %dma_start3A_51 = tpu.memref_squeeze %dma_start3A_50 : memref<1x16x128xf32, #tpu.memory_space<vmem>> -> memref<16x128xf32, #tpu.memory_space<vmem>>
    %dma_start3A_52 = arith.constant 0 : i32
    %dma_start3A_53 = tpu.memref_slice %arg5[%dma_start3A_46, %dma_start3A_52] : memref<32x16xi32, #tpu.memory_space<vmem>> -> memref<1x16xi32, #tpu.memory_space<vmem>>
    %dma_start3A_54 = tpu.memref_squeeze %dma_start3A_53 : memref<1x16xi32, #tpu.memory_space<vmem>> -> memref<16xi32, #tpu.memory_space<vmem>>
    %dma_start3A_55 = arith.constant 0 : i32
    %dma_start3A_56 = arith.constant 0 : i32
    %dma_start3A_57 = tpu.memref_slice %arg2[%dma_start3A_55, %dma_start3A_56] : memref<1024x128xf32, #tpu.memory_space<hbm>> -> memref<1024x128xf32, #tpu.memory_space<hbm>>
    tpu.enqueue_indirect_dma source(%dma_start3A_57 : memref<1024x128xf32, #tpu.memory_space<hbm>>) target(%dma_start3A_51 : memref<16x128xf32, #tpu.memory_space<vmem>>) offsets(%dma_start3A_54 : memref<16xi32, #tpu.memory_space<vmem>>) semaphore(%arg7 : memref<!tpu.dma_semaphore, #tpu.memory_space<semaphore_mem>>)
    %dma_start3A_58 = arith.constant 2 : i32
    %dma_start3A_59 = arith.constant 2 : i32
    %dma_start3A_60 = arith.constant 0 : i32
    %dma_start3A_61 = arith.constant 0 : i32
    %dma_start3A_62 = tpu.memref_slice %arg6[%dma_start3A_59, %dma_start3A_60, %dma_start3A_61] : memref<32x16x128xf32, #tpu.memory_space<vmem>> -> memref<1x16x128xf32, #tpu.memory_space<vmem>>
    %dma_start3A_63 = tpu.memref_squeeze %dma_start3A_62 : memref<1x16x128xf32, #tpu.memory_space<vmem>> -> memref<16x128xf32, #tpu.memory_space<vmem>>
    %dma_start3A_64 = arith.constant 0 : i32
    %dma_start3A_65 = tpu.memref_slice %arg5[%dma_start3A_58, %dma_start3A_64] : memref<32x16xi32, #tpu.memory_space<vmem>> -> memref<1x16xi32, #tpu.memory_space<vmem>>
    %dma_start3A_66 = tpu.memref_squeeze %dma_start3A_65 : memref<1x16xi32, #tpu.memory_space<vmem>> -> memref<16xi32, #tpu.memory_space<vmem>>
    %dma_start3A_67 = arith.constant 0 : i32
    %dma_start3A_68 = arith.constant 0 : i32
    %dma_start3A_69 = tpu.memref_slice %arg2[%dma_start3A_67, %dma_start3A_68] : memref<1024x128xf32, #tpu.memory_space<hbm>> -> memref<1024x128xf32, #tpu.memory_space<hbm>>
    tpu.enqueue_indirect_dma source(%dma_start3A_69 : memref<1024x128xf32, #tpu.memory_space<hbm>>) target(%dma_start3A_63 : memref<16x128xf32, #tpu.memory_space<vmem>>) offsets(%dma_start3A_66 : memref<16xi32, #tpu.memory_space<vmem>>) semaphore(%arg7 : memref<!tpu.dma_semaphore, #tpu.memory_space<semaphore_mem>>)
    %dma_start3A_70 = arith.constant 3 : i32
    %dma_start3A_71 = arith.constant 3 : i32
    %dma_start3A_72 = arith.constant 0 : i32
    %dma_start3A_73 = arith.constant 0 : i32
    %dma_start3A_74 = tpu.memref_slice %arg6[%dma_start3A_71, %dma_start3A_72, %dma_start3A_73] : memref<32x16x128xf32, #tpu.memory_space<vmem>> -> memref<1x16x128xf32, #tpu.memory_space<vmem>>
    %dma_start3A_75 = tpu.memref_squeeze %dma_start3A_74 : memref<1x16x128xf32, #tpu.memory_space<vmem>> -> memref<16x128xf32, #tpu.memory_space<vmem>>
    %dma_start3A_76 = arith.constant 0 : i32
    %dma_start3A_77 = tpu.memref_slice %arg5[%dma_start3A_70, %dma_start3A_76] : memref<32x16xi32, #tpu.memory_space<vmem>> -> memref<1x16xi32, #tpu.memory_space<vmem>>
    %dma_start3A_78 = tpu.memref_squeeze %dma_start3A_77 : memref<1x16xi32, #tpu.memory_space<vmem>> -> memref<16xi32, #tpu.memory_space<vmem>>
    %dma_start3A_79 = arith.constant 0 : i32
    %dma_start3A_80 = arith.constant 0 : i32
    %dma_start3A_81 = tpu.memref_slice %arg2[%dma_start3A_79, %dma_start3A_80] : memref<1024x128xf32, #tpu.memory_space<hbm>> -> memref<1024x128xf32, #tpu.memory_space<hbm>>
    tpu.enqueue_indirect_dma source(%dma_start3A_81 : memref<1024x128xf32, #tpu.memory_space<hbm>>) target(%dma_start3A_75 : memref<16x128xf32, #tpu.memory_space<vmem>>) offsets(%dma_start3A_78 : memref<16xi32, #tpu.memory_space<vmem>>) semaphore(%arg7 : memref<!tpu.dma_semaphore, #tpu.memory_space<semaphore_mem>>)
    %dma_start3A_82 = arith.constant 4 : i32
    %dma_start3A_83 = arith.constant 4 : i32
    %dma_start3A_84 = arith.constant 0 : i32
    %dma_start3A_85 = arith.constant 0 : i32
    %dma_start3A_86 = tpu.memref_slice %arg6[%dma_start3A_83, %dma_start3A_84, %dma_start3A_85] : memref<32x16x128xf32, #tpu.memory_space<vmem>> -> memref<1x16x128xf32, #tpu.memory_space<vmem>>
    %dma_start3A_87 = tpu.memref_squeeze %dma_start3A_86 : memref<1x16x128xf32, #tpu.memory_space<vmem>> -> memref<16x128xf32, #tpu.memory_space<vmem>>
    %dma_start3A_88 = arith.constant 0 : i32
    %dma_start3A_89 = tpu.memref_slice %arg5[%dma_start3A_82, %dma_start3A_88] : memref<32x16xi32, #tpu.memory_space<vmem>> -> memref<1x16xi32, #tpu.memory_space<vmem>>
    %dma_start3A_90 = tpu.memref_squeeze %dma_start3A_89 : memref<1x16xi32, #tpu.memory_space<vmem>> -> memref<16xi32, #tpu.memory_space<vmem>>
    %dma_start3A_91 = arith.constant 0 : i32
    %dma_start3A_92 = arith.constant 0 : i32
    %dma_start3A_93 = tpu.memref_slice %arg2[%dma_start3A_91, %dma_start3A_92] : memref<1024x128xf32, #tpu.memory_space<hbm>> -> memref<1024x128xf32, #tpu.memory_space<hbm>>
    tpu.enqueue_indirect_dma source(%dma_start3A_93 : memref<1024x128xf32, #tpu.memory_space<hbm>>) target(%dma_start3A_87 : memref<16x128xf32, #tpu.memory_space<vmem>>) offsets(%dma_start3A_90 : memref<16xi32, #tpu.memory_space<vmem>>) semaphore(%arg7 : memref<!tpu.dma_semaphore, #tpu.memory_space<semaphore_mem>>)
    %dma_start3A_94 = arith.constant 5 : i32
    %dma_start3A_95 = arith.constant 5 : i32
    %dma_start3A_96 = arith.constant 0 : i32
    %dma_start3A_97 = arith.constant 0 : i32
    %dma_start3A_98 = tpu.memref_slice %arg6[%dma_start3A_95, %dma_start3A_96, %dma_start3A_97] : memref<32x16x128xf32, #tpu.memory_space<vmem>> -> memref<1x16x128xf32, #tpu.memory_space<vmem>>
    %dma_start3A_99 = tpu.memref_squeeze %dma_start3A_98 : memref<1x16x128xf32, #tpu.memory_space<vmem>> -> memref<16x128xf32, #tpu.memory_space<vmem>>
    %dma_start3A_100 = arith.constant 0 : i32
    %dma_start3A_101 = tpu.memref_slice %arg5[%dma_start3A_94, %dma_start3A_100] : memref<32x16xi32, #tpu.memory_space<vmem>> -> memref<1x16xi32, #tpu.memory_space<vmem>>
    %dma_start3A_102 = tpu.memref_squeeze %dma_start3A_101 : memref<1x16xi32, #tpu.memory_space<vmem>> -> memref<16xi32, #tpu.memory_space<vmem>>
    %dma_start3A_103 = arith.constant 0 : i32
    %dma_start3A_104 = arith.constant 0 : i32
    %dma_start3A_105 = tpu.memref_slice %arg2[%dma_start3A_103, %dma_start3A_104] : memref<1024x128xf32, #tpu.memory_space<hbm>> -> memref<1024x128xf32, #tpu.memory_space<hbm>>
    tpu.enqueue_indirect_dma source(%dma_start3A_105 : memref<1024x128xf32, #tpu.memory_space<hbm>>) target(%dma_start3A_99 : memref<16x128xf32, #tpu.memory_space<vmem>>) offsets(%dma_start3A_102 : memref<16xi32, #tpu.memory_space<vmem>>) semaphore(%arg7 : memref<!tpu.dma_semaphore, #tpu.memory_space<semaphore_mem>>)
    %dma_start3A_106 = arith.constant 6 : i32
    %dma_start3A_107 = arith.constant 6 : i32
    %dma_start3A_108 = arith.constant 0 : i32
    %dma_start3A_109 = arith.constant 0 : i32
    %dma_start3A_110 = tpu.memref_slice %arg6[%dma_start3A_107, %dma_start3A_108, %dma_start3A_109] : memref<32x16x128xf32, #tpu.memory_space<vmem>> -> memref<1x16x128xf32, #tpu.memory_space<vmem>>
    %dma_start3A_111 = tpu.memref_squeeze %dma_start3A_110 : memref<1x16x128xf32, #tpu.memory_space<vmem>> -> memref<16x128xf32, #tpu.memory_space<vmem>>
    %dma_start3A_112 = arith.constant 0 : i32
    %dma_start3A_113 = tpu.memref_slice %arg5[%dma_start3A_106, %dma_start3A_112] : memref<32x16xi32, #tpu.memory_space<vmem>> -> memref<1x16xi32, #tpu.memory_space<vmem>>
    %dma_start3A_114 = tpu.memref_squeeze %dma_start3A_113 : memref<1x16xi32, #tpu.memory_space<vmem>> -> memref<16xi32, #tpu.memory_space<vmem>>
    %dma_start3A_115 = arith.constant 0 : i32
    %dma_start3A_116 = arith.constant 0 : i32
    %dma_start3A_117 = tpu.memref_slice %arg2[%dma_start3A_115, %dma_start3A_116] : memref<1024x128xf32, #tpu.memory_space<hbm>> -> memref<1024x128xf32, #tpu.memory_space<hbm>>
    tpu.enqueue_indirect_dma source(%dma_start3A_117 : memref<1024x128xf32, #tpu.memory_space<hbm>>) target(%dma_start3A_111 : memref<16x128xf32, #tpu.memory_space<vmem>>) offsets(%dma_start3A_114 : memref<16xi32, #tpu.memory_space<vmem>>) semaphore(%arg7 : memref<!tpu.dma_semaphore, #tpu.memory_space<semaphore_mem>>)
    %dma_start3A_118 = arith.constant 7 : i32
    %dma_start3A_119 = arith.constant 7 : i32
    %dma_start3A_120 = arith.constant 0 : i32
    %dma_start3A_121 = arith.constant 0 : i32
    %dma_start3A_122 = tpu.memref_slice %arg6[%dma_start3A_119, %dma_start3A_120, %dma_start3A_121] : memref<32x16x128xf32, #tpu.memory_space<vmem>> -> memref<1x16x128xf32, #tpu.memory_space<vmem>>
    %dma_start3A_123 = tpu.memref_squeeze %dma_start3A_122 : memref<1x16x128xf32, #tpu.memory_space<vmem>> -> memref<16x128xf32, #tpu.memory_space<vmem>>
    %dma_start3A_124 = arith.constant 0 : i32
    %dma_start3A_125 = tpu.memref_slice %arg5[%dma_start3A_118, %dma_start3A_124] : memref<32x16xi32, #tpu.memory_space<vmem>> -> memref<1x16xi32, #tpu.memory_space<vmem>>
    %dma_start3A_126 = tpu.memref_squeeze %dma_start3A_125 : memref<1x16xi32, #tpu.memory_space<vmem>> -> memref<16xi32, #tpu.memory_space<vmem>>
    %dma_start3A_127 = arith.constant 0 : i32
    %dma_start3A_128 = arith.constant 0 : i32
    %dma_start3A_129 = tpu.memref_slice %arg2[%dma_start3A_127, %dma_start3A_128] : memref<1024x128xf32, #tpu.memory_space<hbm>> -> memref<1024x128xf32, #tpu.memory_space<hbm>>
    tpu.enqueue_indirect_dma source(%dma_start3A_129 : memref<1024x128xf32, #tpu.memory_space<hbm>>) target(%dma_start3A_123 : memref<16x128xf32, #tpu.memory_space<vmem>>) offsets(%dma_start3A_126 : memref<16xi32, #tpu.memory_space<vmem>>) semaphore(%arg7 : memref<!tpu.dma_semaphore, #tpu.memory_space<semaphore_mem>>)
    %dma_start3A_130 = arith.constant 8 : i32
    %dma_start3A_131 = arith.constant 8 : i32
    %dma_start3A_132 = arith.constant 0 : i32
    %dma_start3A_133 = arith.constant 0 : i32
    %dma_start3A_134 = tpu.memref_slice %arg6[%dma_start3A_131, %dma_start3A_132, %dma_start3A_133] : memref<32x16x128xf32, #tpu.memory_space<vmem>> -> memref<1x16x128xf32, #tpu.memory_space<vmem>>
    %dma_start3A_135 = tpu.memref_squeeze %dma_start3A_134 : memref<1x16x128xf32, #tpu.memory_space<vmem>> -> memref<16x128xf32, #tpu.memory_space<vmem>>
    %dma_start3A_136 = arith.constant 0 : i32
    %dma_start3A_137 = tpu.memref_slice %arg5[%dma_start3A_130, %dma_start3A_136] : memref<32x16xi32, #tpu.memory_space<vmem>> -> memref<1x16xi32, #tpu.memory_space<vmem>>
    %dma_start3A_138 = tpu.memref_squeeze %dma_start3A_137 : memref<1x16xi32, #tpu.memory_space<vmem>> -> memref<16xi32, #tpu.memory_space<vmem>>
    %dma_start3A_139 = arith.constant 0 : i32
    %dma_start3A_140 = arith.constant 0 : i32
    %dma_start3A_141 = tpu.memref_slice %arg2[%dma_start3A_139, %dma_start3A_140] : memref<1024x128xf32, #tpu.memory_space<hbm>> -> memref<1024x128xf32, #tpu.memory_space<hbm>>
    tpu.enqueue_indirect_dma source(%dma_start3A_141 : memref<1024x128xf32, #tpu.memory_space<hbm>>) target(%dma_start3A_135 : memref<16x128xf32, #tpu.memory_space<vmem>>) offsets(%dma_start3A_138 : memref<16xi32, #tpu.memory_space<vmem>>) semaphore(%arg7 : memref<!tpu.dma_semaphore, #tpu.memory_space<semaphore_mem>>)
    %dma_start3A_142 = arith.constant 9 : i32
    %dma_start3A_143 = arith.constant 9 : i32
    %dma_start3A_144 = arith.constant 0 : i32
    %dma_start3A_145 = arith.constant 0 : i32
    %dma_start3A_146 = tpu.memref_slice %arg6[%dma_start3A_143, %dma_start3A_144, %dma_start3A_145] : memref<32x16x128xf32, #tpu.memory_space<vmem>> -> memref<1x16x128xf32, #tpu.memory_space<vmem>>
    %dma_start3A_147 = tpu.memref_squeeze %dma_start3A_146 : memref<1x16x128xf32, #tpu.memory_space<vmem>> -> memref<16x128xf32, #tpu.memory_space<vmem>>
    %dma_start3A_148 = arith.constant 0 : i32
    %dma_start3A_149 = tpu.memref_slice %arg5[%dma_start3A_142, %dma_start3A_148] : memref<32x16xi32, #tpu.memory_space<vmem>> -> memref<1x16xi32, #tpu.memory_space<vmem>>
    %dma_start3A_150 = tpu.memref_squeeze %dma_start3A_149 : memref<1x16xi32, #tpu.memory_space<vmem>> -> memref<16xi32, #tpu.memory_space<vmem>>
    %dma_start3A_151 = arith.constant 0 : i32
    %dma_start3A_152 = arith.constant 0 : i32
    %dma_start3A_153 = tpu.memref_slice %arg2[%dma_start3A_151, %dma_start3A_152] : memref<1024x128xf32, #tpu.memory_space<hbm>> -> memref<1024x128xf32, #tpu.memory_space<hbm>>
    tpu.enqueue_indirect_dma source(%dma_start3A_153 : memref<1024x128xf32, #tpu.memory_space<hbm>>) target(%dma_start3A_147 : memref<16x128xf32, #tpu.memory_space<vmem>>) offsets(%dma_start3A_150 : memref<16xi32, #tpu.memory_space<vmem>>) semaphore(%arg7 : memref<!tpu.dma_semaphore, #tpu.memory_space<semaphore_mem>>)
    %dma_start3A_154 = arith.constant 10 : i32
    %dma_start3A_155 = arith.constant 10 : i32
    %dma_start3A_156 = arith.constant 0 : i32
    %dma_start3A_157 = arith.constant 0 : i32
    %dma_start3A_158 = tpu.memref_slice %arg6[%dma_start3A_155, %dma_start3A_156, %dma_start3A_157] : memref<32x16x128xf32, #tpu.memory_space<vmem>> -> memref<1x16x128xf32, #tpu.memory_space<vmem>>
    %dma_start3A_159 = tpu.memref_squeeze %dma_start3A_158 : memref<1x16x128xf32, #tpu.memory_space<vmem>> -> memref<16x128xf32, #tpu.memory_space<vmem>>
    %dma_start3A_160 = arith.constant 0 : i32
    %dma_start3A_161 = tpu.memref_slice %arg5[%dma_start3A_154, %dma_start3A_160] : memref<32x16xi32, #tpu.memory_space<vmem>> -> memref<1x16xi32, #tpu.memory_space<vmem>>
    %dma_start3A_162 = tpu.memref_squeeze %dma_start3A_161 : memref<1x16xi32, #tpu.memory_space<vmem>> -> memref<16xi32, #tpu.memory_space<vmem>>
    %dma_start3A_163 = arith.constant 0 : i32
    %dma_start3A_164 = arith.constant 0 : i32
    %dma_start3A_165 = tpu.memref_slice %arg2[%dma_start3A_163, %dma_start3A_164] : memref<1024x128xf32, #tpu.memory_space<hbm>> -> memref<1024x128xf32, #tpu.memory_space<hbm>>
    tpu.enqueue_indirect_dma source(%dma_start3A_165 : memref<1024x128xf32, #tpu.memory_space<hbm>>) target(%dma_start3A_159 : memref<16x128xf32, #tpu.memory_space<vmem>>) offsets(%dma_start3A_162 : memref<16xi32, #tpu.memory_space<vmem>>) semaphore(%arg7 : memref<!tpu.dma_semaphore, #tpu.memory_space<semaphore_mem>>)
    %dma_start3A_166 = arith.constant 11 : i32
    %dma_start3A_167 = arith.constant 11 : i32
    %dma_start3A_168 = arith.constant 0 : i32
    %dma_start3A_169 = arith.constant 0 : i32
    %dma_start3A_170 = tpu.memref_slice %arg6[%dma_start3A_167, %dma_start3A_168, %dma_start3A_169] : memref<32x16x128xf32, #tpu.memory_space<vmem>> -> memref<1x16x128xf32, #tpu.memory_space<vmem>>
    %dma_start3A_171 = tpu.memref_squeeze %dma_start3A_170 : memref<1x16x128xf32, #tpu.memory_space<vmem>> -> memref<16x128xf32, #tpu.memory_space<vmem>>
    %dma_start3A_172 = arith.constant 0 : i32
    %dma_start3A_173 = tpu.memref_slice %arg5[%dma_start3A_166, %dma_start3A_172] : memref<32x16xi32, #tpu.memory_space<vmem>> -> memref<1x16xi32, #tpu.memory_space<vmem>>
    %dma_start3A_174 = tpu.memref_squeeze %dma_start3A_173 : memref<1x16xi32, #tpu.memory_space<vmem>> -> memref<16xi32, #tpu.memory_space<vmem>>
    %dma_start3A_175 = arith.constant 0 : i32
    %dma_start3A_176 = arith.constant 0 : i32
    %dma_start3A_177 = tpu.memref_slice %arg2[%dma_start3A_175, %dma_start3A_176] : memref<1024x128xf32, #tpu.memory_space<hbm>> -> memref<1024x128xf32, #tpu.memory_space<hbm>>
    tpu.enqueue_indirect_dma source(%dma_start3A_177 : memref<1024x128xf32, #tpu.memory_space<hbm>>) target(%dma_start3A_171 : memref<16x128xf32, #tpu.memory_space<vmem>>) offsets(%dma_start3A_174 : memref<16xi32, #tpu.memory_space<vmem>>) semaphore(%arg7 : memref<!tpu.dma_semaphore, #tpu.memory_space<semaphore_mem>>)
    %dma_start3A_178 = arith.constant 12 : i32
    %dma_start3A_179 = arith.constant 12 : i32
    %dma_start3A_180 = arith.constant 0 : i32
    %dma_start3A_181 = arith.constant 0 : i32
    %dma_start3A_182 = tpu.memref_slice %arg6[%dma_start3A_179, %dma_start3A_180, %dma_start3A_181] : memref<32x16x128xf32, #tpu.memory_space<vmem>> -> memref<1x16x128xf32, #tpu.memory_space<vmem>>
    %dma_start3A_183 = tpu.memref_squeeze %dma_start3A_182 : memref<1x16x128xf32, #tpu.memory_space<vmem>> -> memref<16x128xf32, #tpu.memory_space<vmem>>
    %dma_start3A_184 = arith.constant 0 : i32
    %dma_start3A_185 = tpu.memref_slice %arg5[%dma_start3A_178, %dma_start3A_184] : memref<32x16xi32, #tpu.memory_space<vmem>> -> memref<1x16xi32, #tpu.memory_space<vmem>>
    %dma_start3A_186 = tpu.memref_squeeze %dma_start3A_185 : memref<1x16xi32, #tpu.memory_space<vmem>> -> memref<16xi32, #tpu.memory_space<vmem>>
    %dma_start3A_187 = arith.constant 0 : i32
    %dma_start3A_188 = arith.constant 0 : i32
    %dma_start3A_189 = tpu.memref_slice %arg2[%dma_start3A_187, %dma_start3A_188] : memref<1024x128xf32, #tpu.memory_space<hbm>> -> memref<1024x128xf32, #tpu.memory_space<hbm>>
    tpu.enqueue_indirect_dma source(%dma_start3A_189 : memref<1024x128xf32, #tpu.memory_space<hbm>>) target(%dma_start3A_183 : memref<16x128xf32, #tpu.memory_space<vmem>>) offsets(%dma_start3A_186 : memref<16xi32, #tpu.memory_space<vmem>>) semaphore(%arg7 : memref<!tpu.dma_semaphore, #tpu.memory_space<semaphore_mem>>)
    %dma_start3A_190 = arith.constant 13 : i32
    %dma_start3A_191 = arith.constant 13 : i32
    %dma_start3A_192 = arith.constant 0 : i32
    %dma_start3A_193 = arith.constant 0 : i32
    %dma_start3A_194 = tpu.memref_slice %arg6[%dma_start3A_191, %dma_start3A_192, %dma_start3A_193] : memref<32x16x128xf32, #tpu.memory_space<vmem>> -> memref<1x16x128xf32, #tpu.memory_space<vmem>>
    %dma_start3A_195 = tpu.memref_squeeze %dma_start3A_194 : memref<1x16x128xf32, #tpu.memory_space<vmem>> -> memref<16x128xf32, #tpu.memory_space<vmem>>
    %dma_start3A_196 = arith.constant 0 : i32
    %dma_start3A_197 = tpu.memref_slice %arg5[%dma_start3A_190, %dma_start3A_196] : memref<32x16xi32, #tpu.memory_space<vmem>> -> memref<1x16xi32, #tpu.memory_space<vmem>>
    %dma_start3A_198 = tpu.memref_squeeze %dma_start3A_197 : memref<1x16xi32, #tpu.memory_space<vmem>> -> memref<16xi32, #tpu.memory_space<vmem>>
    %dma_start3A_199 = arith.constant 0 : i32
    %dma_start3A_200 = arith.constant 0 : i32
    %dma_start3A_201 = tpu.memref_slice %arg2[%dma_start3A_199, %dma_start3A_200] : memref<1024x128xf32, #tpu.memory_space<hbm>> -> memref<1024x128xf32, #tpu.memory_space<hbm>>
    tpu.enqueue_indirect_dma source(%dma_start3A_201 : memref<1024x128xf32, #tpu.memory_space<hbm>>) target(%dma_start3A_195 : memref<16x128xf32, #tpu.memory_space<vmem>>) offsets(%dma_start3A_198 : memref<16xi32, #tpu.memory_space<vmem>>) semaphore(%arg7 : memref<!tpu.dma_semaphore, #tpu.memory_space<semaphore_mem>>)
    %dma_start3A_202 = arith.constant 14 : i32
    %dma_start3A_203 = arith.constant 14 : i32
    %dma_start3A_204 = arith.constant 0 : i32
    %dma_start3A_205 = arith.constant 0 : i32
    %dma_start3A_206 = tpu.memref_slice %arg6[%dma_start3A_203, %dma_start3A_204, %dma_start3A_205] : memref<32x16x128xf32, #tpu.memory_space<vmem>> -> memref<1x16x128xf32, #tpu.memory_space<vmem>>
    %dma_start3A_207 = tpu.memref_squeeze %dma_start3A_206 : memref<1x16x128xf32, #tpu.memory_space<vmem>> -> memref<16x128xf32, #tpu.memory_space<vmem>>
    %dma_start3A_208 = arith.constant 0 : i32
    %dma_start3A_209 = tpu.memref_slice %arg5[%dma_start3A_202, %dma_start3A_208] : memref<32x16xi32, #tpu.memory_space<vmem>> -> memref<1x16xi32, #tpu.memory_space<vmem>>
    %dma_start3A_210 = tpu.memref_squeeze %dma_start3A_209 : memref<1x16xi32, #tpu.memory_space<vmem>> -> memref<16xi32, #tpu.memory_space<vmem>>
    %dma_start3A_211 = arith.constant 0 : i32
    %dma_start3A_212 = arith.constant 0 : i32
    %dma_start3A_213 = tpu.memref_slice %arg2[%dma_start3A_211, %dma_start3A_212] : memref<1024x128xf32, #tpu.memory_space<hbm>> -> memref<1024x128xf32, #tpu.memory_space<hbm>>
    tpu.enqueue_indirect_dma source(%dma_start3A_213 : memref<1024x128xf32, #tpu.memory_space<hbm>>) target(%dma_start3A_207 : memref<16x128xf32, #tpu.memory_space<vmem>>) offsets(%dma_start3A_210 : memref<16xi32, #tpu.memory_space<vmem>>) semaphore(%arg7 : memref<!tpu.dma_semaphore, #tpu.memory_space<semaphore_mem>>)
    %dma_start3A_214 = arith.constant 15 : i32
    %dma_start3A_215 = arith.constant 15 : i32
    %dma_start3A_216 = arith.constant 0 : i32
    %dma_start3A_217 = arith.constant 0 : i32
    %dma_start3A_218 = tpu.memref_slice %arg6[%dma_start3A_215, %dma_start3A_216, %dma_start3A_217] : memref<32x16x128xf32, #tpu.memory_space<vmem>> -> memref<1x16x128xf32, #tpu.memory_space<vmem>>
    %dma_start3A_219 = tpu.memref_squeeze %dma_start3A_218 : memref<1x16x128xf32, #tpu.memory_space<vmem>> -> memref<16x128xf32, #tpu.memory_space<vmem>>
    %dma_start3A_220 = arith.constant 0 : i32
    %dma_start3A_221 = tpu.memref_slice %arg5[%dma_start3A_214, %dma_start3A_220] : memref<32x16xi32, #tpu.memory_space<vmem>> -> memref<1x16xi32, #tpu.memory_space<vmem>>
    %dma_start3A_222 = tpu.memref_squeeze %dma_start3A_221 : memref<1x16xi32, #tpu.memory_space<vmem>> -> memref<16xi32, #tpu.memory_space<vmem>>
    %dma_start3A_223 = arith.constant 0 : i32
    %dma_start3A_224 = arith.constant 0 : i32
    %dma_start3A_225 = tpu.memref_slice %arg2[%dma_start3A_223, %dma_start3A_224] : memref<1024x128xf32, #tpu.memory_space<hbm>> -> memref<1024x128xf32, #tpu.memory_space<hbm>>
    tpu.enqueue_indirect_dma source(%dma_start3A_225 : memref<1024x128xf32, #tpu.memory_space<hbm>>) target(%dma_start3A_219 : memref<16x128xf32, #tpu.memory_space<vmem>>) offsets(%dma_start3A_222 : memref<16xi32, #tpu.memory_space<vmem>>) semaphore(%arg7 : memref<!tpu.dma_semaphore, #tpu.memory_space<semaphore_mem>>)
    %dma_start3A_226 = arith.constant 16 : i32
    %dma_start3A_227 = arith.constant 16 : i32
    %dma_start3A_228 = arith.constant 0 : i32
    %dma_start3A_229 = arith.constant 0 : i32
    %dma_start3A_230 = tpu.memref_slice %arg6[%dma_start3A_227, %dma_start3A_228, %dma_start3A_229] : memref<32x16x128xf32, #tpu.memory_space<vmem>> -> memref<1x16x128xf32, #tpu.memory_space<vmem>>
    %dma_start3A_231 = tpu.memref_squeeze %dma_start3A_230 : memref<1x16x128xf32, #tpu.memory_space<vmem>> -> memref<16x128xf32, #tpu.memory_space<vmem>>
    %dma_start3A_232 = arith.constant 0 : i32
    %dma_start3A_233 = tpu.memref_slice %arg5[%dma_start3A_226, %dma_start3A_232] : memref<32x16xi32, #tpu.memory_space<vmem>> -> memref<1x16xi32, #tpu.memory_space<vmem>>
    %dma_start3A_234 = tpu.memref_squeeze %dma_start3A_233 : memref<1x16xi32, #tpu.memory_space<vmem>> -> memref<16xi32, #tpu.memory_space<vmem>>
    %dma_start3A_235 = arith.constant 0 : i32
    %dma_start3A_236 = arith.constant 0 : i32
    %dma_start3A_237 = tpu.memref_slice %arg2[%dma_start3A_235, %dma_start3A_236] : memref<1024x128xf32, #tpu.memory_space<hbm>> -> memref<1024x128xf32, #tpu.memory_space<hbm>>
    tpu.enqueue_indirect_dma source(%dma_start3A_237 : memref<1024x128xf32, #tpu.memory_space<hbm>>) target(%dma_start3A_231 : memref<16x128xf32, #tpu.memory_space<vmem>>) offsets(%dma_start3A_234 : memref<16xi32, #tpu.memory_space<vmem>>) semaphore(%arg7 : memref<!tpu.dma_semaphore, #tpu.memory_space<semaphore_mem>>)
    %dma_start3A_238 = arith.constant 17 : i32
    %dma_start3A_239 = arith.constant 17 : i32
    %dma_start3A_240 = arith.constant 0 : i32
    %dma_start3A_241 = arith.constant 0 : i32
    %dma_start3A_242 = tpu.memref_slice %arg6[%dma_start3A_239, %dma_start3A_240, %dma_start3A_241] : memref<32x16x128xf32, #tpu.memory_space<vmem>> -> memref<1x16x128xf32, #tpu.memory_space<vmem>>
    %dma_start3A_243 = tpu.memref_squeeze %dma_start3A_242 : memref<1x16x128xf32, #tpu.memory_space<vmem>> -> memref<16x128xf32, #tpu.memory_space<vmem>>
    %dma_start3A_244 = arith.constant 0 : i32
    %dma_start3A_245 = tpu.memref_slice %arg5[%dma_start3A_238, %dma_start3A_244] : memref<32x16xi32, #tpu.memory_space<vmem>> -> memref<1x16xi32, #tpu.memory_space<vmem>>
    %dma_start3A_246 = tpu.memref_squeeze %dma_start3A_245 : memref<1x16xi32, #tpu.memory_space<vmem>> -> memref<16xi32, #tpu.memory_space<vmem>>
    %dma_start3A_247 = arith.constant 0 : i32
    %dma_start3A_248 = arith.constant 0 : i32
    %dma_start3A_249 = tpu.memref_slice %arg2[%dma_start3A_247, %dma_start3A_248] : memref<1024x128xf32, #tpu.memory_space<hbm>> -> memref<1024x128xf32, #tpu.memory_space<hbm>>
    tpu.enqueue_indirect_dma source(%dma_start3A_249 : memref<1024x128xf32, #tpu.memory_space<hbm>>) target(%dma_start3A_243 : memref<16x128xf32, #tpu.memory_space<vmem>>) offsets(%dma_start3A_246 : memref<16xi32, #tpu.memory_space<vmem>>) semaphore(%arg7 : memref<!tpu.dma_semaphore, #tpu.memory_space<semaphore_mem>>)
    %dma_start3A_250 = arith.constant 18 : i32
    %dma_start3A_251 = arith.constant 18 : i32
    %dma_start3A_252 = arith.constant 0 : i32
    %dma_start3A_253 = arith.constant 0 : i32
    %dma_start3A_254 = tpu.memref_slice %arg6[%dma_start3A_251, %dma_start3A_252, %dma_start3A_253] : memref<32x16x128xf32, #tpu.memory_space<vmem>> -> memref<1x16x128xf32, #tpu.memory_space<vmem>>
    %dma_start3A_255 = tpu.memref_squeeze %dma_start3A_254 : memref<1x16x128xf32, #tpu.memory_space<vmem>> -> memref<16x128xf32, #tpu.memory_space<vmem>>
    %dma_start3A_256 = arith.constant 0 : i32
    %dma_start3A_257 = tpu.memref_slice %arg5[%dma_start3A_250, %dma_start3A_256] : memref<32x16xi32, #tpu.memory_space<vmem>> -> memref<1x16xi32, #tpu.memory_space<vmem>>
    %dma_start3A_258 = tpu.memref_squeeze %dma_start3A_257 : memref<1x16xi32, #tpu.memory_space<vmem>> -> memref<16xi32, #tpu.memory_space<vmem>>
    %dma_start3A_259 = arith.constant 0 : i32
    %dma_start3A_260 = arith.constant 0 : i32
    %dma_start3A_261 = tpu.memref_slice %arg2[%dma_start3A_259, %dma_start3A_260] : memref<1024x128xf32, #tpu.memory_space<hbm>> -> memref<1024x128xf32, #tpu.memory_space<hbm>>
    tpu.enqueue_indirect_dma source(%dma_start3A_261 : memref<1024x128xf32, #tpu.memory_space<hbm>>) target(%dma_start3A_255 : memref<16x128xf32, #tpu.memory_space<vmem>>) offsets(%dma_start3A_258 : memref<16xi32, #tpu.memory_space<vmem>>) semaphore(%arg7 : memref<!tpu.dma_semaphore, #tpu.memory_space<semaphore_mem>>)
    %dma_start3A_262 = arith.constant 19 : i32
    %dma_start3A_263 = arith.constant 19 : i32
    %dma_start3A_264 = arith.constant 0 : i32
    %dma_start3A_265 = arith.constant 0 : i32
    %dma_start3A_266 = tpu.memref_slice %arg6[%dma_start3A_263, %dma_start3A_264, %dma_start3A_265] : memref<32x16x128xf32, #tpu.memory_space<vmem>> -> memref<1x16x128xf32, #tpu.memory_space<vmem>>
    %dma_start3A_267 = tpu.memref_squeeze %dma_start3A_266 : memref<1x16x128xf32, #tpu.memory_space<vmem>> -> memref<16x128xf32, #tpu.memory_space<vmem>>
    %dma_start3A_268 = arith.constant 0 : i32
    %dma_start3A_269 = tpu.memref_slice %arg5[%dma_start3A_262, %dma_start3A_268] : memref<32x16xi32, #tpu.memory_space<vmem>> -> memref<1x16xi32, #tpu.memory_space<vmem>>
    %dma_start3A_270 = tpu.memref_squeeze %dma_start3A_269 : memref<1x16xi32, #tpu.memory_space<vmem>> -> memref<16xi32, #tpu.memory_space<vmem>>
    %dma_start3A_271 = arith.constant 0 : i32
    %dma_start3A_272 = arith.constant 0 : i32
    %dma_start3A_273 = tpu.memref_slice %arg2[%dma_start3A_271, %dma_start3A_272] : memref<1024x128xf32, #tpu.memory_space<hbm>> -> memref<1024x128xf32, #tpu.memory_space<hbm>>
    tpu.enqueue_indirect_dma source(%dma_start3A_273 : memref<1024x128xf32, #tpu.memory_space<hbm>>) target(%dma_start3A_267 : memref<16x128xf32, #tpu.memory_space<vmem>>) offsets(%dma_start3A_270 : memref<16xi32, #tpu.memory_space<vmem>>) semaphore(%arg7 : memref<!tpu.dma_semaphore, #tpu.memory_space<semaphore_mem>>)
    %dma_start3A_274 = arith.constant 20 : i32
    %dma_start3A_275 = arith.constant 20 : i32
    %dma_start3A_276 = arith.constant 0 : i32
    %dma_start3A_277 = arith.constant 0 : i32
    %dma_start3A_278 = tpu.memref_slice %arg6[%dma_start3A_275, %dma_start3A_276, %dma_start3A_277] : memref<32x16x128xf32, #tpu.memory_space<vmem>> -> memref<1x16x128xf32, #tpu.memory_space<vmem>>
    %dma_start3A_279 = tpu.memref_squeeze %dma_start3A_278 : memref<1x16x128xf32, #tpu.memory_space<vmem>> -> memref<16x128xf32, #tpu.memory_space<vmem>>
    %dma_start3A_280 = arith.constant 0 : i32
    %dma_start3A_281 = tpu.memref_slice %arg5[%dma_start3A_274, %dma_start3A_280] : memref<32x16xi32, #tpu.memory_space<vmem>> -> memref<1x16xi32, #tpu.memory_space<vmem>>
    %dma_start3A_282 = tpu.memref_squeeze %dma_start3A_281 : memref<1x16xi32, #tpu.memory_space<vmem>> -> memref<16xi32, #tpu.memory_space<vmem>>
    %dma_start3A_283 = arith.constant 0 : i32
    %dma_start3A_284 = arith.constant 0 : i32
    %dma_start3A_285 = tpu.memref_slice %arg2[%dma_start3A_283, %dma_start3A_284] : memref<1024x128xf32, #tpu.memory_space<hbm>> -> memref<1024x128xf32, #tpu.memory_space<hbm>>
    tpu.enqueue_indirect_dma source(%dma_start3A_285 : memref<1024x128xf32, #tpu.memory_space<hbm>>) target(%dma_start3A_279 : memref<16x128xf32, #tpu.memory_space<vmem>>) offsets(%dma_start3A_282 : memref<16xi32, #tpu.memory_space<vmem>>) semaphore(%arg7 : memref<!tpu.dma_semaphore, #tpu.memory_space<semaphore_mem>>)
    %dma_start3A_286 = arith.constant 21 : i32
    %dma_start3A_287 = arith.constant 21 : i32
    %dma_start3A_288 = arith.constant 0 : i32
    %dma_start3A_289 = arith.constant 0 : i32
    %dma_start3A_290 = tpu.memref_slice %arg6[%dma_start3A_287, %dma_start3A_288, %dma_start3A_289] : memref<32x16x128xf32, #tpu.memory_space<vmem>> -> memref<1x16x128xf32, #tpu.memory_space<vmem>>
    %dma_start3A_291 = tpu.memref_squeeze %dma_start3A_290 : memref<1x16x128xf32, #tpu.memory_space<vmem>> -> memref<16x128xf32, #tpu.memory_space<vmem>>
    %dma_start3A_292 = arith.constant 0 : i32
    %dma_start3A_293 = tpu.memref_slice %arg5[%dma_start3A_286, %dma_start3A_292] : memref<32x16xi32, #tpu.memory_space<vmem>> -> memref<1x16xi32, #tpu.memory_space<vmem>>
    %dma_start3A_294 = tpu.memref_squeeze %dma_start3A_293 : memref<1x16xi32, #tpu.memory_space<vmem>> -> memref<16xi32, #tpu.memory_space<vmem>>
    %dma_start3A_295 = arith.constant 0 : i32
    %dma_start3A_296 = arith.constant 0 : i32
    %dma_start3A_297 = tpu.memref_slice %arg2[%dma_start3A_295, %dma_start3A_296] : memref<1024x128xf32, #tpu.memory_space<hbm>> -> memref<1024x128xf32, #tpu.memory_space<hbm>>
    tpu.enqueue_indirect_dma source(%dma_start3A_297 : memref<1024x128xf32, #tpu.memory_space<hbm>>) target(%dma_start3A_291 : memref<16x128xf32, #tpu.memory_space<vmem>>) offsets(%dma_start3A_294 : memref<16xi32, #tpu.memory_space<vmem>>) semaphore(%arg7 : memref<!tpu.dma_semaphore, #tpu.memory_space<semaphore_mem>>)
    %dma_start3A_298 = arith.constant 22 : i32
    %dma_start3A_299 = arith.constant 22 : i32
    %dma_start3A_300 = arith.constant 0 : i32
    %dma_start3A_301 = arith.constant 0 : i32
    %dma_start3A_302 = tpu.memref_slice %arg6[%dma_start3A_299, %dma_start3A_300, %dma_start3A_301] : memref<32x16x128xf32, #tpu.memory_space<vmem>> -> memref<1x16x128xf32, #tpu.memory_space<vmem>>
    %dma_start3A_303 = tpu.memref_squeeze %dma_start3A_302 : memref<1x16x128xf32, #tpu.memory_space<vmem>> -> memref<16x128xf32, #tpu.memory_space<vmem>>
    %dma_start3A_304 = arith.constant 0 : i32
    %dma_start3A_305 = tpu.memref_slice %arg5[%dma_start3A_298, %dma_start3A_304] : memref<32x16xi32, #tpu.memory_space<vmem>> -> memref<1x16xi32, #tpu.memory_space<vmem>>
    %dma_start3A_306 = tpu.memref_squeeze %dma_start3A_305 : memref<1x16xi32, #tpu.memory_space<vmem>> -> memref<16xi32, #tpu.memory_space<vmem>>
    %dma_start3A_307 = arith.constant 0 : i32
    %dma_start3A_308 = arith.constant 0 : i32
    %dma_start3A_309 = tpu.memref_slice %arg2[%dma_start3A_307, %dma_start3A_308] : memref<1024x128xf32, #tpu.memory_space<hbm>> -> memref<1024x128xf32, #tpu.memory_space<hbm>>
    tpu.enqueue_indirect_dma source(%dma_start3A_309 : memref<1024x128xf32, #tpu.memory_space<hbm>>) target(%dma_start3A_303 : memref<16x128xf32, #tpu.memory_space<vmem>>) offsets(%dma_start3A_306 : memref<16xi32, #tpu.memory_space<vmem>>) semaphore(%arg7 : memref<!tpu.dma_semaphore, #tpu.memory_space<semaphore_mem>>)
    %dma_start3A_310 = arith.constant 23 : i32
    %dma_start3A_311 = arith.constant 23 : i32
    %dma_start3A_312 = arith.constant 0 : i32
    %dma_start3A_313 = arith.constant 0 : i32
    %dma_start3A_314 = tpu.memref_slice %arg6[%dma_start3A_311, %dma_start3A_312, %dma_start3A_313] : memref<32x16x128xf32, #tpu.memory_space<vmem>> -> memref<1x16x128xf32, #tpu.memory_space<vmem>>
    %dma_start3A_315 = tpu.memref_squeeze %dma_start3A_314 : memref<1x16x128xf32, #tpu.memory_space<vmem>> -> memref<16x128xf32, #tpu.memory_space<vmem>>
    %dma_start3A_316 = arith.constant 0 : i32
    %dma_start3A_317 = tpu.memref_slice %arg5[%dma_start3A_310, %dma_start3A_316] : memref<32x16xi32, #tpu.memory_space<vmem>> -> memref<1x16xi32, #tpu.memory_space<vmem>>
    %dma_start3A_318 = tpu.memref_squeeze %dma_start3A_317 : memref<1x16xi32, #tpu.memory_space<vmem>> -> memref<16xi32, #tpu.memory_space<vmem>>
    %dma_start3A_319 = arith.constant 0 : i32
    %dma_start3A_320 = arith.constant 0 : i32
    %dma_start3A_321 = tpu.memref_slice %arg2[%dma_start3A_319, %dma_start3A_320] : memref<1024x128xf32, #tpu.memory_space<hbm>> -> memref<1024x128xf32, #tpu.memory_space<hbm>>
    tpu.enqueue_indirect_dma source(%dma_start3A_321 : memref<1024x128xf32, #tpu.memory_space<hbm>>) target(%dma_start3A_315 : memref<16x128xf32, #tpu.memory_space<vmem>>) offsets(%dma_start3A_318 : memref<16xi32, #tpu.memory_space<vmem>>) semaphore(%arg7 : memref<!tpu.dma_semaphore, #tpu.memory_space<semaphore_mem>>)
    %dma_start3A_322 = arith.constant 24 : i32
    %dma_start3A_323 = arith.constant 24 : i32
    %dma_start3A_324 = arith.constant 0 : i32
    %dma_start3A_325 = arith.constant 0 : i32
    %dma_start3A_326 = tpu.memref_slice %arg6[%dma_start3A_323, %dma_start3A_324, %dma_start3A_325] : memref<32x16x128xf32, #tpu.memory_space<vmem>> -> memref<1x16x128xf32, #tpu.memory_space<vmem>>
    %dma_start3A_327 = tpu.memref_squeeze %dma_start3A_326 : memref<1x16x128xf32, #tpu.memory_space<vmem>> -> memref<16x128xf32, #tpu.memory_space<vmem>>
    %dma_start3A_328 = arith.constant 0 : i32
    %dma_start3A_329 = tpu.memref_slice %arg5[%dma_start3A_322, %dma_start3A_328] : memref<32x16xi32, #tpu.memory_space<vmem>> -> memref<1x16xi32, #tpu.memory_space<vmem>>
    %dma_start3A_330 = tpu.memref_squeeze %dma_start3A_329 : memref<1x16xi32, #tpu.memory_space<vmem>> -> memref<16xi32, #tpu.memory_space<vmem>>
    %dma_start3A_331 = arith.constant 0 : i32
    %dma_start3A_332 = arith.constant 0 : i32
    %dma_start3A_333 = tpu.memref_slice %arg2[%dma_start3A_331, %dma_start3A_332] : memref<1024x128xf32, #tpu.memory_space<hbm>> -> memref<1024x128xf32, #tpu.memory_space<hbm>>
    tpu.enqueue_indirect_dma source(%dma_start3A_333 : memref<1024x128xf32, #tpu.memory_space<hbm>>) target(%dma_start3A_327 : memref<16x128xf32, #tpu.memory_space<vmem>>) offsets(%dma_start3A_330 : memref<16xi32, #tpu.memory_space<vmem>>) semaphore(%arg7 : memref<!tpu.dma_semaphore, #tpu.memory_space<semaphore_mem>>)
    %dma_start3A_334 = arith.constant 25 : i32
    %dma_start3A_335 = arith.constant 25 : i32
    %dma_start3A_336 = arith.constant 0 : i32
    %dma_start3A_337 = arith.constant 0 : i32
    %dma_start3A_338 = tpu.memref_slice %arg6[%dma_start3A_335, %dma_start3A_336, %dma_start3A_337] : memref<32x16x128xf32, #tpu.memory_space<vmem>> -> memref<1x16x128xf32, #tpu.memory_space<vmem>>
    %dma_start3A_339 = tpu.memref_squeeze %dma_start3A_338 : memref<1x16x128xf32, #tpu.memory_space<vmem>> -> memref<16x128xf32, #tpu.memory_space<vmem>>
    %dma_start3A_340 = arith.constant 0 : i32
    %dma_start3A_341 = tpu.memref_slice %arg5[%dma_start3A_334, %dma_start3A_340] : memref<32x16xi32, #tpu.memory_space<vmem>> -> memref<1x16xi32, #tpu.memory_space<vmem>>
    %dma_start3A_342 = tpu.memref_squeeze %dma_start3A_341 : memref<1x16xi32, #tpu.memory_space<vmem>> -> memref<16xi32, #tpu.memory_space<vmem>>
    %dma_start3A_343 = arith.constant 0 : i32
    %dma_start3A_344 = arith.constant 0 : i32
    %dma_start3A_345 = tpu.memref_slice %arg2[%dma_start3A_343, %dma_start3A_344] : memref<1024x128xf32, #tpu.memory_space<hbm>> -> memref<1024x128xf32, #tpu.memory_space<hbm>>
    tpu.enqueue_indirect_dma source(%dma_start3A_345 : memref<1024x128xf32, #tpu.memory_space<hbm>>) target(%dma_start3A_339 : memref<16x128xf32, #tpu.memory_space<vmem>>) offsets(%dma_start3A_342 : memref<16xi32, #tpu.memory_space<vmem>>) semaphore(%arg7 : memref<!tpu.dma_semaphore, #tpu.memory_space<semaphore_mem>>)
    %dma_start3A_346 = arith.constant 26 : i32
    %dma_start3A_347 = arith.constant 26 : i32
    %dma_start3A_348 = arith.constant 0 : i32
    %dma_start3A_349 = arith.constant 0 : i32
    %dma_start3A_350 = tpu.memref_slice %arg6[%dma_start3A_347, %dma_start3A_348, %dma_start3A_349] : memref<32x16x128xf32, #tpu.memory_space<vmem>> -> memref<1x16x128xf32, #tpu.memory_space<vmem>>
    %dma_start3A_351 = tpu.memref_squeeze %dma_start3A_350 : memref<1x16x128xf32, #tpu.memory_space<vmem>> -> memref<16x128xf32, #tpu.memory_space<vmem>>
    %dma_start3A_352 = arith.constant 0 : i32
    %dma_start3A_353 = tpu.memref_slice %arg5[%dma_start3A_346, %dma_start3A_352] : memref<32x16xi32, #tpu.memory_space<vmem>> -> memref<1x16xi32, #tpu.memory_space<vmem>>
    %dma_start3A_354 = tpu.memref_squeeze %dma_start3A_353 : memref<1x16xi32, #tpu.memory_space<vmem>> -> memref<16xi32, #tpu.memory_space<vmem>>
    %dma_start3A_355 = arith.constant 0 : i32
    %dma_start3A_356 = arith.constant 0 : i32
    %dma_start3A_357 = tpu.memref_slice %arg2[%dma_start3A_355, %dma_start3A_356] : memref<1024x128xf32, #tpu.memory_space<hbm>> -> memref<1024x128xf32, #tpu.memory_space<hbm>>
    tpu.enqueue_indirect_dma source(%dma_start3A_357 : memref<1024x128xf32, #tpu.memory_space<hbm>>) target(%dma_start3A_351 : memref<16x128xf32, #tpu.memory_space<vmem>>) offsets(%dma_start3A_354 : memref<16xi32, #tpu.memory_space<vmem>>) semaphore(%arg7 : memref<!tpu.dma_semaphore, #tpu.memory_space<semaphore_mem>>)
    %dma_start3A_358 = arith.constant 27 : i32
    %dma_start3A_359 = arith.constant 27 : i32
    %dma_start3A_360 = arith.constant 0 : i32
    %dma_start3A_361 = arith.constant 0 : i32
    %dma_start3A_362 = tpu.memref_slice %arg6[%dma_start3A_359, %dma_start3A_360, %dma_start3A_361] : memref<32x16x128xf32, #tpu.memory_space<vmem>> -> memref<1x16x128xf32, #tpu.memory_space<vmem>>
    %dma_start3A_363 = tpu.memref_squeeze %dma_start3A_362 : memref<1x16x128xf32, #tpu.memory_space<vmem>> -> memref<16x128xf32, #tpu.memory_space<vmem>>
    %dma_start3A_364 = arith.constant 0 : i32
    %dma_start3A_365 = tpu.memref_slice %arg5[%dma_start3A_358, %dma_start3A_364] : memref<32x16xi32, #tpu.memory_space<vmem>> -> memref<1x16xi32, #tpu.memory_space<vmem>>
    %dma_start3A_366 = tpu.memref_squeeze %dma_start3A_365 : memref<1x16xi32, #tpu.memory_space<vmem>> -> memref<16xi32, #tpu.memory_space<vmem>>
    %dma_start3A_367 = arith.constant 0 : i32
    %dma_start3A_368 = arith.constant 0 : i32
    %dma_start3A_369 = tpu.memref_slice %arg2[%dma_start3A_367, %dma_start3A_368] : memref<1024x128xf32, #tpu.memory_space<hbm>> -> memref<1024x128xf32, #tpu.memory_space<hbm>>
    tpu.enqueue_indirect_dma source(%dma_start3A_369 : memref<1024x128xf32, #tpu.memory_space<hbm>>) target(%dma_start3A_363 : memref<16x128xf32, #tpu.memory_space<vmem>>) offsets(%dma_start3A_366 : memref<16xi32, #tpu.memory_space<vmem>>) semaphore(%arg7 : memref<!tpu.dma_semaphore, #tpu.memory_space<semaphore_mem>>)
    %dma_start3A_370 = arith.constant 28 : i32
    %dma_start3A_371 = arith.constant 28 : i32
    %dma_start3A_372 = arith.constant 0 : i32
    %dma_start3A_373 = arith.constant 0 : i32
    %dma_start3A_374 = tpu.memref_slice %arg6[%dma_start3A_371, %dma_start3A_372, %dma_start3A_373] : memref<32x16x128xf32, #tpu.memory_space<vmem>> -> memref<1x16x128xf32, #tpu.memory_space<vmem>>
    %dma_start3A_375 = tpu.memref_squeeze %dma_start3A_374 : memref<1x16x128xf32, #tpu.memory_space<vmem>> -> memref<16x128xf32, #tpu.memory_space<vmem>>
    %dma_start3A_376 = arith.constant 0 : i32
    %dma_start3A_377 = tpu.memref_slice %arg5[%dma_start3A_370, %dma_start3A_376] : memref<32x16xi32, #tpu.memory_space<vmem>> -> memref<1x16xi32, #tpu.memory_space<vmem>>
    %dma_start3A_378 = tpu.memref_squeeze %dma_start3A_377 : memref<1x16xi32, #tpu.memory_space<vmem>> -> memref<16xi32, #tpu.memory_space<vmem>>
    %dma_start3A_379 = arith.constant 0 : i32
    %dma_start3A_380 = arith.constant 0 : i32
    %dma_start3A_381 = tpu.memref_slice %arg2[%dma_start3A_379, %dma_start3A_380] : memref<1024x128xf32, #tpu.memory_space<hbm>> -> memref<1024x128xf32, #tpu.memory_space<hbm>>
    tpu.enqueue_indirect_dma source(%dma_start3A_381 : memref<1024x128xf32, #tpu.memory_space<hbm>>) target(%dma_start3A_375 : memref<16x128xf32, #tpu.memory_space<vmem>>) offsets(%dma_start3A_378 : memref<16xi32, #tpu.memory_space<vmem>>) semaphore(%arg7 : memref<!tpu.dma_semaphore, #tpu.memory_space<semaphore_mem>>)
    %dma_start3A_382 = arith.constant 29 : i32
    %dma_start3A_383 = arith.constant 29 : i32
    %dma_start3A_384 = arith.constant 0 : i32
    %dma_start3A_385 = arith.constant 0 : i32
    %dma_start3A_386 = tpu.memref_slice %arg6[%dma_start3A_383, %dma_start3A_384, %dma_start3A_385] : memref<32x16x128xf32, #tpu.memory_space<vmem>> -> memref<1x16x128xf32, #tpu.memory_space<vmem>>
    %dma_start3A_387 = tpu.memref_squeeze %dma_start3A_386 : memref<1x16x128xf32, #tpu.memory_space<vmem>> -> memref<16x128xf32, #tpu.memory_space<vmem>>
    %dma_start3A_388 = arith.constant 0 : i32
    %dma_start3A_389 = tpu.memref_slice %arg5[%dma_start3A_382, %dma_start3A_388] : memref<32x16xi32, #tpu.memory_space<vmem>> -> memref<1x16xi32, #tpu.memory_space<vmem>>
    %dma_start3A_390 = tpu.memref_squeeze %dma_start3A_389 : memref<1x16xi32, #tpu.memory_space<vmem>> -> memref<16xi32, #tpu.memory_space<vmem>>
    %dma_start3A_391 = arith.constant 0 : i32
    %dma_start3A_392 = arith.constant 0 : i32
    %dma_start3A_393 = tpu.memref_slice %arg2[%dma_start3A_391, %dma_start3A_392] : memref<1024x128xf32, #tpu.memory_space<hbm>> -> memref<1024x128xf32, #tpu.memory_space<hbm>>
    tpu.enqueue_indirect_dma source(%dma_start3A_393 : memref<1024x128xf32, #tpu.memory_space<hbm>>) target(%dma_start3A_387 : memref<16x128xf32, #tpu.memory_space<vmem>>) offsets(%dma_start3A_390 : memref<16xi32, #tpu.memory_space<vmem>>) semaphore(%arg7 : memref<!tpu.dma_semaphore, #tpu.memory_space<semaphore_mem>>)
    %dma_start3A_394 = arith.constant 30 : i32
    %dma_start3A_395 = arith.constant 30 : i32
    %dma_start3A_396 = arith.constant 0 : i32
    %dma_start3A_397 = arith.constant 0 : i32
    %dma_start3A_398 = tpu.memref_slice %arg6[%dma_start3A_395, %dma_start3A_396, %dma_start3A_397] : memref<32x16x128xf32, #tpu.memory_space<vmem>> -> memref<1x16x128xf32, #tpu.memory_space<vmem>>
    %dma_start3A_399 = tpu.memref_squeeze %dma_start3A_398 : memref<1x16x128xf32, #tpu.memory_space<vmem>> -> memref<16x128xf32, #tpu.memory_space<vmem>>
    %dma_start3A_400 = arith.constant 0 : i32
    %dma_start3A_401 = tpu.memref_slice %arg5[%dma_start3A_394, %dma_start3A_400] : memref<32x16xi32, #tpu.memory_space<vmem>> -> memref<1x16xi32, #tpu.memory_space<vmem>>
    %dma_start3A_402 = tpu.memref_squeeze %dma_start3A_401 : memref<1x16xi32, #tpu.memory_space<vmem>> -> memref<16xi32, #tpu.memory_space<vmem>>
    %dma_start3A_403 = arith.constant 0 : i32
    %dma_start3A_404 = arith.constant 0 : i32
    %dma_start3A_405 = tpu.memref_slice %arg2[%dma_start3A_403, %dma_start3A_404] : memref<1024x128xf32, #tpu.memory_space<hbm>> -> memref<1024x128xf32, #tpu.memory_space<hbm>>
    tpu.enqueue_indirect_dma source(%dma_start3A_405 : memref<1024x128xf32, #tpu.memory_space<hbm>>) target(%dma_start3A_399 : memref<16x128xf32, #tpu.memory_space<vmem>>) offsets(%dma_start3A_402 : memref<16xi32, #tpu.memory_space<vmem>>) semaphore(%arg7 : memref<!tpu.dma_semaphore, #tpu.memory_space<semaphore_mem>>)
    %dma_start3A_406 = arith.constant 31 : i32
    %dma_start3A_407 = arith.constant 31 : i32
    %dma_start3A_408 = arith.constant 0 : i32
    %dma_start3A_409 = arith.constant 0 : i32
    %dma_start3A_410 = tpu.memref_slice %arg6[%dma_start3A_407, %dma_start3A_408, %dma_start3A_409] : memref<32x16x128xf32, #tpu.memory_space<vmem>> -> memref<1x16x128xf32, #tpu.memory_space<vmem>>
    %dma_start3A_411 = tpu.memref_squeeze %dma_start3A_410 : memref<1x16x128xf32, #tpu.memory_space<vmem>> -> memref<16x128xf32, #tpu.memory_space<vmem>>
    %dma_start3A_412 = arith.constant 0 : i32
    %dma_start3A_413 = tpu.memref_slice %arg5[%dma_start3A_406, %dma_start3A_412] : memref<32x16xi32, #tpu.memory_space<vmem>> -> memref<1x16xi32, #tpu.memory_space<vmem>>
    %dma_start3A_414 = tpu.memref_squeeze %dma_start3A_413 : memref<1x16xi32, #tpu.memory_space<vmem>> -> memref<16xi32, #tpu.memory_space<vmem>>
    %dma_start3A_415 = arith.constant 0 : i32
    %dma_start3A_416 = arith.constant 0 : i32
    %dma_start3A_417 = tpu.memref_slice %arg2[%dma_start3A_415, %dma_start3A_416] : memref<1024x128xf32, #tpu.memory_space<hbm>> -> memref<1024x128xf32, #tpu.memory_space<hbm>>
    tpu.enqueue_indirect_dma source(%dma_start3A_417 : memref<1024x128xf32, #tpu.memory_space<hbm>>) target(%dma_start3A_411 : memref<16x128xf32, #tpu.memory_space<vmem>>) offsets(%dma_start3A_414 : memref<16xi32, #tpu.memory_space<vmem>>) semaphore(%arg7 : memref<!tpu.dma_semaphore, #tpu.memory_space<semaphore_mem>>)
    %dma_wait3A = arith.constant 0 : i32
    %dma_wait3A_418 = arith.constant 0 : i32
    %dma_wait3A_419 = arith.constant 0 : i32
    %dma_wait3A_420 = arith.constant 0 : i32
    %dma_wait3A_421 = tpu.memref_slice %arg6[%dma_wait3A_418, %dma_wait3A_419, %dma_wait3A_420] : memref<32x16x128xf32, #tpu.memory_space<vmem>> -> memref<1x16x128xf32, #tpu.memory_space<vmem>>
    %dma_wait3A_422 = tpu.memref_squeeze %dma_wait3A_421 : memref<1x16x128xf32, #tpu.memory_space<vmem>> -> memref<16x128xf32, #tpu.memory_space<vmem>>
    %dma_wait3A_423 = arith.constant 0 : i32
    %dma_wait3A_424 = tpu.memref_slice %arg5[%dma_wait3A, %dma_wait3A_423] : memref<32x16xi32, #tpu.memory_space<vmem>> -> memref<1x16xi32, #tpu.memory_space<vmem>>
    %dma_wait3A_425 = tpu.memref_squeeze %dma_wait3A_424 : memref<1x16xi32, #tpu.memory_space<vmem>> -> memref<16xi32, #tpu.memory_space<vmem>>
    %dma_wait3A_426 = arith.constant 0 : i32
    %dma_wait3A_427 = arith.constant 0 : i32
    %dma_wait3A_428 = tpu.memref_slice %arg2[%dma_wait3A_426, %dma_wait3A_427] : memref<1024x128xf32, #tpu.memory_space<hbm>> -> memref<1024x128xf32, #tpu.memory_space<hbm>>
    tpu.wait_indirect_dma semaphore(%arg7 : memref<!tpu.dma_semaphore, #tpu.memory_space<semaphore_mem>>) src(%dma_wait3A_428 : memref<1024x128xf32, #tpu.memory_space<hbm>>) dst(%dma_wait3A_422 : memref<16x128xf32, #tpu.memory_space<vmem>>)
    %dma_wait3A_429 = arith.constant 1 : i32
    %dma_wait3A_430 = arith.constant 1 : i32
    %dma_wait3A_431 = arith.constant 0 : i32
    %dma_wait3A_432 = arith.constant 0 : i32
    %dma_wait3A_433 = tpu.memref_slice %arg6[%dma_wait3A_430, %dma_wait3A_431, %dma_wait3A_432] : memref<32x16x128xf32, #tpu.memory_space<vmem>> -> memref<1x16x128xf32, #tpu.memory_space<vmem>>
    %dma_wait3A_434 = tpu.memref_squeeze %dma_wait3A_433 : memref<1x16x128xf32, #tpu.memory_space<vmem>> -> memref<16x128xf32, #tpu.memory_space<vmem>>
    %dma_wait3A_435 = arith.constant 0 : i32
    %dma_wait3A_436 = tpu.memref_slice %arg5[%dma_wait3A_429, %dma_wait3A_435] : memref<32x16xi32, #tpu.memory_space<vmem>> -> memref<1x16xi32, #tpu.memory_space<vmem>>
    %dma_wait3A_437 = tpu.memref_squeeze %dma_wait3A_436 : memref<1x16xi32, #tpu.memory_space<vmem>> -> memref<16xi32, #tpu.memory_space<vmem>>
    %dma_wait3A_438 = arith.constant 0 : i32
    %dma_wait3A_439 = arith.constant 0 : i32
    %dma_wait3A_440 = tpu.memref_slice %arg2[%dma_wait3A_438, %dma_wait3A_439] : memref<1024x128xf32, #tpu.memory_space<hbm>> -> memref<1024x128xf32, #tpu.memory_space<hbm>>
    tpu.wait_indirect_dma semaphore(%arg7 : memref<!tpu.dma_semaphore, #tpu.memory_space<semaphore_mem>>) src(%dma_wait3A_440 : memref<1024x128xf32, #tpu.memory_space<hbm>>) dst(%dma_wait3A_434 : memref<16x128xf32, #tpu.memory_space<vmem>>)
    %dma_wait3A_441 = arith.constant 2 : i32
    %dma_wait3A_442 = arith.constant 2 : i32
    %dma_wait3A_443 = arith.constant 0 : i32
    %dma_wait3A_444 = arith.constant 0 : i32
    %dma_wait3A_445 = tpu.memref_slice %arg6[%dma_wait3A_442, %dma_wait3A_443, %dma_wait3A_444] : memref<32x16x128xf32, #tpu.memory_space<vmem>> -> memref<1x16x128xf32, #tpu.memory_space<vmem>>
    %dma_wait3A_446 = tpu.memref_squeeze %dma_wait3A_445 : memref<1x16x128xf32, #tpu.memory_space<vmem>> -> memref<16x128xf32, #tpu.memory_space<vmem>>
    %dma_wait3A_447 = arith.constant 0 : i32
    %dma_wait3A_448 = tpu.memref_slice %arg5[%dma_wait3A_441, %dma_wait3A_447] : memref<32x16xi32, #tpu.memory_space<vmem>> -> memref<1x16xi32, #tpu.memory_space<vmem>>
    %dma_wait3A_449 = tpu.memref_squeeze %dma_wait3A_448 : memref<1x16xi32, #tpu.memory_space<vmem>> -> memref<16xi32, #tpu.memory_space<vmem>>
    %dma_wait3A_450 = arith.constant 0 : i32
    %dma_wait3A_451 = arith.constant 0 : i32
    %dma_wait3A_452 = tpu.memref_slice %arg2[%dma_wait3A_450, %dma_wait3A_451] : memref<1024x128xf32, #tpu.memory_space<hbm>> -> memref<1024x128xf32, #tpu.memory_space<hbm>>
    tpu.wait_indirect_dma semaphore(%arg7 : memref<!tpu.dma_semaphore, #tpu.memory_space<semaphore_mem>>) src(%dma_wait3A_452 : memref<1024x128xf32, #tpu.memory_space<hbm>>) dst(%dma_wait3A_446 : memref<16x128xf32, #tpu.memory_space<vmem>>)
    %dma_wait3A_453 = arith.constant 3 : i32
    %dma_wait3A_454 = arith.constant 3 : i32
    %dma_wait3A_455 = arith.constant 0 : i32
    %dma_wait3A_456 = arith.constant 0 : i32
    %dma_wait3A_457 = tpu.memref_slice %arg6[%dma_wait3A_454, %dma_wait3A_455, %dma_wait3A_456] : memref<32x16x128xf32, #tpu.memory_space<vmem>> -> memref<1x16x128xf32, #tpu.memory_space<vmem>>
    %dma_wait3A_458 = tpu.memref_squeeze %dma_wait3A_457 : memref<1x16x128xf32, #tpu.memory_space<vmem>> -> memref<16x128xf32, #tpu.memory_space<vmem>>
    %dma_wait3A_459 = arith.constant 0 : i32
    %dma_wait3A_460 = tpu.memref_slice %arg5[%dma_wait3A_453, %dma_wait3A_459] : memref<32x16xi32, #tpu.memory_space<vmem>> -> memref<1x16xi32, #tpu.memory_space<vmem>>
    %dma_wait3A_461 = tpu.memref_squeeze %dma_wait3A_460 : memref<1x16xi32, #tpu.memory_space<vmem>> -> memref<16xi32, #tpu.memory_space<vmem>>
    %dma_wait3A_462 = arith.constant 0 : i32
    %dma_wait3A_463 = arith.constant 0 : i32
    %dma_wait3A_464 = tpu.memref_slice %arg2[%dma_wait3A_462, %dma_wait3A_463] : memref<1024x128xf32, #tpu.memory_space<hbm>> -> memref<1024x128xf32, #tpu.memory_space<hbm>>
    tpu.wait_indirect_dma semaphore(%arg7 : memref<!tpu.dma_semaphore, #tpu.memory_space<semaphore_mem>>) src(%dma_wait3A_464 : memref<1024x128xf32, #tpu.memory_space<hbm>>) dst(%dma_wait3A_458 : memref<16x128xf32, #tpu.memory_space<vmem>>)
    %dma_wait3A_465 = arith.constant 4 : i32
    %dma_wait3A_466 = arith.constant 4 : i32
    %dma_wait3A_467 = arith.constant 0 : i32
    %dma_wait3A_468 = arith.constant 0 : i32
    %dma_wait3A_469 = tpu.memref_slice %arg6[%dma_wait3A_466, %dma_wait3A_467, %dma_wait3A_468] : memref<32x16x128xf32, #tpu.memory_space<vmem>> -> memref<1x16x128xf32, #tpu.memory_space<vmem>>
    %dma_wait3A_470 = tpu.memref_squeeze %dma_wait3A_469 : memref<1x16x128xf32, #tpu.memory_space<vmem>> -> memref<16x128xf32, #tpu.memory_space<vmem>>
    %dma_wait3A_471 = arith.constant 0 : i32
    %dma_wait3A_472 = tpu.memref_slice %arg5[%dma_wait3A_465, %dma_wait3A_471] : memref<32x16xi32, #tpu.memory_space<vmem>> -> memref<1x16xi32, #tpu.memory_space<vmem>>
    %dma_wait3A_473 = tpu.memref_squeeze %dma_wait3A_472 : memref<1x16xi32, #tpu.memory_space<vmem>> -> memref<16xi32, #tpu.memory_space<vmem>>
    %dma_wait3A_474 = arith.constant 0 : i32
    %dma_wait3A_475 = arith.constant 0 : i32
    %dma_wait3A_476 = tpu.memref_slice %arg2[%dma_wait3A_474, %dma_wait3A_475] : memref<1024x128xf32, #tpu.memory_space<hbm>> -> memref<1024x128xf32, #tpu.memory_space<hbm>>
    tpu.wait_indirect_dma semaphore(%arg7 : memref<!tpu.dma_semaphore, #tpu.memory_space<semaphore_mem>>) src(%dma_wait3A_476 : memref<1024x128xf32, #tpu.memory_space<hbm>>) dst(%dma_wait3A_470 : memref<16x128xf32, #tpu.memory_space<vmem>>)
    %dma_wait3A_477 = arith.constant 5 : i32
    %dma_wait3A_478 = arith.constant 5 : i32
    %dma_wait3A_479 = arith.constant 0 : i32
    %dma_wait3A_480 = arith.constant 0 : i32
    %dma_wait3A_481 = tpu.memref_slice %arg6[%dma_wait3A_478, %dma_wait3A_479, %dma_wait3A_480] : memref<32x16x128xf32, #tpu.memory_space<vmem>> -> memref<1x16x128xf32, #tpu.memory_space<vmem>>
    %dma_wait3A_482 = tpu.memref_squeeze %dma_wait3A_481 : memref<1x16x128xf32, #tpu.memory_space<vmem>> -> memref<16x128xf32, #tpu.memory_space<vmem>>
    %dma_wait3A_483 = arith.constant 0 : i32
    %dma_wait3A_484 = tpu.memref_slice %arg5[%dma_wait3A_477, %dma_wait3A_483] : memref<32x16xi32, #tpu.memory_space<vmem>> -> memref<1x16xi32, #tpu.memory_space<vmem>>
    %dma_wait3A_485 = tpu.memref_squeeze %dma_wait3A_484 : memref<1x16xi32, #tpu.memory_space<vmem>> -> memref<16xi32, #tpu.memory_space<vmem>>
    %dma_wait3A_486 = arith.constant 0 : i32
    %dma_wait3A_487 = arith.constant 0 : i32
    %dma_wait3A_488 = tpu.memref_slice %arg2[%dma_wait3A_486, %dma_wait3A_487] : memref<1024x128xf32, #tpu.memory_space<hbm>> -> memref<1024x128xf32, #tpu.memory_space<hbm>>
    tpu.wait_indirect_dma semaphore(%arg7 : memref<!tpu.dma_semaphore, #tpu.memory_space<semaphore_mem>>) src(%dma_wait3A_488 : memref<1024x128xf32, #tpu.memory_space<hbm>>) dst(%dma_wait3A_482 : memref<16x128xf32, #tpu.memory_space<vmem>>)
    %dma_wait3A_489 = arith.constant 6 : i32
    %dma_wait3A_490 = arith.constant 6 : i32
    %dma_wait3A_491 = arith.constant 0 : i32
    %dma_wait3A_492 = arith.constant 0 : i32
    %dma_wait3A_493 = tpu.memref_slice %arg6[%dma_wait3A_490, %dma_wait3A_491, %dma_wait3A_492] : memref<32x16x128xf32, #tpu.memory_space<vmem>> -> memref<1x16x128xf32, #tpu.memory_space<vmem>>
    %dma_wait3A_494 = tpu.memref_squeeze %dma_wait3A_493 : memref<1x16x128xf32, #tpu.memory_space<vmem>> -> memref<16x128xf32, #tpu.memory_space<vmem>>
    %dma_wait3A_495 = arith.constant 0 : i32
    %dma_wait3A_496 = tpu.memref_slice %arg5[%dma_wait3A_489, %dma_wait3A_495] : memref<32x16xi32, #tpu.memory_space<vmem>> -> memref<1x16xi32, #tpu.memory_space<vmem>>
    %dma_wait3A_497 = tpu.memref_squeeze %dma_wait3A_496 : memref<1x16xi32, #tpu.memory_space<vmem>> -> memref<16xi32, #tpu.memory_space<vmem>>
    %dma_wait3A_498 = arith.constant 0 : i32
    %dma_wait3A_499 = arith.constant 0 : i32
    %dma_wait3A_500 = tpu.memref_slice %arg2[%dma_wait3A_498, %dma_wait3A_499] : memref<1024x128xf32, #tpu.memory_space<hbm>> -> memref<1024x128xf32, #tpu.memory_space<hbm>>
    tpu.wait_indirect_dma semaphore(%arg7 : memref<!tpu.dma_semaphore, #tpu.memory_space<semaphore_mem>>) src(%dma_wait3A_500 : memref<1024x128xf32, #tpu.memory_space<hbm>>) dst(%dma_wait3A_494 : memref<16x128xf32, #tpu.memory_space<vmem>>)
    %dma_wait3A_501 = arith.constant 7 : i32
    %dma_wait3A_502 = arith.constant 7 : i32
    %dma_wait3A_503 = arith.constant 0 : i32
    %dma_wait3A_504 = arith.constant 0 : i32
    %dma_wait3A_505 = tpu.memref_slice %arg6[%dma_wait3A_502, %dma_wait3A_503, %dma_wait3A_504] : memref<32x16x128xf32, #tpu.memory_space<vmem>> -> memref<1x16x128xf32, #tpu.memory_space<vmem>>
    %dma_wait3A_506 = tpu.memref_squeeze %dma_wait3A_505 : memref<1x16x128xf32, #tpu.memory_space<vmem>> -> memref<16x128xf32, #tpu.memory_space<vmem>>
    %dma_wait3A_507 = arith.constant 0 : i32
    %dma_wait3A_508 = tpu.memref_slice %arg5[%dma_wait3A_501, %dma_wait3A_507] : memref<32x16xi32, #tpu.memory_space<vmem>> -> memref<1x16xi32, #tpu.memory_space<vmem>>
    %dma_wait3A_509 = tpu.memref_squeeze %dma_wait3A_508 : memref<1x16xi32, #tpu.memory_space<vmem>> -> memref<16xi32, #tpu.memory_space<vmem>>
    %dma_wait3A_510 = arith.constant 0 : i32
    %dma_wait3A_511 = arith.constant 0 : i32
    %dma_wait3A_512 = tpu.memref_slice %arg2[%dma_wait3A_510, %dma_wait3A_511] : memref<1024x128xf32, #tpu.memory_space<hbm>> -> memref<1024x128xf32, #tpu.memory_space<hbm>>
    tpu.wait_indirect_dma semaphore(%arg7 : memref<!tpu.dma_semaphore, #tpu.memory_space<semaphore_mem>>) src(%dma_wait3A_512 : memref<1024x128xf32, #tpu.memory_space<hbm>>) dst(%dma_wait3A_506 : memref<16x128xf32, #tpu.memory_space<vmem>>)
    %dma_wait3A_513 = arith.constant 8 : i32
    %dma_wait3A_514 = arith.constant 8 : i32
    %dma_wait3A_515 = arith.constant 0 : i32
    %dma_wait3A_516 = arith.constant 0 : i32
    %dma_wait3A_517 = tpu.memref_slice %arg6[%dma_wait3A_514, %dma_wait3A_515, %dma_wait3A_516] : memref<32x16x128xf32, #tpu.memory_space<vmem>> -> memref<1x16x128xf32, #tpu.memory_space<vmem>>
    %dma_wait3A_518 = tpu.memref_squeeze %dma_wait3A_517 : memref<1x16x128xf32, #tpu.memory_space<vmem>> -> memref<16x128xf32, #tpu.memory_space<vmem>>
    %dma_wait3A_519 = arith.constant 0 : i32
    %dma_wait3A_520 = tpu.memref_slice %arg5[%dma_wait3A_513, %dma_wait3A_519] : memref<32x16xi32, #tpu.memory_space<vmem>> -> memref<1x16xi32, #tpu.memory_space<vmem>>
    %dma_wait3A_521 = tpu.memref_squeeze %dma_wait3A_520 : memref<1x16xi32, #tpu.memory_space<vmem>> -> memref<16xi32, #tpu.memory_space<vmem>>
    %dma_wait3A_522 = arith.constant 0 : i32
    %dma_wait3A_523 = arith.constant 0 : i32
    %dma_wait3A_524 = tpu.memref_slice %arg2[%dma_wait3A_522, %dma_wait3A_523] : memref<1024x128xf32, #tpu.memory_space<hbm>> -> memref<1024x128xf32, #tpu.memory_space<hbm>>
    tpu.wait_indirect_dma semaphore(%arg7 : memref<!tpu.dma_semaphore, #tpu.memory_space<semaphore_mem>>) src(%dma_wait3A_524 : memref<1024x128xf32, #tpu.memory_space<hbm>>) dst(%dma_wait3A_518 : memref<16x128xf32, #tpu.memory_space<vmem>>)
    %dma_wait3A_525 = arith.constant 9 : i32
    %dma_wait3A_526 = arith.constant 9 : i32
    %dma_wait3A_527 = arith.constant 0 : i32
    %dma_wait3A_528 = arith.constant 0 : i32
    %dma_wait3A_529 = tpu.memref_slice %arg6[%dma_wait3A_526, %dma_wait3A_527, %dma_wait3A_528] : memref<32x16x128xf32, #tpu.memory_space<vmem>> -> memref<1x16x128xf32, #tpu.memory_space<vmem>>
    %dma_wait3A_530 = tpu.memref_squeeze %dma_wait3A_529 : memref<1x16x128xf32, #tpu.memory_space<vmem>> -> memref<16x128xf32, #tpu.memory_space<vmem>>
    %dma_wait3A_531 = arith.constant 0 : i32
    %dma_wait3A_532 = tpu.memref_slice %arg5[%dma_wait3A_525, %dma_wait3A_531] : memref<32x16xi32, #tpu.memory_space<vmem>> -> memref<1x16xi32, #tpu.memory_space<vmem>>
    %dma_wait3A_533 = tpu.memref_squeeze %dma_wait3A_532 : memref<1x16xi32, #tpu.memory_space<vmem>> -> memref<16xi32, #tpu.memory_space<vmem>>
    %dma_wait3A_534 = arith.constant 0 : i32
    %dma_wait3A_535 = arith.constant 0 : i32
    %dma_wait3A_536 = tpu.memref_slice %arg2[%dma_wait3A_534, %dma_wait3A_535] : memref<1024x128xf32, #tpu.memory_space<hbm>> -> memref<1024x128xf32, #tpu.memory_space<hbm>>
    tpu.wait_indirect_dma semaphore(%arg7 : memref<!tpu.dma_semaphore, #tpu.memory_space<semaphore_mem>>) src(%dma_wait3A_536 : memref<1024x128xf32, #tpu.memory_space<hbm>>) dst(%dma_wait3A_530 : memref<16x128xf32, #tpu.memory_space<vmem>>)
    %dma_wait3A_537 = arith.constant 10 : i32
    %dma_wait3A_538 = arith.constant 10 : i32
    %dma_wait3A_539 = arith.constant 0 : i32
    %dma_wait3A_540 = arith.constant 0 : i32
    %dma_wait3A_541 = tpu.memref_slice %arg6[%dma_wait3A_538, %dma_wait3A_539, %dma_wait3A_540] : memref<32x16x128xf32, #tpu.memory_space<vmem>> -> memref<1x16x128xf32, #tpu.memory_space<vmem>>
    %dma_wait3A_542 = tpu.memref_squeeze %dma_wait3A_541 : memref<1x16x128xf32, #tpu.memory_space<vmem>> -> memref<16x128xf32, #tpu.memory_space<vmem>>
    %dma_wait3A_543 = arith.constant 0 : i32
    %dma_wait3A_544 = tpu.memref_slice %arg5[%dma_wait3A_537, %dma_wait3A_543] : memref<32x16xi32, #tpu.memory_space<vmem>> -> memref<1x16xi32, #tpu.memory_space<vmem>>
    %dma_wait3A_545 = tpu.memref_squeeze %dma_wait3A_544 : memref<1x16xi32, #tpu.memory_space<vmem>> -> memref<16xi32, #tpu.memory_space<vmem>>
    %dma_wait3A_546 = arith.constant 0 : i32
    %dma_wait3A_547 = arith.constant 0 : i32
    %dma_wait3A_548 = tpu.memref_slice %arg2[%dma_wait3A_546, %dma_wait3A_547] : memref<1024x128xf32, #tpu.memory_space<hbm>> -> memref<1024x128xf32, #tpu.memory_space<hbm>>
    tpu.wait_indirect_dma semaphore(%arg7 : memref<!tpu.dma_semaphore, #tpu.memory_space<semaphore_mem>>) src(%dma_wait3A_548 : memref<1024x128xf32, #tpu.memory_space<hbm>>) dst(%dma_wait3A_542 : memref<16x128xf32, #tpu.memory_space<vmem>>)
    %dma_wait3A_549 = arith.constant 11 : i32
    %dma_wait3A_550 = arith.constant 11 : i32
    %dma_wait3A_551 = arith.constant 0 : i32
    %dma_wait3A_552 = arith.constant 0 : i32
    %dma_wait3A_553 = tpu.memref_slice %arg6[%dma_wait3A_550, %dma_wait3A_551, %dma_wait3A_552] : memref<32x16x128xf32, #tpu.memory_space<vmem>> -> memref<1x16x128xf32, #tpu.memory_space<vmem>>
    %dma_wait3A_554 = tpu.memref_squeeze %dma_wait3A_553 : memref<1x16x128xf32, #tpu.memory_space<vmem>> -> memref<16x128xf32, #tpu.memory_space<vmem>>
    %dma_wait3A_555 = arith.constant 0 : i32
    %dma_wait3A_556 = tpu.memref_slice %arg5[%dma_wait3A_549, %dma_wait3A_555] : memref<32x16xi32, #tpu.memory_space<vmem>> -> memref<1x16xi32, #tpu.memory_space<vmem>>
    %dma_wait3A_557 = tpu.memref_squeeze %dma_wait3A_556 : memref<1x16xi32, #tpu.memory_space<vmem>> -> memref<16xi32, #tpu.memory_space<vmem>>
    %dma_wait3A_558 = arith.constant 0 : i32
    %dma_wait3A_559 = arith.constant 0 : i32
    %dma_wait3A_560 = tpu.memref_slice %arg2[%dma_wait3A_558, %dma_wait3A_559] : memref<1024x128xf32, #tpu.memory_space<hbm>> -> memref<1024x128xf32, #tpu.memory_space<hbm>>
    tpu.wait_indirect_dma semaphore(%arg7 : memref<!tpu.dma_semaphore, #tpu.memory_space<semaphore_mem>>) src(%dma_wait3A_560 : memref<1024x128xf32, #tpu.memory_space<hbm>>) dst(%dma_wait3A_554 : memref<16x128xf32, #tpu.memory_space<vmem>>)
    %dma_wait3A_561 = arith.constant 12 : i32
    %dma_wait3A_562 = arith.constant 12 : i32
    %dma_wait3A_563 = arith.constant 0 : i32
    %dma_wait3A_564 = arith.constant 0 : i32
    %dma_wait3A_565 = tpu.memref_slice %arg6[%dma_wait3A_562, %dma_wait3A_563, %dma_wait3A_564] : memref<32x16x128xf32, #tpu.memory_space<vmem>> -> memref<1x16x128xf32, #tpu.memory_space<vmem>>
    %dma_wait3A_566 = tpu.memref_squeeze %dma_wait3A_565 : memref<1x16x128xf32, #tpu.memory_space<vmem>> -> memref<16x128xf32, #tpu.memory_space<vmem>>
    %dma_wait3A_567 = arith.constant 0 : i32
    %dma_wait3A_568 = tpu.memref_slice %arg5[%dma_wait3A_561, %dma_wait3A_567] : memref<32x16xi32, #tpu.memory_space<vmem>> -> memref<1x16xi32, #tpu.memory_space<vmem>>
    %dma_wait3A_569 = tpu.memref_squeeze %dma_wait3A_568 : memref<1x16xi32, #tpu.memory_space<vmem>> -> memref<16xi32, #tpu.memory_space<vmem>>
    %dma_wait3A_570 = arith.constant 0 : i32
    %dma_wait3A_571 = arith.constant 0 : i32
    %dma_wait3A_572 = tpu.memref_slice %arg2[%dma_wait3A_570, %dma_wait3A_571] : memref<1024x128xf32, #tpu.memory_space<hbm>> -> memref<1024x128xf32, #tpu.memory_space<hbm>>
    tpu.wait_indirect_dma semaphore(%arg7 : memref<!tpu.dma_semaphore, #tpu.memory_space<semaphore_mem>>) src(%dma_wait3A_572 : memref<1024x128xf32, #tpu.memory_space<hbm>>) dst(%dma_wait3A_566 : memref<16x128xf32, #tpu.memory_space<vmem>>)
    %dma_wait3A_573 = arith.constant 13 : i32
    %dma_wait3A_574 = arith.constant 13 : i32
    %dma_wait3A_575 = arith.constant 0 : i32
    %dma_wait3A_576 = arith.constant 0 : i32
    %dma_wait3A_577 = tpu.memref_slice %arg6[%dma_wait3A_574, %dma_wait3A_575, %dma_wait3A_576] : memref<32x16x128xf32, #tpu.memory_space<vmem>> -> memref<1x16x128xf32, #tpu.memory_space<vmem>>
    %dma_wait3A_578 = tpu.memref_squeeze %dma_wait3A_577 : memref<1x16x128xf32, #tpu.memory_space<vmem>> -> memref<16x128xf32, #tpu.memory_space<vmem>>
    %dma_wait3A_579 = arith.constant 0 : i32
    %dma_wait3A_580 = tpu.memref_slice %arg5[%dma_wait3A_573, %dma_wait3A_579] : memref<32x16xi32, #tpu.memory_space<vmem>> -> memref<1x16xi32, #tpu.memory_space<vmem>>
    %dma_wait3A_581 = tpu.memref_squeeze %dma_wait3A_580 : memref<1x16xi32, #tpu.memory_space<vmem>> -> memref<16xi32, #tpu.memory_space<vmem>>
    %dma_wait3A_582 = arith.constant 0 : i32
    %dma_wait3A_583 = arith.constant 0 : i32
    %dma_wait3A_584 = tpu.memref_slice %arg2[%dma_wait3A_582, %dma_wait3A_583] : memref<1024x128xf32, #tpu.memory_space<hbm>> -> memref<1024x128xf32, #tpu.memory_space<hbm>>
    tpu.wait_indirect_dma semaphore(%arg7 : memref<!tpu.dma_semaphore, #tpu.memory_space<semaphore_mem>>) src(%dma_wait3A_584 : memref<1024x128xf32, #tpu.memory_space<hbm>>) dst(%dma_wait3A_578 : memref<16x128xf32, #tpu.memory_space<vmem>>)
    %dma_wait3A_585 = arith.constant 14 : i32
    %dma_wait3A_586 = arith.constant 14 : i32
    %dma_wait3A_587 = arith.constant 0 : i32
    %dma_wait3A_588 = arith.constant 0 : i32
    %dma_wait3A_589 = tpu.memref_slice %arg6[%dma_wait3A_586, %dma_wait3A_587, %dma_wait3A_588] : memref<32x16x128xf32, #tpu.memory_space<vmem>> -> memref<1x16x128xf32, #tpu.memory_space<vmem>>
    %dma_wait3A_590 = tpu.memref_squeeze %dma_wait3A_589 : memref<1x16x128xf32, #tpu.memory_space<vmem>> -> memref<16x128xf32, #tpu.memory_space<vmem>>
    %dma_wait3A_591 = arith.constant 0 : i32
    %dma_wait3A_592 = tpu.memref_slice %arg5[%dma_wait3A_585, %dma_wait3A_591] : memref<32x16xi32, #tpu.memory_space<vmem>> -> memref<1x16xi32, #tpu.memory_space<vmem>>
    %dma_wait3A_593 = tpu.memref_squeeze %dma_wait3A_592 : memref<1x16xi32, #tpu.memory_space<vmem>> -> memref<16xi32, #tpu.memory_space<vmem>>
    %dma_wait3A_594 = arith.constant 0 : i32
    %dma_wait3A_595 = arith.constant 0 : i32
    %dma_wait3A_596 = tpu.memref_slice %arg2[%dma_wait3A_594, %dma_wait3A_595] : memref<1024x128xf32, #tpu.memory_space<hbm>> -> memref<1024x128xf32, #tpu.memory_space<hbm>>
    tpu.wait_indirect_dma semaphore(%arg7 : memref<!tpu.dma_semaphore, #tpu.memory_space<semaphore_mem>>) src(%dma_wait3A_596 : memref<1024x128xf32, #tpu.memory_space<hbm>>) dst(%dma_wait3A_590 : memref<16x128xf32, #tpu.memory_space<vmem>>)
    %dma_wait3A_597 = arith.constant 15 : i32
    %dma_wait3A_598 = arith.constant 15 : i32
    %dma_wait3A_599 = arith.constant 0 : i32
    %dma_wait3A_600 = arith.constant 0 : i32
    %dma_wait3A_601 = tpu.memref_slice %arg6[%dma_wait3A_598, %dma_wait3A_599, %dma_wait3A_600] : memref<32x16x128xf32, #tpu.memory_space<vmem>> -> memref<1x16x128xf32, #tpu.memory_space<vmem>>
    %dma_wait3A_602 = tpu.memref_squeeze %dma_wait3A_601 : memref<1x16x128xf32, #tpu.memory_space<vmem>> -> memref<16x128xf32, #tpu.memory_space<vmem>>
    %dma_wait3A_603 = arith.constant 0 : i32
    %dma_wait3A_604 = tpu.memref_slice %arg5[%dma_wait3A_597, %dma_wait3A_603] : memref<32x16xi32, #tpu.memory_space<vmem>> -> memref<1x16xi32, #tpu.memory_space<vmem>>
    %dma_wait3A_605 = tpu.memref_squeeze %dma_wait3A_604 : memref<1x16xi32, #tpu.memory_space<vmem>> -> memref<16xi32, #tpu.memory_space<vmem>>
    %dma_wait3A_606 = arith.constant 0 : i32
    %dma_wait3A_607 = arith.constant 0 : i32
    %dma_wait3A_608 = tpu.memref_slice %arg2[%dma_wait3A_606, %dma_wait3A_607] : memref<1024x128xf32, #tpu.memory_space<hbm>> -> memref<1024x128xf32, #tpu.memory_space<hbm>>
    tpu.wait_indirect_dma semaphore(%arg7 : memref<!tpu.dma_semaphore, #tpu.memory_space<semaphore_mem>>) src(%dma_wait3A_608 : memref<1024x128xf32, #tpu.memory_space<hbm>>) dst(%dma_wait3A_602 : memref<16x128xf32, #tpu.memory_space<vmem>>)
    %dma_wait3A_609 = arith.constant 16 : i32
    %dma_wait3A_610 = arith.constant 16 : i32
    %dma_wait3A_611 = arith.constant 0 : i32
    %dma_wait3A_612 = arith.constant 0 : i32
    %dma_wait3A_613 = tpu.memref_slice %arg6[%dma_wait3A_610, %dma_wait3A_611, %dma_wait3A_612] : memref<32x16x128xf32, #tpu.memory_space<vmem>> -> memref<1x16x128xf32, #tpu.memory_space<vmem>>
    %dma_wait3A_614 = tpu.memref_squeeze %dma_wait3A_613 : memref<1x16x128xf32, #tpu.memory_space<vmem>> -> memref<16x128xf32, #tpu.memory_space<vmem>>
    %dma_wait3A_615 = arith.constant 0 : i32
    %dma_wait3A_616 = tpu.memref_slice %arg5[%dma_wait3A_609, %dma_wait3A_615] : memref<32x16xi32, #tpu.memory_space<vmem>> -> memref<1x16xi32, #tpu.memory_space<vmem>>
    %dma_wait3A_617 = tpu.memref_squeeze %dma_wait3A_616 : memref<1x16xi32, #tpu.memory_space<vmem>> -> memref<16xi32, #tpu.memory_space<vmem>>
    %dma_wait3A_618 = arith.constant 0 : i32
    %dma_wait3A_619 = arith.constant 0 : i32
    %dma_wait3A_620 = tpu.memref_slice %arg2[%dma_wait3A_618, %dma_wait3A_619] : memref<1024x128xf32, #tpu.memory_space<hbm>> -> memref<1024x128xf32, #tpu.memory_space<hbm>>
    tpu.wait_indirect_dma semaphore(%arg7 : memref<!tpu.dma_semaphore, #tpu.memory_space<semaphore_mem>>) src(%dma_wait3A_620 : memref<1024x128xf32, #tpu.memory_space<hbm>>) dst(%dma_wait3A_614 : memref<16x128xf32, #tpu.memory_space<vmem>>)
    %dma_wait3A_621 = arith.constant 17 : i32
    %dma_wait3A_622 = arith.constant 17 : i32
    %dma_wait3A_623 = arith.constant 0 : i32
    %dma_wait3A_624 = arith.constant 0 : i32
    %dma_wait3A_625 = tpu.memref_slice %arg6[%dma_wait3A_622, %dma_wait3A_623, %dma_wait3A_624] : memref<32x16x128xf32, #tpu.memory_space<vmem>> -> memref<1x16x128xf32, #tpu.memory_space<vmem>>
    %dma_wait3A_626 = tpu.memref_squeeze %dma_wait3A_625 : memref<1x16x128xf32, #tpu.memory_space<vmem>> -> memref<16x128xf32, #tpu.memory_space<vmem>>
    %dma_wait3A_627 = arith.constant 0 : i32
    %dma_wait3A_628 = tpu.memref_slice %arg5[%dma_wait3A_621, %dma_wait3A_627] : memref<32x16xi32, #tpu.memory_space<vmem>> -> memref<1x16xi32, #tpu.memory_space<vmem>>
    %dma_wait3A_629 = tpu.memref_squeeze %dma_wait3A_628 : memref<1x16xi32, #tpu.memory_space<vmem>> -> memref<16xi32, #tpu.memory_space<vmem>>
    %dma_wait3A_630 = arith.constant 0 : i32
    %dma_wait3A_631 = arith.constant 0 : i32
    %dma_wait3A_632 = tpu.memref_slice %arg2[%dma_wait3A_630, %dma_wait3A_631] : memref<1024x128xf32, #tpu.memory_space<hbm>> -> memref<1024x128xf32, #tpu.memory_space<hbm>>
    tpu.wait_indirect_dma semaphore(%arg7 : memref<!tpu.dma_semaphore, #tpu.memory_space<semaphore_mem>>) src(%dma_wait3A_632 : memref<1024x128xf32, #tpu.memory_space<hbm>>) dst(%dma_wait3A_626 : memref<16x128xf32, #tpu.memory_space<vmem>>)
    %dma_wait3A_633 = arith.constant 18 : i32
    %dma_wait3A_634 = arith.constant 18 : i32
    %dma_wait3A_635 = arith.constant 0 : i32
    %dma_wait3A_636 = arith.constant 0 : i32
    %dma_wait3A_637 = tpu.memref_slice %arg6[%dma_wait3A_634, %dma_wait3A_635, %dma_wait3A_636] : memref<32x16x128xf32, #tpu.memory_space<vmem>> -> memref<1x16x128xf32, #tpu.memory_space<vmem>>
    %dma_wait3A_638 = tpu.memref_squeeze %dma_wait3A_637 : memref<1x16x128xf32, #tpu.memory_space<vmem>> -> memref<16x128xf32, #tpu.memory_space<vmem>>
    %dma_wait3A_639 = arith.constant 0 : i32
    %dma_wait3A_640 = tpu.memref_slice %arg5[%dma_wait3A_633, %dma_wait3A_639] : memref<32x16xi32, #tpu.memory_space<vmem>> -> memref<1x16xi32, #tpu.memory_space<vmem>>
    %dma_wait3A_641 = tpu.memref_squeeze %dma_wait3A_640 : memref<1x16xi32, #tpu.memory_space<vmem>> -> memref<16xi32, #tpu.memory_space<vmem>>
    %dma_wait3A_642 = arith.constant 0 : i32
    %dma_wait3A_643 = arith.constant 0 : i32
    %dma_wait3A_644 = tpu.memref_slice %arg2[%dma_wait3A_642, %dma_wait3A_643] : memref<1024x128xf32, #tpu.memory_space<hbm>> -> memref<1024x128xf32, #tpu.memory_space<hbm>>
    tpu.wait_indirect_dma semaphore(%arg7 : memref<!tpu.dma_semaphore, #tpu.memory_space<semaphore_mem>>) src(%dma_wait3A_644 : memref<1024x128xf32, #tpu.memory_space<hbm>>) dst(%dma_wait3A_638 : memref<16x128xf32, #tpu.memory_space<vmem>>)
    %dma_wait3A_645 = arith.constant 19 : i32
    %dma_wait3A_646 = arith.constant 19 : i32
    %dma_wait3A_647 = arith.constant 0 : i32
    %dma_wait3A_648 = arith.constant 0 : i32
    %dma_wait3A_649 = tpu.memref_slice %arg6[%dma_wait3A_646, %dma_wait3A_647, %dma_wait3A_648] : memref<32x16x128xf32, #tpu.memory_space<vmem>> -> memref<1x16x128xf32, #tpu.memory_space<vmem>>
    %dma_wait3A_650 = tpu.memref_squeeze %dma_wait3A_649 : memref<1x16x128xf32, #tpu.memory_space<vmem>> -> memref<16x128xf32, #tpu.memory_space<vmem>>
    %dma_wait3A_651 = arith.constant 0 : i32
    %dma_wait3A_652 = tpu.memref_slice %arg5[%dma_wait3A_645, %dma_wait3A_651] : memref<32x16xi32, #tpu.memory_space<vmem>> -> memref<1x16xi32, #tpu.memory_space<vmem>>
    %dma_wait3A_653 = tpu.memref_squeeze %dma_wait3A_652 : memref<1x16xi32, #tpu.memory_space<vmem>> -> memref<16xi32, #tpu.memory_space<vmem>>
    %dma_wait3A_654 = arith.constant 0 : i32
    %dma_wait3A_655 = arith.constant 0 : i32
    %dma_wait3A_656 = tpu.memref_slice %arg2[%dma_wait3A_654, %dma_wait3A_655] : memref<1024x128xf32, #tpu.memory_space<hbm>> -> memref<1024x128xf32, #tpu.memory_space<hbm>>
    tpu.wait_indirect_dma semaphore(%arg7 : memref<!tpu.dma_semaphore, #tpu.memory_space<semaphore_mem>>) src(%dma_wait3A_656 : memref<1024x128xf32, #tpu.memory_space<hbm>>) dst(%dma_wait3A_650 : memref<16x128xf32, #tpu.memory_space<vmem>>)
    %dma_wait3A_657 = arith.constant 20 : i32
    %dma_wait3A_658 = arith.constant 20 : i32
    %dma_wait3A_659 = arith.constant 0 : i32
    %dma_wait3A_660 = arith.constant 0 : i32
    %dma_wait3A_661 = tpu.memref_slice %arg6[%dma_wait3A_658, %dma_wait3A_659, %dma_wait3A_660] : memref<32x16x128xf32, #tpu.memory_space<vmem>> -> memref<1x16x128xf32, #tpu.memory_space<vmem>>
    %dma_wait3A_662 = tpu.memref_squeeze %dma_wait3A_661 : memref<1x16x128xf32, #tpu.memory_space<vmem>> -> memref<16x128xf32, #tpu.memory_space<vmem>>
    %dma_wait3A_663 = arith.constant 0 : i32
    %dma_wait3A_664 = tpu.memref_slice %arg5[%dma_wait3A_657, %dma_wait3A_663] : memref<32x16xi32, #tpu.memory_space<vmem>> -> memref<1x16xi32, #tpu.memory_space<vmem>>
    %dma_wait3A_665 = tpu.memref_squeeze %dma_wait3A_664 : memref<1x16xi32, #tpu.memory_space<vmem>> -> memref<16xi32, #tpu.memory_space<vmem>>
    %dma_wait3A_666 = arith.constant 0 : i32
    %dma_wait3A_667 = arith.constant 0 : i32
    %dma_wait3A_668 = tpu.memref_slice %arg2[%dma_wait3A_666, %dma_wait3A_667] : memref<1024x128xf32, #tpu.memory_space<hbm>> -> memref<1024x128xf32, #tpu.memory_space<hbm>>
    tpu.wait_indirect_dma semaphore(%arg7 : memref<!tpu.dma_semaphore, #tpu.memory_space<semaphore_mem>>) src(%dma_wait3A_668 : memref<1024x128xf32, #tpu.memory_space<hbm>>) dst(%dma_wait3A_662 : memref<16x128xf32, #tpu.memory_space<vmem>>)
    %dma_wait3A_669 = arith.constant 21 : i32
    %dma_wait3A_670 = arith.constant 21 : i32
    %dma_wait3A_671 = arith.constant 0 : i32
    %dma_wait3A_672 = arith.constant 0 : i32
    %dma_wait3A_673 = tpu.memref_slice %arg6[%dma_wait3A_670, %dma_wait3A_671, %dma_wait3A_672] : memref<32x16x128xf32, #tpu.memory_space<vmem>> -> memref<1x16x128xf32, #tpu.memory_space<vmem>>
    %dma_wait3A_674 = tpu.memref_squeeze %dma_wait3A_673 : memref<1x16x128xf32, #tpu.memory_space<vmem>> -> memref<16x128xf32, #tpu.memory_space<vmem>>
    %dma_wait3A_675 = arith.constant 0 : i32
    %dma_wait3A_676 = tpu.memref_slice %arg5[%dma_wait3A_669, %dma_wait3A_675] : memref<32x16xi32, #tpu.memory_space<vmem>> -> memref<1x16xi32, #tpu.memory_space<vmem>>
    %dma_wait3A_677 = tpu.memref_squeeze %dma_wait3A_676 : memref<1x16xi32, #tpu.memory_space<vmem>> -> memref<16xi32, #tpu.memory_space<vmem>>
    %dma_wait3A_678 = arith.constant 0 : i32
    %dma_wait3A_679 = arith.constant 0 : i32
    %dma_wait3A_680 = tpu.memref_slice %arg2[%dma_wait3A_678, %dma_wait3A_679] : memref<1024x128xf32, #tpu.memory_space<hbm>> -> memref<1024x128xf32, #tpu.memory_space<hbm>>
    tpu.wait_indirect_dma semaphore(%arg7 : memref<!tpu.dma_semaphore, #tpu.memory_space<semaphore_mem>>) src(%dma_wait3A_680 : memref<1024x128xf32, #tpu.memory_space<hbm>>) dst(%dma_wait3A_674 : memref<16x128xf32, #tpu.memory_space<vmem>>)
    %dma_wait3A_681 = arith.constant 22 : i32
    %dma_wait3A_682 = arith.constant 22 : i32
    %dma_wait3A_683 = arith.constant 0 : i32
    %dma_wait3A_684 = arith.constant 0 : i32
    %dma_wait3A_685 = tpu.memref_slice %arg6[%dma_wait3A_682, %dma_wait3A_683, %dma_wait3A_684] : memref<32x16x128xf32, #tpu.memory_space<vmem>> -> memref<1x16x128xf32, #tpu.memory_space<vmem>>
    %dma_wait3A_686 = tpu.memref_squeeze %dma_wait3A_685 : memref<1x16x128xf32, #tpu.memory_space<vmem>> -> memref<16x128xf32, #tpu.memory_space<vmem>>
    %dma_wait3A_687 = arith.constant 0 : i32
    %dma_wait3A_688 = tpu.memref_slice %arg5[%dma_wait3A_681, %dma_wait3A_687] : memref<32x16xi32, #tpu.memory_space<vmem>> -> memref<1x16xi32, #tpu.memory_space<vmem>>
    %dma_wait3A_689 = tpu.memref_squeeze %dma_wait3A_688 : memref<1x16xi32, #tpu.memory_space<vmem>> -> memref<16xi32, #tpu.memory_space<vmem>>
    %dma_wait3A_690 = arith.constant 0 : i32
    %dma_wait3A_691 = arith.constant 0 : i32
    %dma_wait3A_692 = tpu.memref_slice %arg2[%dma_wait3A_690, %dma_wait3A_691] : memref<1024x128xf32, #tpu.memory_space<hbm>> -> memref<1024x128xf32, #tpu.memory_space<hbm>>
    tpu.wait_indirect_dma semaphore(%arg7 : memref<!tpu.dma_semaphore, #tpu.memory_space<semaphore_mem>>) src(%dma_wait3A_692 : memref<1024x128xf32, #tpu.memory_space<hbm>>) dst(%dma_wait3A_686 : memref<16x128xf32, #tpu.memory_space<vmem>>)
    %dma_wait3A_693 = arith.constant 23 : i32
    %dma_wait3A_694 = arith.constant 23 : i32
    %dma_wait3A_695 = arith.constant 0 : i32
    %dma_wait3A_696 = arith.constant 0 : i32
    %dma_wait3A_697 = tpu.memref_slice %arg6[%dma_wait3A_694, %dma_wait3A_695, %dma_wait3A_696] : memref<32x16x128xf32, #tpu.memory_space<vmem>> -> memref<1x16x128xf32, #tpu.memory_space<vmem>>
    %dma_wait3A_698 = tpu.memref_squeeze %dma_wait3A_697 : memref<1x16x128xf32, #tpu.memory_space<vmem>> -> memref<16x128xf32, #tpu.memory_space<vmem>>
    %dma_wait3A_699 = arith.constant 0 : i32
    %dma_wait3A_700 = tpu.memref_slice %arg5[%dma_wait3A_693, %dma_wait3A_699] : memref<32x16xi32, #tpu.memory_space<vmem>> -> memref<1x16xi32, #tpu.memory_space<vmem>>
    %dma_wait3A_701 = tpu.memref_squeeze %dma_wait3A_700 : memref<1x16xi32, #tpu.memory_space<vmem>> -> memref<16xi32, #tpu.memory_space<vmem>>
    %dma_wait3A_702 = arith.constant 0 : i32
    %dma_wait3A_703 = arith.constant 0 : i32
    %dma_wait3A_704 = tpu.memref_slice %arg2[%dma_wait3A_702, %dma_wait3A_703] : memref<1024x128xf32, #tpu.memory_space<hbm>> -> memref<1024x128xf32, #tpu.memory_space<hbm>>
    tpu.wait_indirect_dma semaphore(%arg7 : memref<!tpu.dma_semaphore, #tpu.memory_space<semaphore_mem>>) src(%dma_wait3A_704 : memref<1024x128xf32, #tpu.memory_space<hbm>>) dst(%dma_wait3A_698 : memref<16x128xf32, #tpu.memory_space<vmem>>)
    %dma_wait3A_705 = arith.constant 24 : i32
    %dma_wait3A_706 = arith.constant 24 : i32
    %dma_wait3A_707 = arith.constant 0 : i32
    %dma_wait3A_708 = arith.constant 0 : i32
    %dma_wait3A_709 = tpu.memref_slice %arg6[%dma_wait3A_706, %dma_wait3A_707, %dma_wait3A_708] : memref<32x16x128xf32, #tpu.memory_space<vmem>> -> memref<1x16x128xf32, #tpu.memory_space<vmem>>
    %dma_wait3A_710 = tpu.memref_squeeze %dma_wait3A_709 : memref<1x16x128xf32, #tpu.memory_space<vmem>> -> memref<16x128xf32, #tpu.memory_space<vmem>>
    %dma_wait3A_711 = arith.constant 0 : i32
    %dma_wait3A_712 = tpu.memref_slice %arg5[%dma_wait3A_705, %dma_wait3A_711] : memref<32x16xi32, #tpu.memory_space<vmem>> -> memref<1x16xi32, #tpu.memory_space<vmem>>
    %dma_wait3A_713 = tpu.memref_squeeze %dma_wait3A_712 : memref<1x16xi32, #tpu.memory_space<vmem>> -> memref<16xi32, #tpu.memory_space<vmem>>
    %dma_wait3A_714 = arith.constant 0 : i32
    %dma_wait3A_715 = arith.constant 0 : i32
    %dma_wait3A_716 = tpu.memref_slice %arg2[%dma_wait3A_714, %dma_wait3A_715] : memref<1024x128xf32, #tpu.memory_space<hbm>> -> memref<1024x128xf32, #tpu.memory_space<hbm>>
    tpu.wait_indirect_dma semaphore(%arg7 : memref<!tpu.dma_semaphore, #tpu.memory_space<semaphore_mem>>) src(%dma_wait3A_716 : memref<1024x128xf32, #tpu.memory_space<hbm>>) dst(%dma_wait3A_710 : memref<16x128xf32, #tpu.memory_space<vmem>>)
    %dma_wait3A_717 = arith.constant 25 : i32
    %dma_wait3A_718 = arith.constant 25 : i32
    %dma_wait3A_719 = arith.constant 0 : i32
    %dma_wait3A_720 = arith.constant 0 : i32
    %dma_wait3A_721 = tpu.memref_slice %arg6[%dma_wait3A_718, %dma_wait3A_719, %dma_wait3A_720] : memref<32x16x128xf32, #tpu.memory_space<vmem>> -> memref<1x16x128xf32, #tpu.memory_space<vmem>>
    %dma_wait3A_722 = tpu.memref_squeeze %dma_wait3A_721 : memref<1x16x128xf32, #tpu.memory_space<vmem>> -> memref<16x128xf32, #tpu.memory_space<vmem>>
    %dma_wait3A_723 = arith.constant 0 : i32
    %dma_wait3A_724 = tpu.memref_slice %arg5[%dma_wait3A_717, %dma_wait3A_723] : memref<32x16xi32, #tpu.memory_space<vmem>> -> memref<1x16xi32, #tpu.memory_space<vmem>>
    %dma_wait3A_725 = tpu.memref_squeeze %dma_wait3A_724 : memref<1x16xi32, #tpu.memory_space<vmem>> -> memref<16xi32, #tpu.memory_space<vmem>>
    %dma_wait3A_726 = arith.constant 0 : i32
    %dma_wait3A_727 = arith.constant 0 : i32
    %dma_wait3A_728 = tpu.memref_slice %arg2[%dma_wait3A_726, %dma_wait3A_727] : memref<1024x128xf32, #tpu.memory_space<hbm>> -> memref<1024x128xf32, #tpu.memory_space<hbm>>
    tpu.wait_indirect_dma semaphore(%arg7 : memref<!tpu.dma_semaphore, #tpu.memory_space<semaphore_mem>>) src(%dma_wait3A_728 : memref<1024x128xf32, #tpu.memory_space<hbm>>) dst(%dma_wait3A_722 : memref<16x128xf32, #tpu.memory_space<vmem>>)
    %dma_wait3A_729 = arith.constant 26 : i32
    %dma_wait3A_730 = arith.constant 26 : i32
    %dma_wait3A_731 = arith.constant 0 : i32
    %dma_wait3A_732 = arith.constant 0 : i32
    %dma_wait3A_733 = tpu.memref_slice %arg6[%dma_wait3A_730, %dma_wait3A_731, %dma_wait3A_732] : memref<32x16x128xf32, #tpu.memory_space<vmem>> -> memref<1x16x128xf32, #tpu.memory_space<vmem>>
    %dma_wait3A_734 = tpu.memref_squeeze %dma_wait3A_733 : memref<1x16x128xf32, #tpu.memory_space<vmem>> -> memref<16x128xf32, #tpu.memory_space<vmem>>
    %dma_wait3A_735 = arith.constant 0 : i32
    %dma_wait3A_736 = tpu.memref_slice %arg5[%dma_wait3A_729, %dma_wait3A_735] : memref<32x16xi32, #tpu.memory_space<vmem>> -> memref<1x16xi32, #tpu.memory_space<vmem>>
    %dma_wait3A_737 = tpu.memref_squeeze %dma_wait3A_736 : memref<1x16xi32, #tpu.memory_space<vmem>> -> memref<16xi32, #tpu.memory_space<vmem>>
    %dma_wait3A_738 = arith.constant 0 : i32
    %dma_wait3A_739 = arith.constant 0 : i32
    %dma_wait3A_740 = tpu.memref_slice %arg2[%dma_wait3A_738, %dma_wait3A_739] : memref<1024x128xf32, #tpu.memory_space<hbm>> -> memref<1024x128xf32, #tpu.memory_space<hbm>>
    tpu.wait_indirect_dma semaphore(%arg7 : memref<!tpu.dma_semaphore, #tpu.memory_space<semaphore_mem>>) src(%dma_wait3A_740 : memref<1024x128xf32, #tpu.memory_space<hbm>>) dst(%dma_wait3A_734 : memref<16x128xf32, #tpu.memory_space<vmem>>)
    %dma_wait3A_741 = arith.constant 27 : i32
    %dma_wait3A_742 = arith.constant 27 : i32
    %dma_wait3A_743 = arith.constant 0 : i32
    %dma_wait3A_744 = arith.constant 0 : i32
    %dma_wait3A_745 = tpu.memref_slice %arg6[%dma_wait3A_742, %dma_wait3A_743, %dma_wait3A_744] : memref<32x16x128xf32, #tpu.memory_space<vmem>> -> memref<1x16x128xf32, #tpu.memory_space<vmem>>
    %dma_wait3A_746 = tpu.memref_squeeze %dma_wait3A_745 : memref<1x16x128xf32, #tpu.memory_space<vmem>> -> memref<16x128xf32, #tpu.memory_space<vmem>>
    %dma_wait3A_747 = arith.constant 0 : i32
    %dma_wait3A_748 = tpu.memref_slice %arg5[%dma_wait3A_741, %dma_wait3A_747] : memref<32x16xi32, #tpu.memory_space<vmem>> -> memref<1x16xi32, #tpu.memory_space<vmem>>
    %dma_wait3A_749 = tpu.memref_squeeze %dma_wait3A_748 : memref<1x16xi32, #tpu.memory_space<vmem>> -> memref<16xi32, #tpu.memory_space<vmem>>
    %dma_wait3A_750 = arith.constant 0 : i32
    %dma_wait3A_751 = arith.constant 0 : i32
    %dma_wait3A_752 = tpu.memref_slice %arg2[%dma_wait3A_750, %dma_wait3A_751] : memref<1024x128xf32, #tpu.memory_space<hbm>> -> memref<1024x128xf32, #tpu.memory_space<hbm>>
    tpu.wait_indirect_dma semaphore(%arg7 : memref<!tpu.dma_semaphore, #tpu.memory_space<semaphore_mem>>) src(%dma_wait3A_752 : memref<1024x128xf32, #tpu.memory_space<hbm>>) dst(%dma_wait3A_746 : memref<16x128xf32, #tpu.memory_space<vmem>>)
    %dma_wait3A_753 = arith.constant 28 : i32
    %dma_wait3A_754 = arith.constant 28 : i32
    %dma_wait3A_755 = arith.constant 0 : i32
    %dma_wait3A_756 = arith.constant 0 : i32
    %dma_wait3A_757 = tpu.memref_slice %arg6[%dma_wait3A_754, %dma_wait3A_755, %dma_wait3A_756] : memref<32x16x128xf32, #tpu.memory_space<vmem>> -> memref<1x16x128xf32, #tpu.memory_space<vmem>>
    %dma_wait3A_758 = tpu.memref_squeeze %dma_wait3A_757 : memref<1x16x128xf32, #tpu.memory_space<vmem>> -> memref<16x128xf32, #tpu.memory_space<vmem>>
    %dma_wait3A_759 = arith.constant 0 : i32
    %dma_wait3A_760 = tpu.memref_slice %arg5[%dma_wait3A_753, %dma_wait3A_759] : memref<32x16xi32, #tpu.memory_space<vmem>> -> memref<1x16xi32, #tpu.memory_space<vmem>>
    %dma_wait3A_761 = tpu.memref_squeeze %dma_wait3A_760 : memref<1x16xi32, #tpu.memory_space<vmem>> -> memref<16xi32, #tpu.memory_space<vmem>>
    %dma_wait3A_762 = arith.constant 0 : i32
    %dma_wait3A_763 = arith.constant 0 : i32
    %dma_wait3A_764 = tpu.memref_slice %arg2[%dma_wait3A_762, %dma_wait3A_763] : memref<1024x128xf32, #tpu.memory_space<hbm>> -> memref<1024x128xf32, #tpu.memory_space<hbm>>
    tpu.wait_indirect_dma semaphore(%arg7 : memref<!tpu.dma_semaphore, #tpu.memory_space<semaphore_mem>>) src(%dma_wait3A_764 : memref<1024x128xf32, #tpu.memory_space<hbm>>) dst(%dma_wait3A_758 : memref<16x128xf32, #tpu.memory_space<vmem>>)
    %dma_wait3A_765 = arith.constant 29 : i32
    %dma_wait3A_766 = arith.constant 29 : i32
    %dma_wait3A_767 = arith.constant 0 : i32
    %dma_wait3A_768 = arith.constant 0 : i32
    %dma_wait3A_769 = tpu.memref_slice %arg6[%dma_wait3A_766, %dma_wait3A_767, %dma_wait3A_768] : memref<32x16x128xf32, #tpu.memory_space<vmem>> -> memref<1x16x128xf32, #tpu.memory_space<vmem>>
    %dma_wait3A_770 = tpu.memref_squeeze %dma_wait3A_769 : memref<1x16x128xf32, #tpu.memory_space<vmem>> -> memref<16x128xf32, #tpu.memory_space<vmem>>
    %dma_wait3A_771 = arith.constant 0 : i32
    %dma_wait3A_772 = tpu.memref_slice %arg5[%dma_wait3A_765, %dma_wait3A_771] : memref<32x16xi32, #tpu.memory_space<vmem>> -> memref<1x16xi32, #tpu.memory_space<vmem>>
    %dma_wait3A_773 = tpu.memref_squeeze %dma_wait3A_772 : memref<1x16xi32, #tpu.memory_space<vmem>> -> memref<16xi32, #tpu.memory_space<vmem>>
    %dma_wait3A_774 = arith.constant 0 : i32
    %dma_wait3A_775 = arith.constant 0 : i32
    %dma_wait3A_776 = tpu.memref_slice %arg2[%dma_wait3A_774, %dma_wait3A_775] : memref<1024x128xf32, #tpu.memory_space<hbm>> -> memref<1024x128xf32, #tpu.memory_space<hbm>>
    tpu.wait_indirect_dma semaphore(%arg7 : memref<!tpu.dma_semaphore, #tpu.memory_space<semaphore_mem>>) src(%dma_wait3A_776 : memref<1024x128xf32, #tpu.memory_space<hbm>>) dst(%dma_wait3A_770 : memref<16x128xf32, #tpu.memory_space<vmem>>)
    %dma_wait3A_777 = arith.constant 30 : i32
    %dma_wait3A_778 = arith.constant 30 : i32
    %dma_wait3A_779 = arith.constant 0 : i32
    %dma_wait3A_780 = arith.constant 0 : i32
    %dma_wait3A_781 = tpu.memref_slice %arg6[%dma_wait3A_778, %dma_wait3A_779, %dma_wait3A_780] : memref<32x16x128xf32, #tpu.memory_space<vmem>> -> memref<1x16x128xf32, #tpu.memory_space<vmem>>
    %dma_wait3A_782 = tpu.memref_squeeze %dma_wait3A_781 : memref<1x16x128xf32, #tpu.memory_space<vmem>> -> memref<16x128xf32, #tpu.memory_space<vmem>>
    %dma_wait3A_783 = arith.constant 0 : i32
    %dma_wait3A_784 = tpu.memref_slice %arg5[%dma_wait3A_777, %dma_wait3A_783] : memref<32x16xi32, #tpu.memory_space<vmem>> -> memref<1x16xi32, #tpu.memory_space<vmem>>
    %dma_wait3A_785 = tpu.memref_squeeze %dma_wait3A_784 : memref<1x16xi32, #tpu.memory_space<vmem>> -> memref<16xi32, #tpu.memory_space<vmem>>
    %dma_wait3A_786 = arith.constant 0 : i32
    %dma_wait3A_787 = arith.constant 0 : i32
    %dma_wait3A_788 = tpu.memref_slice %arg2[%dma_wait3A_786, %dma_wait3A_787] : memref<1024x128xf32, #tpu.memory_space<hbm>> -> memref<1024x128xf32, #tpu.memory_space<hbm>>
    tpu.wait_indirect_dma semaphore(%arg7 : memref<!tpu.dma_semaphore, #tpu.memory_space<semaphore_mem>>) src(%dma_wait3A_788 : memref<1024x128xf32, #tpu.memory_space<hbm>>) dst(%dma_wait3A_782 : memref<16x128xf32, #tpu.memory_space<vmem>>)
    %dma_wait3A_789 = arith.constant 31 : i32
    %dma_wait3A_790 = arith.constant 31 : i32
    %dma_wait3A_791 = arith.constant 0 : i32
    %dma_wait3A_792 = arith.constant 0 : i32
    %dma_wait3A_793 = tpu.memref_slice %arg6[%dma_wait3A_790, %dma_wait3A_791, %dma_wait3A_792] : memref<32x16x128xf32, #tpu.memory_space<vmem>> -> memref<1x16x128xf32, #tpu.memory_space<vmem>>
    %dma_wait3A_794 = tpu.memref_squeeze %dma_wait3A_793 : memref<1x16x128xf32, #tpu.memory_space<vmem>> -> memref<16x128xf32, #tpu.memory_space<vmem>>
    %dma_wait3A_795 = arith.constant 0 : i32
    %dma_wait3A_796 = tpu.memref_slice %arg5[%dma_wait3A_789, %dma_wait3A_795] : memref<32x16xi32, #tpu.memory_space<vmem>> -> memref<1x16xi32, #tpu.memory_space<vmem>>
    %dma_wait3A_797 = tpu.memref_squeeze %dma_wait3A_796 : memref<1x16xi32, #tpu.memory_space<vmem>> -> memref<16xi32, #tpu.memory_space<vmem>>
    %dma_wait3A_798 = arith.constant 0 : i32
    %dma_wait3A_799 = arith.constant 0 : i32
    %dma_wait3A_800 = tpu.memref_slice %arg2[%dma_wait3A_798, %dma_wait3A_799] : memref<1024x128xf32, #tpu.memory_space<hbm>> -> memref<1024x128xf32, #tpu.memory_space<hbm>>
    tpu.wait_indirect_dma semaphore(%arg7 : memref<!tpu.dma_semaphore, #tpu.memory_space<semaphore_mem>>) src(%dma_wait3A_800 : memref<1024x128xf32, #tpu.memory_space<hbm>>) dst(%dma_wait3A_794 : memref<16x128xf32, #tpu.memory_space<vmem>>)
    %dma_start3A_801 = arith.constant 0 : i32
    %dma_start3A_802 = arith.constant 0 : i32
    %dma_start3A_803 = arith.constant 1 : i32
    %dma_start3A_804 = arith.constant 0 : i32
    %dma_start3A_805 = tpu.memref_slice %arg6[%dma_start3A_802, %dma_start3A_803, %dma_start3A_804] : memref<32x16x128xf32, #tpu.memory_space<vmem>> -> memref<32x15x128xf32, #tpu.memory_space<vmem>>
    %dma_start3A_806 = arith.constant 0 : i32
    %dma_start3A_807 = arith.constant 0 : i32
    %dma_start3A_808 = tpu.memref_slice %arg4[%select_n3A, %mul3A_34, %dma_start3A_801, %dma_start3A_806, %dma_start3A_807] : memref<2x512x16x16x128xf32, #tpu.memory_space<hbm>> -> memref<1x32x1x15x128xf32, #tpu.memory_space<hbm>>
    %dma_start3A_809 = tpu.memref_squeeze %dma_start3A_808 : memref<1x32x1x15x128xf32, #tpu.memory_space<hbm>> -> memref<32x15x128xf32, #tpu.memory_space<hbm>>
    %dma_start3A_810 = arith.constant 0 : i32
    %dma_start3A_811 = arith.constant 0 : i32
    %dma_start3A_812 = tpu.memref_slice %arg4[%select_n3A, %mul3A_34, %dma_start3A_801, %dma_start3A_810, %dma_start3A_811] : memref<2x512x16x16x128xf32, #tpu.memory_space<hbm>> -> memref<1x32x1x15x128xf32, #tpu.memory_space<hbm>>
    %dma_start3A_813 = tpu.memref_squeeze %dma_start3A_812 : memref<1x32x1x15x128xf32, #tpu.memory_space<hbm>> -> memref<32x15x128xf32, #tpu.memory_space<hbm>>
    %dma_start3A_814 = arith.constant 0 : i32
    %dma_start3A_815 = arith.constant 1 : i32
    %dma_start3A_816 = arith.constant 0 : i32
    %dma_start3A_817 = tpu.memref_slice %arg6[%dma_start3A_814, %dma_start3A_815, %dma_start3A_816] : memref<32x16x128xf32, #tpu.memory_space<vmem>> -> memref<32x15x128xf32, #tpu.memory_space<vmem>>
    tpu.enqueue_dma source(%dma_start3A_817 : memref<32x15x128xf32, #tpu.memory_space<vmem>>) target(%dma_start3A_813 : memref<32x15x128xf32, #tpu.memory_space<hbm>>) target_semaphore(%arg8 : memref<!tpu.dma_semaphore, #tpu.memory_space<semaphore_mem>>)
    %dma_start3A_818 = arith.constant 1 : i32
    %dma_start3A_819 = arith.constant 0 : i32
    %dma_start3A_820 = arith.constant 0 : i32
    %dma_start3A_821 = arith.constant 0 : i32
    %dma_start3A_822 = tpu.memref_slice %arg6[%dma_start3A_819, %dma_start3A_820, %dma_start3A_821] : memref<32x16x128xf32, #tpu.memory_space<vmem>> -> memref<32x1x128xf32, #tpu.memory_space<vmem>>
    %dma_start3A_823 = arith.constant 0 : i32
    %dma_start3A_824 = arith.constant 0 : i32
    %dma_start3A_825 = tpu.memref_slice %arg4[%select_n3A, %mul3A_34, %dma_start3A_818, %dma_start3A_823, %dma_start3A_824] : memref<2x512x16x16x128xf32, #tpu.memory_space<hbm>> -> memref<1x32x1x1x128xf32, #tpu.memory_space<hbm>>
    %dma_start3A_826 = tpu.memref_squeeze %dma_start3A_825 : memref<1x32x1x1x128xf32, #tpu.memory_space<hbm>> -> memref<32x1x128xf32, #tpu.memory_space<hbm>>
    %dma_start3A_827 = arith.constant 0 : i32
    %dma_start3A_828 = arith.constant 0 : i32
    %dma_start3A_829 = tpu.memref_slice %arg4[%select_n3A, %mul3A_34, %dma_start3A_818, %dma_start3A_827, %dma_start3A_828] : memref<2x512x16x16x128xf32, #tpu.memory_space<hbm>> -> memref<1x32x1x1x128xf32, #tpu.memory_space<hbm>>
    %dma_start3A_830 = tpu.memref_squeeze %dma_start3A_829 : memref<1x32x1x1x128xf32, #tpu.memory_space<hbm>> -> memref<32x1x128xf32, #tpu.memory_space<hbm>>
    %dma_start3A_831 = arith.constant 0 : i32
    %dma_start3A_832 = arith.constant 0 : i32
    %dma_start3A_833 = arith.constant 0 : i32
    %dma_start3A_834 = tpu.memref_slice %arg6[%dma_start3A_831, %dma_start3A_832, %dma_start3A_833] : memref<32x16x128xf32, #tpu.memory_space<vmem>> -> memref<32x1x128xf32, #tpu.memory_space<vmem>>
    tpu.enqueue_dma source(%dma_start3A_834 : memref<32x1x128xf32, #tpu.memory_space<vmem>>) target(%dma_start3A_830 : memref<32x1x128xf32, #tpu.memory_space<hbm>>) target_semaphore(%arg8 : memref<!tpu.dma_semaphore, #tpu.memory_space<semaphore_mem>>)
    %dma_start3A_835 = arith.constant 1 : i32
    %dma_start3A_836 = arith.constant 0 : i32
    %dma_start3A_837 = arith.constant 2 : i32
    %dma_start3A_838 = arith.constant 0 : i32
    %dma_start3A_839 = tpu.memref_slice %arg6[%dma_start3A_836, %dma_start3A_837, %dma_start3A_838] : memref<32x16x128xf32, #tpu.memory_space<vmem>> -> memref<32x14x128xf32, #tpu.memory_space<vmem>>
    %dma_start3A_840 = arith.constant 1 : i32
    %dma_start3A_841 = arith.constant 0 : i32
    %dma_start3A_842 = tpu.memref_slice %arg4[%select_n3A, %mul3A_34, %dma_start3A_835, %dma_start3A_840, %dma_start3A_841] : memref<2x512x16x16x128xf32, #tpu.memory_space<hbm>> -> memref<1x32x1x14x128xf32, #tpu.memory_space<hbm>>
    %dma_start3A_843 = tpu.memref_squeeze %dma_start3A_842 : memref<1x32x1x14x128xf32, #tpu.memory_space<hbm>> -> memref<32x14x128xf32, #tpu.memory_space<hbm>>
    %dma_start3A_844 = arith.constant 1 : i32
    %dma_start3A_845 = arith.constant 0 : i32
    %dma_start3A_846 = tpu.memref_slice %arg4[%select_n3A, %mul3A_34, %dma_start3A_835, %dma_start3A_844, %dma_start3A_845] : memref<2x512x16x16x128xf32, #tpu.memory_space<hbm>> -> memref<1x32x1x14x128xf32, #tpu.memory_space<hbm>>
    %dma_start3A_847 = tpu.memref_squeeze %dma_start3A_846 : memref<1x32x1x14x128xf32, #tpu.memory_space<hbm>> -> memref<32x14x128xf32, #tpu.memory_space<hbm>>
    %dma_start3A_848 = arith.constant 0 : i32
    %dma_start3A_849 = arith.constant 2 : i32
    %dma_start3A_850 = arith.constant 0 : i32
    %dma_start3A_851 = tpu.memref_slice %arg6[%dma_start3A_848, %dma_start3A_849, %dma_start3A_850] : memref<32x16x128xf32, #tpu.memory_space<vmem>> -> memref<32x14x128xf32, #tpu.memory_space<vmem>>
    tpu.enqueue_dma source(%dma_start3A_851 : memref<32x14x128xf32, #tpu.memory_space<vmem>>) target(%dma_start3A_847 : memref<32x14x128xf32, #tpu.memory_space<hbm>>) target_semaphore(%arg8 : memref<!tpu.dma_semaphore, #tpu.memory_space<semaphore_mem>>)
    %dma_start3A_852 = arith.constant 2 : i32
    %dma_start3A_853 = arith.constant 0 : i32
    %dma_start3A_854 = arith.constant 0 : i32
    %dma_start3A_855 = arith.constant 0 : i32
    %dma_start3A_856 = tpu.memref_slice %arg6[%dma_start3A_853, %dma_start3A_854, %dma_start3A_855] : memref<32x16x128xf32, #tpu.memory_space<vmem>> -> memref<32x2x128xf32, #tpu.memory_space<vmem>>
    %dma_start3A_857 = arith.constant 0 : i32
    %dma_start3A_858 = arith.constant 0 : i32
    %dma_start3A_859 = tpu.memref_slice %arg4[%select_n3A, %mul3A_34, %dma_start3A_852, %dma_start3A_857, %dma_start3A_858] : memref<2x512x16x16x128xf32, #tpu.memory_space<hbm>> -> memref<1x32x1x2x128xf32, #tpu.memory_space<hbm>>
    %dma_start3A_860 = tpu.memref_squeeze %dma_start3A_859 : memref<1x32x1x2x128xf32, #tpu.memory_space<hbm>> -> memref<32x2x128xf32, #tpu.memory_space<hbm>>
    %dma_start3A_861 = arith.constant 0 : i32
    %dma_start3A_862 = arith.constant 0 : i32
    %dma_start3A_863 = tpu.memref_slice %arg4[%select_n3A, %mul3A_34, %dma_start3A_852, %dma_start3A_861, %dma_start3A_862] : memref<2x512x16x16x128xf32, #tpu.memory_space<hbm>> -> memref<1x32x1x2x128xf32, #tpu.memory_space<hbm>>
    %dma_start3A_864 = tpu.memref_squeeze %dma_start3A_863 : memref<1x32x1x2x128xf32, #tpu.memory_space<hbm>> -> memref<32x2x128xf32, #tpu.memory_space<hbm>>
    %dma_start3A_865 = arith.constant 0 : i32
    %dma_start3A_866 = arith.constant 0 : i32
    %dma_start3A_867 = arith.constant 0 : i32
    %dma_start3A_868 = tpu.memref_slice %arg6[%dma_start3A_865, %dma_start3A_866, %dma_start3A_867] : memref<32x16x128xf32, #tpu.memory_space<vmem>> -> memref<32x2x128xf32, #tpu.memory_space<vmem>>
    tpu.enqueue_dma source(%dma_start3A_868 : memref<32x2x128xf32, #tpu.memory_space<vmem>>) target(%dma_start3A_864 : memref<32x2x128xf32, #tpu.memory_space<hbm>>) target_semaphore(%arg8 : memref<!tpu.dma_semaphore, #tpu.memory_space<semaphore_mem>>)
    %dma_start3A_869 = arith.constant 2 : i32
    %dma_start3A_870 = arith.constant 0 : i32
    %dma_start3A_871 = arith.constant 3 : i32
    %dma_start3A_872 = arith.constant 0 : i32
    %dma_start3A_873 = tpu.memref_slice %arg6[%dma_start3A_870, %dma_start3A_871, %dma_start3A_872] : memref<32x16x128xf32, #tpu.memory_space<vmem>> -> memref<32x13x128xf32, #tpu.memory_space<vmem>>
    %dma_start3A_874 = arith.constant 2 : i32
    %dma_start3A_875 = arith.constant 0 : i32
    %dma_start3A_876 = tpu.memref_slice %arg4[%select_n3A, %mul3A_34, %dma_start3A_869, %dma_start3A_874, %dma_start3A_875] : memref<2x512x16x16x128xf32, #tpu.memory_space<hbm>> -> memref<1x32x1x13x128xf32, #tpu.memory_space<hbm>>
    %dma_start3A_877 = tpu.memref_squeeze %dma_start3A_876 : memref<1x32x1x13x128xf32, #tpu.memory_space<hbm>> -> memref<32x13x128xf32, #tpu.memory_space<hbm>>
    %dma_start3A_878 = arith.constant 2 : i32
    %dma_start3A_879 = arith.constant 0 : i32
    %dma_start3A_880 = tpu.memref_slice %arg4[%select_n3A, %mul3A_34, %dma_start3A_869, %dma_start3A_878, %dma_start3A_879] : memref<2x512x16x16x128xf32, #tpu.memory_space<hbm>> -> memref<1x32x1x13x128xf32, #tpu.memory_space<hbm>>
    %dma_start3A_881 = tpu.memref_squeeze %dma_start3A_880 : memref<1x32x1x13x128xf32, #tpu.memory_space<hbm>> -> memref<32x13x128xf32, #tpu.memory_space<hbm>>
    %dma_start3A_882 = arith.constant 0 : i32
    %dma_start3A_883 = arith.constant 3 : i32
    %dma_start3A_884 = arith.constant 0 : i32
    %dma_start3A_885 = tpu.memref_slice %arg6[%dma_start3A_882, %dma_start3A_883, %dma_start3A_884] : memref<32x16x128xf32, #tpu.memory_space<vmem>> -> memref<32x13x128xf32, #tpu.memory_space<vmem>>
    tpu.enqueue_dma source(%dma_start3A_885 : memref<32x13x128xf32, #tpu.memory_space<vmem>>) target(%dma_start3A_881 : memref<32x13x128xf32, #tpu.memory_space<hbm>>) target_semaphore(%arg8 : memref<!tpu.dma_semaphore, #tpu.memory_space<semaphore_mem>>)
    %dma_start3A_886 = arith.constant 3 : i32
    %dma_start3A_887 = arith.constant 0 : i32
    %dma_start3A_888 = arith.constant 0 : i32
    %dma_start3A_889 = arith.constant 0 : i32
    %dma_start3A_890 = tpu.memref_slice %arg6[%dma_start3A_887, %dma_start3A_888, %dma_start3A_889] : memref<32x16x128xf32, #tpu.memory_space<vmem>> -> memref<32x3x128xf32, #tpu.memory_space<vmem>>
    %dma_start3A_891 = arith.constant 0 : i32
    %dma_start3A_892 = arith.constant 0 : i32
    %dma_start3A_893 = tpu.memref_slice %arg4[%select_n3A, %mul3A_34, %dma_start3A_886, %dma_start3A_891, %dma_start3A_892] : memref<2x512x16x16x128xf32, #tpu.memory_space<hbm>> -> memref<1x32x1x3x128xf32, #tpu.memory_space<hbm>>
    %dma_start3A_894 = tpu.memref_squeeze %dma_start3A_893 : memref<1x32x1x3x128xf32, #tpu.memory_space<hbm>> -> memref<32x3x128xf32, #tpu.memory_space<hbm>>
    %dma_start3A_895 = arith.constant 0 : i32
    %dma_start3A_896 = arith.constant 0 : i32
    %dma_start3A_897 = tpu.memref_slice %arg4[%select_n3A, %mul3A_34, %dma_start3A_886, %dma_start3A_895, %dma_start3A_896] : memref<2x512x16x16x128xf32, #tpu.memory_space<hbm>> -> memref<1x32x1x3x128xf32, #tpu.memory_space<hbm>>
    %dma_start3A_898 = tpu.memref_squeeze %dma_start3A_897 : memref<1x32x1x3x128xf32, #tpu.memory_space<hbm>> -> memref<32x3x128xf32, #tpu.memory_space<hbm>>
    %dma_start3A_899 = arith.constant 0 : i32
    %dma_start3A_900 = arith.constant 0 : i32
    %dma_start3A_901 = arith.constant 0 : i32
    %dma_start3A_902 = tpu.memref_slice %arg6[%dma_start3A_899, %dma_start3A_900, %dma_start3A_901] : memref<32x16x128xf32, #tpu.memory_space<vmem>> -> memref<32x3x128xf32, #tpu.memory_space<vmem>>
    tpu.enqueue_dma source(%dma_start3A_902 : memref<32x3x128xf32, #tpu.memory_space<vmem>>) target(%dma_start3A_898 : memref<32x3x128xf32, #tpu.memory_space<hbm>>) target_semaphore(%arg8 : memref<!tpu.dma_semaphore, #tpu.memory_space<semaphore_mem>>)
    %dma_start3A_903 = arith.constant 3 : i32
    %dma_start3A_904 = arith.constant 0 : i32
    %dma_start3A_905 = arith.constant 4 : i32
    %dma_start3A_906 = arith.constant 0 : i32
    %dma_start3A_907 = tpu.memref_slice %arg6[%dma_start3A_904, %dma_start3A_905, %dma_start3A_906] : memref<32x16x128xf32, #tpu.memory_space<vmem>> -> memref<32x12x128xf32, #tpu.memory_space<vmem>>
    %dma_start3A_908 = arith.constant 3 : i32
    %dma_start3A_909 = arith.constant 0 : i32
    %dma_start3A_910 = tpu.memref_slice %arg4[%select_n3A, %mul3A_34, %dma_start3A_903, %dma_start3A_908, %dma_start3A_909] : memref<2x512x16x16x128xf32, #tpu.memory_space<hbm>> -> memref<1x32x1x12x128xf32, #tpu.memory_space<hbm>>
    %dma_start3A_911 = tpu.memref_squeeze %dma_start3A_910 : memref<1x32x1x12x128xf32, #tpu.memory_space<hbm>> -> memref<32x12x128xf32, #tpu.memory_space<hbm>>
    %dma_start3A_912 = arith.constant 3 : i32
    %dma_start3A_913 = arith.constant 0 : i32
    %dma_start3A_914 = tpu.memref_slice %arg4[%select_n3A, %mul3A_34, %dma_start3A_903, %dma_start3A_912, %dma_start3A_913] : memref<2x512x16x16x128xf32, #tpu.memory_space<hbm>> -> memref<1x32x1x12x128xf32, #tpu.memory_space<hbm>>
    %dma_start3A_915 = tpu.memref_squeeze %dma_start3A_914 : memref<1x32x1x12x128xf32, #tpu.memory_space<hbm>> -> memref<32x12x128xf32, #tpu.memory_space<hbm>>
    %dma_start3A_916 = arith.constant 0 : i32
    %dma_start3A_917 = arith.constant 4 : i32
    %dma_start3A_918 = arith.constant 0 : i32
    %dma_start3A_919 = tpu.memref_slice %arg6[%dma_start3A_916, %dma_start3A_917, %dma_start3A_918] : memref<32x16x128xf32, #tpu.memory_space<vmem>> -> memref<32x12x128xf32, #tpu.memory_space<vmem>>
    tpu.enqueue_dma source(%dma_start3A_919 : memref<32x12x128xf32, #tpu.memory_space<vmem>>) target(%dma_start3A_915 : memref<32x12x128xf32, #tpu.memory_space<hbm>>) target_semaphore(%arg8 : memref<!tpu.dma_semaphore, #tpu.memory_space<semaphore_mem>>)
    %dma_start3A_920 = arith.constant 4 : i32
    %dma_start3A_921 = arith.constant 0 : i32
    %dma_start3A_922 = arith.constant 0 : i32
    %dma_start3A_923 = arith.constant 0 : i32
    %dma_start3A_924 = tpu.memref_slice %arg6[%dma_start3A_921, %dma_start3A_922, %dma_start3A_923] : memref<32x16x128xf32, #tpu.memory_space<vmem>> -> memref<32x4x128xf32, #tpu.memory_space<vmem>>
    %dma_start3A_925 = arith.constant 0 : i32
    %dma_start3A_926 = arith.constant 0 : i32
    %dma_start3A_927 = tpu.memref_slice %arg4[%select_n3A, %mul3A_34, %dma_start3A_920, %dma_start3A_925, %dma_start3A_926] : memref<2x512x16x16x128xf32, #tpu.memory_space<hbm>> -> memref<1x32x1x4x128xf32, #tpu.memory_space<hbm>>
    %dma_start3A_928 = tpu.memref_squeeze %dma_start3A_927 : memref<1x32x1x4x128xf32, #tpu.memory_space<hbm>> -> memref<32x4x128xf32, #tpu.memory_space<hbm>>
    %dma_start3A_929 = arith.constant 0 : i32
    %dma_start3A_930 = arith.constant 0 : i32
    %dma_start3A_931 = tpu.memref_slice %arg4[%select_n3A, %mul3A_34, %dma_start3A_920, %dma_start3A_929, %dma_start3A_930] : memref<2x512x16x16x128xf32, #tpu.memory_space<hbm>> -> memref<1x32x1x4x128xf32, #tpu.memory_space<hbm>>
    %dma_start3A_932 = tpu.memref_squeeze %dma_start3A_931 : memref<1x32x1x4x128xf32, #tpu.memory_space<hbm>> -> memref<32x4x128xf32, #tpu.memory_space<hbm>>
    %dma_start3A_933 = arith.constant 0 : i32
    %dma_start3A_934 = arith.constant 0 : i32
    %dma_start3A_935 = arith.constant 0 : i32
    %dma_start3A_936 = tpu.memref_slice %arg6[%dma_start3A_933, %dma_start3A_934, %dma_start3A_935] : memref<32x16x128xf32, #tpu.memory_space<vmem>> -> memref<32x4x128xf32, #tpu.memory_space<vmem>>
    tpu.enqueue_dma source(%dma_start3A_936 : memref<32x4x128xf32, #tpu.memory_space<vmem>>) target(%dma_start3A_932 : memref<32x4x128xf32, #tpu.memory_space<hbm>>) target_semaphore(%arg8 : memref<!tpu.dma_semaphore, #tpu.memory_space<semaphore_mem>>)
    %dma_start3A_937 = arith.constant 4 : i32
    %dma_start3A_938 = arith.constant 0 : i32
    %dma_start3A_939 = arith.constant 5 : i32
    %dma_start3A_940 = arith.constant 0 : i32
    %dma_start3A_941 = tpu.memref_slice %arg6[%dma_start3A_938, %dma_start3A_939, %dma_start3A_940] : memref<32x16x128xf32, #tpu.memory_space<vmem>> -> memref<32x11x128xf32, #tpu.memory_space<vmem>>
    %dma_start3A_942 = arith.constant 4 : i32
    %dma_start3A_943 = arith.constant 0 : i32
    %dma_start3A_944 = tpu.memref_slice %arg4[%select_n3A, %mul3A_34, %dma_start3A_937, %dma_start3A_942, %dma_start3A_943] : memref<2x512x16x16x128xf32, #tpu.memory_space<hbm>> -> memref<1x32x1x11x128xf32, #tpu.memory_space<hbm>>
    %dma_start3A_945 = tpu.memref_squeeze %dma_start3A_944 : memref<1x32x1x11x128xf32, #tpu.memory_space<hbm>> -> memref<32x11x128xf32, #tpu.memory_space<hbm>>
    %dma_start3A_946 = arith.constant 4 : i32
    %dma_start3A_947 = arith.constant 0 : i32
    %dma_start3A_948 = tpu.memref_slice %arg4[%select_n3A, %mul3A_34, %dma_start3A_937, %dma_start3A_946, %dma_start3A_947] : memref<2x512x16x16x128xf32, #tpu.memory_space<hbm>> -> memref<1x32x1x11x128xf32, #tpu.memory_space<hbm>>
    %dma_start3A_949 = tpu.memref_squeeze %dma_start3A_948 : memref<1x32x1x11x128xf32, #tpu.memory_space<hbm>> -> memref<32x11x128xf32, #tpu.memory_space<hbm>>
    %dma_start3A_950 = arith.constant 0 : i32
    %dma_start3A_951 = arith.constant 5 : i32
    %dma_start3A_952 = arith.constant 0 : i32
    %dma_start3A_953 = tpu.memref_slice %arg6[%dma_start3A_950, %dma_start3A_951, %dma_start3A_952] : memref<32x16x128xf32, #tpu.memory_space<vmem>> -> memref<32x11x128xf32, #tpu.memory_space<vmem>>
    tpu.enqueue_dma source(%dma_start3A_953 : memref<32x11x128xf32, #tpu.memory_space<vmem>>) target(%dma_start3A_949 : memref<32x11x128xf32, #tpu.memory_space<hbm>>) target_semaphore(%arg8 : memref<!tpu.dma_semaphore, #tpu.memory_space<semaphore_mem>>)
    %dma_start3A_954 = arith.constant 5 : i32
    %dma_start3A_955 = arith.constant 0 : i32
    %dma_start3A_956 = arith.constant 0 : i32
    %dma_start3A_957 = arith.constant 0 : i32
    %dma_start3A_958 = tpu.memref_slice %arg6[%dma_start3A_955, %dma_start3A_956, %dma_start3A_957] : memref<32x16x128xf32, #tpu.memory_space<vmem>> -> memref<32x5x128xf32, #tpu.memory_space<vmem>>
    %dma_start3A_959 = arith.constant 0 : i32
    %dma_start3A_960 = arith.constant 0 : i32
    %dma_start3A_961 = tpu.memref_slice %arg4[%select_n3A, %mul3A_34, %dma_start3A_954, %dma_start3A_959, %dma_start3A_960] : memref<2x512x16x16x128xf32, #tpu.memory_space<hbm>> -> memref<1x32x1x5x128xf32, #tpu.memory_space<hbm>>
    %dma_start3A_962 = tpu.memref_squeeze %dma_start3A_961 : memref<1x32x1x5x128xf32, #tpu.memory_space<hbm>> -> memref<32x5x128xf32, #tpu.memory_space<hbm>>
    %dma_start3A_963 = arith.constant 0 : i32
    %dma_start3A_964 = arith.constant 0 : i32
    %dma_start3A_965 = tpu.memref_slice %arg4[%select_n3A, %mul3A_34, %dma_start3A_954, %dma_start3A_963, %dma_start3A_964] : memref<2x512x16x16x128xf32, #tpu.memory_space<hbm>> -> memref<1x32x1x5x128xf32, #tpu.memory_space<hbm>>
    %dma_start3A_966 = tpu.memref_squeeze %dma_start3A_965 : memref<1x32x1x5x128xf32, #tpu.memory_space<hbm>> -> memref<32x5x128xf32, #tpu.memory_space<hbm>>
    %dma_start3A_967 = arith.constant 0 : i32
    %dma_start3A_968 = arith.constant 0 : i32
    %dma_start3A_969 = arith.constant 0 : i32
    %dma_start3A_970 = tpu.memref_slice %arg6[%dma_start3A_967, %dma_start3A_968, %dma_start3A_969] : memref<32x16x128xf32, #tpu.memory_space<vmem>> -> memref<32x5x128xf32, #tpu.memory_space<vmem>>
    tpu.enqueue_dma source(%dma_start3A_970 : memref<32x5x128xf32, #tpu.memory_space<vmem>>) target(%dma_start3A_966 : memref<32x5x128xf32, #tpu.memory_space<hbm>>) target_semaphore(%arg8 : memref<!tpu.dma_semaphore, #tpu.memory_space<semaphore_mem>>)
    %dma_start3A_971 = arith.constant 5 : i32
    %dma_start3A_972 = arith.constant 0 : i32
    %dma_start3A_973 = arith.constant 6 : i32
    %dma_start3A_974 = arith.constant 0 : i32
    %dma_start3A_975 = tpu.memref_slice %arg6[%dma_start3A_972, %dma_start3A_973, %dma_start3A_974] : memref<32x16x128xf32, #tpu.memory_space<vmem>> -> memref<32x10x128xf32, #tpu.memory_space<vmem>>
    %dma_start3A_976 = arith.constant 5 : i32
    %dma_start3A_977 = arith.constant 0 : i32
    %dma_start3A_978 = tpu.memref_slice %arg4[%select_n3A, %mul3A_34, %dma_start3A_971, %dma_start3A_976, %dma_start3A_977] : memref<2x512x16x16x128xf32, #tpu.memory_space<hbm>> -> memref<1x32x1x10x128xf32, #tpu.memory_space<hbm>>
    %dma_start3A_979 = tpu.memref_squeeze %dma_start3A_978 : memref<1x32x1x10x128xf32, #tpu.memory_space<hbm>> -> memref<32x10x128xf32, #tpu.memory_space<hbm>>
    %dma_start3A_980 = arith.constant 5 : i32
    %dma_start3A_981 = arith.constant 0 : i32
    %dma_start3A_982 = tpu.memref_slice %arg4[%select_n3A, %mul3A_34, %dma_start3A_971, %dma_start3A_980, %dma_start3A_981] : memref<2x512x16x16x128xf32, #tpu.memory_space<hbm>> -> memref<1x32x1x10x128xf32, #tpu.memory_space<hbm>>
    %dma_start3A_983 = tpu.memref_squeeze %dma_start3A_982 : memref<1x32x1x10x128xf32, #tpu.memory_space<hbm>> -> memref<32x10x128xf32, #tpu.memory_space<hbm>>
    %dma_start3A_984 = arith.constant 0 : i32
    %dma_start3A_985 = arith.constant 6 : i32
    %dma_start3A_986 = arith.constant 0 : i32
    %dma_start3A_987 = tpu.memref_slice %arg6[%dma_start3A_984, %dma_start3A_985, %dma_start3A_986] : memref<32x16x128xf32, #tpu.memory_space<vmem>> -> memref<32x10x128xf32, #tpu.memory_space<vmem>>
    tpu.enqueue_dma source(%dma_start3A_987 : memref<32x10x128xf32, #tpu.memory_space<vmem>>) target(%dma_start3A_983 : memref<32x10x128xf32, #tpu.memory_space<hbm>>) target_semaphore(%arg8 : memref<!tpu.dma_semaphore, #tpu.memory_space<semaphore_mem>>)
    %dma_start3A_988 = arith.constant 6 : i32
    %dma_start3A_989 = arith.constant 0 : i32
    %dma_start3A_990 = arith.constant 0 : i32
    %dma_start3A_991 = arith.constant 0 : i32
    %dma_start3A_992 = tpu.memref_slice %arg6[%dma_start3A_989, %dma_start3A_990, %dma_start3A_991] : memref<32x16x128xf32, #tpu.memory_space<vmem>> -> memref<32x6x128xf32, #tpu.memory_space<vmem>>
    %dma_start3A_993 = arith.constant 0 : i32
    %dma_start3A_994 = arith.constant 0 : i32
    %dma_start3A_995 = tpu.memref_slice %arg4[%select_n3A, %mul3A_34, %dma_start3A_988, %dma_start3A_993, %dma_start3A_994] : memref<2x512x16x16x128xf32, #tpu.memory_space<hbm>> -> memref<1x32x1x6x128xf32, #tpu.memory_space<hbm>>
    %dma_start3A_996 = tpu.memref_squeeze %dma_start3A_995 : memref<1x32x1x6x128xf32, #tpu.memory_space<hbm>> -> memref<32x6x128xf32, #tpu.memory_space<hbm>>
    %dma_start3A_997 = arith.constant 0 : i32
    %dma_start3A_998 = arith.constant 0 : i32
    %dma_start3A_999 = tpu.memref_slice %arg4[%select_n3A, %mul3A_34, %dma_start3A_988, %dma_start3A_997, %dma_start3A_998] : memref<2x512x16x16x128xf32, #tpu.memory_space<hbm>> -> memref<1x32x1x6x128xf32, #tpu.memory_space<hbm>>
    %dma_start3A_1000 = tpu.memref_squeeze %dma_start3A_999 : memref<1x32x1x6x128xf32, #tpu.memory_space<hbm>> -> memref<32x6x128xf32, #tpu.memory_space<hbm>>
    %dma_start3A_1001 = arith.constant 0 : i32
    %dma_start3A_1002 = arith.constant 0 : i32
    %dma_start3A_1003 = arith.constant 0 : i32
    %dma_start3A_1004 = tpu.memref_slice %arg6[%dma_start3A_1001, %dma_start3A_1002, %dma_start3A_1003] : memref<32x16x128xf32, #tpu.memory_space<vmem>> -> memref<32x6x128xf32, #tpu.memory_space<vmem>>
    tpu.enqueue_dma source(%dma_start3A_1004 : memref<32x6x128xf32, #tpu.memory_space<vmem>>) target(%dma_start3A_1000 : memref<32x6x128xf32, #tpu.memory_space<hbm>>) target_semaphore(%arg8 : memref<!tpu.dma_semaphore, #tpu.memory_space<semaphore_mem>>)
    %dma_start3A_1005 = arith.constant 6 : i32
    %dma_start3A_1006 = arith.constant 0 : i32
    %dma_start3A_1007 = arith.constant 7 : i32
    %dma_start3A_1008 = arith.constant 0 : i32
    %dma_start3A_1009 = tpu.memref_slice %arg6[%dma_start3A_1006, %dma_start3A_1007, %dma_start3A_1008] : memref<32x16x128xf32, #tpu.memory_space<vmem>> -> memref<32x9x128xf32, #tpu.memory_space<vmem>>
    %dma_start3A_1010 = arith.constant 6 : i32
    %dma_start3A_1011 = arith.constant 0 : i32
    %dma_start3A_1012 = tpu.memref_slice %arg4[%select_n3A, %mul3A_34, %dma_start3A_1005, %dma_start3A_1010, %dma_start3A_1011] : memref<2x512x16x16x128xf32, #tpu.memory_space<hbm>> -> memref<1x32x1x9x128xf32, #tpu.memory_space<hbm>>
    %dma_start3A_1013 = tpu.memref_squeeze %dma_start3A_1012 : memref<1x32x1x9x128xf32, #tpu.memory_space<hbm>> -> memref<32x9x128xf32, #tpu.memory_space<hbm>>
    %dma_start3A_1014 = arith.constant 6 : i32
    %dma_start3A_1015 = arith.constant 0 : i32
    %dma_start3A_1016 = tpu.memref_slice %arg4[%select_n3A, %mul3A_34, %dma_start3A_1005, %dma_start3A_1014, %dma_start3A_1015] : memref<2x512x16x16x128xf32, #tpu.memory_space<hbm>> -> memref<1x32x1x9x128xf32, #tpu.memory_space<hbm>>
    %dma_start3A_1017 = tpu.memref_squeeze %dma_start3A_1016 : memref<1x32x1x9x128xf32, #tpu.memory_space<hbm>> -> memref<32x9x128xf32, #tpu.memory_space<hbm>>
    %dma_start3A_1018 = arith.constant 0 : i32
    %dma_start3A_1019 = arith.constant 7 : i32
    %dma_start3A_1020 = arith.constant 0 : i32
    %dma_start3A_1021 = tpu.memref_slice %arg6[%dma_start3A_1018, %dma_start3A_1019, %dma_start3A_1020] : memref<32x16x128xf32, #tpu.memory_space<vmem>> -> memref<32x9x128xf32, #tpu.memory_space<vmem>>
    tpu.enqueue_dma source(%dma_start3A_1021 : memref<32x9x128xf32, #tpu.memory_space<vmem>>) target(%dma_start3A_1017 : memref<32x9x128xf32, #tpu.memory_space<hbm>>) target_semaphore(%arg8 : memref<!tpu.dma_semaphore, #tpu.memory_space<semaphore_mem>>)
    %dma_start3A_1022 = arith.constant 7 : i32
    %dma_start3A_1023 = arith.constant 0 : i32
    %dma_start3A_1024 = arith.constant 0 : i32
    %dma_start3A_1025 = arith.constant 0 : i32
    %dma_start3A_1026 = tpu.memref_slice %arg6[%dma_start3A_1023, %dma_start3A_1024, %dma_start3A_1025] : memref<32x16x128xf32, #tpu.memory_space<vmem>> -> memref<32x7x128xf32, #tpu.memory_space<vmem>>
    %dma_start3A_1027 = arith.constant 0 : i32
    %dma_start3A_1028 = arith.constant 0 : i32
    %dma_start3A_1029 = tpu.memref_slice %arg4[%select_n3A, %mul3A_34, %dma_start3A_1022, %dma_start3A_1027, %dma_start3A_1028] : memref<2x512x16x16x128xf32, #tpu.memory_space<hbm>> -> memref<1x32x1x7x128xf32, #tpu.memory_space<hbm>>
    %dma_start3A_1030 = tpu.memref_squeeze %dma_start3A_1029 : memref<1x32x1x7x128xf32, #tpu.memory_space<hbm>> -> memref<32x7x128xf32, #tpu.memory_space<hbm>>
    %dma_start3A_1031 = arith.constant 0 : i32
    %dma_start3A_1032 = arith.constant 0 : i32
    %dma_start3A_1033 = tpu.memref_slice %arg4[%select_n3A, %mul3A_34, %dma_start3A_1022, %dma_start3A_1031, %dma_start3A_1032] : memref<2x512x16x16x128xf32, #tpu.memory_space<hbm>> -> memref<1x32x1x7x128xf32, #tpu.memory_space<hbm>>
    %dma_start3A_1034 = tpu.memref_squeeze %dma_start3A_1033 : memref<1x32x1x7x128xf32, #tpu.memory_space<hbm>> -> memref<32x7x128xf32, #tpu.memory_space<hbm>>
    %dma_start3A_1035 = arith.constant 0 : i32
    %dma_start3A_1036 = arith.constant 0 : i32
    %dma_start3A_1037 = arith.constant 0 : i32
    %dma_start3A_1038 = tpu.memref_slice %arg6[%dma_start3A_1035, %dma_start3A_1036, %dma_start3A_1037] : memref<32x16x128xf32, #tpu.memory_space<vmem>> -> memref<32x7x128xf32, #tpu.memory_space<vmem>>
    tpu.enqueue_dma source(%dma_start3A_1038 : memref<32x7x128xf32, #tpu.memory_space<vmem>>) target(%dma_start3A_1034 : memref<32x7x128xf32, #tpu.memory_space<hbm>>) target_semaphore(%arg8 : memref<!tpu.dma_semaphore, #tpu.memory_space<semaphore_mem>>)
    %dma_start3A_1039 = arith.constant 7 : i32
    %dma_start3A_1040 = arith.constant 0 : i32
    %dma_start3A_1041 = arith.constant 8 : i32
    %dma_start3A_1042 = arith.constant 0 : i32
    %dma_start3A_1043 = tpu.memref_slice %arg6[%dma_start3A_1040, %dma_start3A_1041, %dma_start3A_1042] : memref<32x16x128xf32, #tpu.memory_space<vmem>> -> memref<32x8x128xf32, #tpu.memory_space<vmem>>
    %dma_start3A_1044 = arith.constant 7 : i32
    %dma_start3A_1045 = arith.constant 0 : i32
    %dma_start3A_1046 = tpu.memref_slice %arg4[%select_n3A, %mul3A_34, %dma_start3A_1039, %dma_start3A_1044, %dma_start3A_1045] : memref<2x512x16x16x128xf32, #tpu.memory_space<hbm>> -> memref<1x32x1x8x128xf32, #tpu.memory_space<hbm>>
    %dma_start3A_1047 = tpu.memref_squeeze %dma_start3A_1046 : memref<1x32x1x8x128xf32, #tpu.memory_space<hbm>> -> memref<32x8x128xf32, #tpu.memory_space<hbm>>
    %dma_start3A_1048 = arith.constant 7 : i32
    %dma_start3A_1049 = arith.constant 0 : i32
    %dma_start3A_1050 = tpu.memref_slice %arg4[%select_n3A, %mul3A_34, %dma_start3A_1039, %dma_start3A_1048, %dma_start3A_1049] : memref<2x512x16x16x128xf32, #tpu.memory_space<hbm>> -> memref<1x32x1x8x128xf32, #tpu.memory_space<hbm>>
    %dma_start3A_1051 = tpu.memref_squeeze %dma_start3A_1050 : memref<1x32x1x8x128xf32, #tpu.memory_space<hbm>> -> memref<32x8x128xf32, #tpu.memory_space<hbm>>
    %dma_start3A_1052 = arith.constant 0 : i32
    %dma_start3A_1053 = arith.constant 8 : i32
    %dma_start3A_1054 = arith.constant 0 : i32
    %dma_start3A_1055 = tpu.memref_slice %arg6[%dma_start3A_1052, %dma_start3A_1053, %dma_start3A_1054] : memref<32x16x128xf32, #tpu.memory_space<vmem>> -> memref<32x8x128xf32, #tpu.memory_space<vmem>>
    tpu.enqueue_dma source(%dma_start3A_1055 : memref<32x8x128xf32, #tpu.memory_space<vmem>>) target(%dma_start3A_1051 : memref<32x8x128xf32, #tpu.memory_space<hbm>>) target_semaphore(%arg8 : memref<!tpu.dma_semaphore, #tpu.memory_space<semaphore_mem>>)
    %dma_start3A_1056 = arith.constant 8 : i32
    %dma_start3A_1057 = arith.constant 0 : i32
    %dma_start3A_1058 = arith.constant 0 : i32
    %dma_start3A_1059 = arith.constant 0 : i32
    %dma_start3A_1060 = tpu.memref_slice %arg6[%dma_start3A_1057, %dma_start3A_1058, %dma_start3A_1059] : memref<32x16x128xf32, #tpu.memory_space<vmem>> -> memref<32x8x128xf32, #tpu.memory_space<vmem>>
    %dma_start3A_1061 = arith.constant 0 : i32
    %dma_start3A_1062 = arith.constant 0 : i32
    %dma_start3A_1063 = tpu.memref_slice %arg4[%select_n3A, %mul3A_34, %dma_start3A_1056, %dma_start3A_1061, %dma_start3A_1062] : memref<2x512x16x16x128xf32, #tpu.memory_space<hbm>> -> memref<1x32x1x8x128xf32, #tpu.memory_space<hbm>>
    %dma_start3A_1064 = tpu.memref_squeeze %dma_start3A_1063 : memref<1x32x1x8x128xf32, #tpu.memory_space<hbm>> -> memref<32x8x128xf32, #tpu.memory_space<hbm>>
    %dma_start3A_1065 = arith.constant 0 : i32
    %dma_start3A_1066 = arith.constant 0 : i32
    %dma_start3A_1067 = tpu.memref_slice %arg4[%select_n3A, %mul3A_34, %dma_start3A_1056, %dma_start3A_1065, %dma_start3A_1066] : memref<2x512x16x16x128xf32, #tpu.memory_space<hbm>> -> memref<1x32x1x8x128xf32, #tpu.memory_space<hbm>>
    %dma_start3A_1068 = tpu.memref_squeeze %dma_start3A_1067 : memref<1x32x1x8x128xf32, #tpu.memory_space<hbm>> -> memref<32x8x128xf32, #tpu.memory_space<hbm>>
    %dma_start3A_1069 = arith.constant 0 : i32
    %dma_start3A_1070 = arith.constant 0 : i32
    %dma_start3A_1071 = arith.constant 0 : i32
    %dma_start3A_1072 = tpu.memref_slice %arg6[%dma_start3A_1069, %dma_start3A_1070, %dma_start3A_1071] : memref<32x16x128xf32, #tpu.memory_space<vmem>> -> memref<32x8x128xf32, #tpu.memory_space<vmem>>
    tpu.enqueue_dma source(%dma_start3A_1072 : memref<32x8x128xf32, #tpu.memory_space<vmem>>) target(%dma_start3A_1068 : memref<32x8x128xf32, #tpu.memory_space<hbm>>) target_semaphore(%arg8 : memref<!tpu.dma_semaphore, #tpu.memory_space<semaphore_mem>>)
    %dma_start3A_1073 = arith.constant 8 : i32
    %dma_start3A_1074 = arith.constant 0 : i32
    %dma_start3A_1075 = arith.constant 9 : i32
    %dma_start3A_1076 = arith.constant 0 : i32
    %dma_start3A_1077 = tpu.memref_slice %arg6[%dma_start3A_1074, %dma_start3A_1075, %dma_start3A_1076] : memref<32x16x128xf32, #tpu.memory_space<vmem>> -> memref<32x7x128xf32, #tpu.memory_space<vmem>>
    %dma_start3A_1078 = arith.constant 8 : i32
    %dma_start3A_1079 = arith.constant 0 : i32
    %dma_start3A_1080 = tpu.memref_slice %arg4[%select_n3A, %mul3A_34, %dma_start3A_1073, %dma_start3A_1078, %dma_start3A_1079] : memref<2x512x16x16x128xf32, #tpu.memory_space<hbm>> -> memref<1x32x1x7x128xf32, #tpu.memory_space<hbm>>
    %dma_start3A_1081 = tpu.memref_squeeze %dma_start3A_1080 : memref<1x32x1x7x128xf32, #tpu.memory_space<hbm>> -> memref<32x7x128xf32, #tpu.memory_space<hbm>>
    %dma_start3A_1082 = arith.constant 8 : i32
    %dma_start3A_1083 = arith.constant 0 : i32
    %dma_start3A_1084 = tpu.memref_slice %arg4[%select_n3A, %mul3A_34, %dma_start3A_1073, %dma_start3A_1082, %dma_start3A_1083] : memref<2x512x16x16x128xf32, #tpu.memory_space<hbm>> -> memref<1x32x1x7x128xf32, #tpu.memory_space<hbm>>
    %dma_start3A_1085 = tpu.memref_squeeze %dma_start3A_1084 : memref<1x32x1x7x128xf32, #tpu.memory_space<hbm>> -> memref<32x7x128xf32, #tpu.memory_space<hbm>>
    %dma_start3A_1086 = arith.constant 0 : i32
    %dma_start3A_1087 = arith.constant 9 : i32
    %dma_start3A_1088 = arith.constant 0 : i32
    %dma_start3A_1089 = tpu.memref_slice %arg6[%dma_start3A_1086, %dma_start3A_1087, %dma_start3A_1088] : memref<32x16x128xf32, #tpu.memory_space<vmem>> -> memref<32x7x128xf32, #tpu.memory_space<vmem>>
    tpu.enqueue_dma source(%dma_start3A_1089 : memref<32x7x128xf32, #tpu.memory_space<vmem>>) target(%dma_start3A_1085 : memref<32x7x128xf32, #tpu.memory_space<hbm>>) target_semaphore(%arg8 : memref<!tpu.dma_semaphore, #tpu.memory_space<semaphore_mem>>)
    %dma_start3A_1090 = arith.constant 9 : i32
    %dma_start3A_1091 = arith.constant 0 : i32
    %dma_start3A_1092 = arith.constant 0 : i32
    %dma_start3A_1093 = arith.constant 0 : i32
    %dma_start3A_1094 = tpu.memref_slice %arg6[%dma_start3A_1091, %dma_start3A_1092, %dma_start3A_1093] : memref<32x16x128xf32, #tpu.memory_space<vmem>> -> memref<32x9x128xf32, #tpu.memory_space<vmem>>
    %dma_start3A_1095 = arith.constant 0 : i32
    %dma_start3A_1096 = arith.constant 0 : i32
    %dma_start3A_1097 = tpu.memref_slice %arg4[%select_n3A, %mul3A_34, %dma_start3A_1090, %dma_start3A_1095, %dma_start3A_1096] : memref<2x512x16x16x128xf32, #tpu.memory_space<hbm>> -> memref<1x32x1x9x128xf32, #tpu.memory_space<hbm>>
    %dma_start3A_1098 = tpu.memref_squeeze %dma_start3A_1097 : memref<1x32x1x9x128xf32, #tpu.memory_space<hbm>> -> memref<32x9x128xf32, #tpu.memory_space<hbm>>
    %dma_start3A_1099 = arith.constant 0 : i32
    %dma_start3A_1100 = arith.constant 0 : i32
    %dma_start3A_1101 = tpu.memref_slice %arg4[%select_n3A, %mul3A_34, %dma_start3A_1090, %dma_start3A_1099, %dma_start3A_1100] : memref<2x512x16x16x128xf32, #tpu.memory_space<hbm>> -> memref<1x32x1x9x128xf32, #tpu.memory_space<hbm>>
    %dma_start3A_1102 = tpu.memref_squeeze %dma_start3A_1101 : memref<1x32x1x9x128xf32, #tpu.memory_space<hbm>> -> memref<32x9x128xf32, #tpu.memory_space<hbm>>
    %dma_start3A_1103 = arith.constant 0 : i32
    %dma_start3A_1104 = arith.constant 0 : i32
    %dma_start3A_1105 = arith.constant 0 : i32
    %dma_start3A_1106 = tpu.memref_slice %arg6[%dma_start3A_1103, %dma_start3A_1104, %dma_start3A_1105] : memref<32x16x128xf32, #tpu.memory_space<vmem>> -> memref<32x9x128xf32, #tpu.memory_space<vmem>>
    tpu.enqueue_dma source(%dma_start3A_1106 : memref<32x9x128xf32, #tpu.memory_space<vmem>>) target(%dma_start3A_1102 : memref<32x9x128xf32, #tpu.memory_space<hbm>>) target_semaphore(%arg8 : memref<!tpu.dma_semaphore, #tpu.memory_space<semaphore_mem>>)
    %dma_start3A_1107 = arith.constant 9 : i32
    %dma_start3A_1108 = arith.constant 0 : i32
    %dma_start3A_1109 = arith.constant 10 : i32
    %dma_start3A_1110 = arith.constant 0 : i32
    %dma_start3A_1111 = tpu.memref_slice %arg6[%dma_start3A_1108, %dma_start3A_1109, %dma_start3A_1110] : memref<32x16x128xf32, #tpu.memory_space<vmem>> -> memref<32x6x128xf32, #tpu.memory_space<vmem>>
    %dma_start3A_1112 = arith.constant 9 : i32
    %dma_start3A_1113 = arith.constant 0 : i32
    %dma_start3A_1114 = tpu.memref_slice %arg4[%select_n3A, %mul3A_34, %dma_start3A_1107, %dma_start3A_1112, %dma_start3A_1113] : memref<2x512x16x16x128xf32, #tpu.memory_space<hbm>> -> memref<1x32x1x6x128xf32, #tpu.memory_space<hbm>>
    %dma_start3A_1115 = tpu.memref_squeeze %dma_start3A_1114 : memref<1x32x1x6x128xf32, #tpu.memory_space<hbm>> -> memref<32x6x128xf32, #tpu.memory_space<hbm>>
    %dma_start3A_1116 = arith.constant 9 : i32
    %dma_start3A_1117 = arith.constant 0 : i32
    %dma_start3A_1118 = tpu.memref_slice %arg4[%select_n3A, %mul3A_34, %dma_start3A_1107, %dma_start3A_1116, %dma_start3A_1117] : memref<2x512x16x16x128xf32, #tpu.memory_space<hbm>> -> memref<1x32x1x6x128xf32, #tpu.memory_space<hbm>>
    %dma_start3A_1119 = tpu.memref_squeeze %dma_start3A_1118 : memref<1x32x1x6x128xf32, #tpu.memory_space<hbm>> -> memref<32x6x128xf32, #tpu.memory_space<hbm>>
    %dma_start3A_1120 = arith.constant 0 : i32
    %dma_start3A_1121 = arith.constant 10 : i32
    %dma_start3A_1122 = arith.constant 0 : i32
    %dma_start3A_1123 = tpu.memref_slice %arg6[%dma_start3A_1120, %dma_start3A_1121, %dma_start3A_1122] : memref<32x16x128xf32, #tpu.memory_space<vmem>> -> memref<32x6x128xf32, #tpu.memory_space<vmem>>
    tpu.enqueue_dma source(%dma_start3A_1123 : memref<32x6x128xf32, #tpu.memory_space<vmem>>) target(%dma_start3A_1119 : memref<32x6x128xf32, #tpu.memory_space<hbm>>) target_semaphore(%arg8 : memref<!tpu.dma_semaphore, #tpu.memory_space<semaphore_mem>>)
    %dma_start3A_1124 = arith.constant 10 : i32
    %dma_start3A_1125 = arith.constant 0 : i32
    %dma_start3A_1126 = arith.constant 0 : i32
    %dma_start3A_1127 = arith.constant 0 : i32
    %dma_start3A_1128 = tpu.memref_slice %arg6[%dma_start3A_1125, %dma_start3A_1126, %dma_start3A_1127] : memref<32x16x128xf32, #tpu.memory_space<vmem>> -> memref<32x10x128xf32, #tpu.memory_space<vmem>>
    %dma_start3A_1129 = arith.constant 0 : i32
    %dma_start3A_1130 = arith.constant 0 : i32
    %dma_start3A_1131 = tpu.memref_slice %arg4[%select_n3A, %mul3A_34, %dma_start3A_1124, %dma_start3A_1129, %dma_start3A_1130] : memref<2x512x16x16x128xf32, #tpu.memory_space<hbm>> -> memref<1x32x1x10x128xf32, #tpu.memory_space<hbm>>
    %dma_start3A_1132 = tpu.memref_squeeze %dma_start3A_1131 : memref<1x32x1x10x128xf32, #tpu.memory_space<hbm>> -> memref<32x10x128xf32, #tpu.memory_space<hbm>>
    %dma_start3A_1133 = arith.constant 0 : i32
    %dma_start3A_1134 = arith.constant 0 : i32
    %dma_start3A_1135 = tpu.memref_slice %arg4[%select_n3A, %mul3A_34, %dma_start3A_1124, %dma_start3A_1133, %dma_start3A_1134] : memref<2x512x16x16x128xf32, #tpu.memory_space<hbm>> -> memref<1x32x1x10x128xf32, #tpu.memory_space<hbm>>
    %dma_start3A_1136 = tpu.memref_squeeze %dma_start3A_1135 : memref<1x32x1x10x128xf32, #tpu.memory_space<hbm>> -> memref<32x10x128xf32, #tpu.memory_space<hbm>>
    %dma_start3A_1137 = arith.constant 0 : i32
    %dma_start3A_1138 = arith.constant 0 : i32
    %dma_start3A_1139 = arith.constant 0 : i32
    %dma_start3A_1140 = tpu.memref_slice %arg6[%dma_start3A_1137, %dma_start3A_1138, %dma_start3A_1139] : memref<32x16x128xf32, #tpu.memory_space<vmem>> -> memref<32x10x128xf32, #tpu.memory_space<vmem>>
    tpu.enqueue_dma source(%dma_start3A_1140 : memref<32x10x128xf32, #tpu.memory_space<vmem>>) target(%dma_start3A_1136 : memref<32x10x128xf32, #tpu.memory_space<hbm>>) target_semaphore(%arg8 : memref<!tpu.dma_semaphore, #tpu.memory_space<semaphore_mem>>)
    %dma_start3A_1141 = arith.constant 10 : i32
    %dma_start3A_1142 = arith.constant 0 : i32
    %dma_start3A_1143 = arith.constant 11 : i32
    %dma_start3A_1144 = arith.constant 0 : i32
    %dma_start3A_1145 = tpu.memref_slice %arg6[%dma_start3A_1142, %dma_start3A_1143, %dma_start3A_1144] : memref<32x16x128xf32, #tpu.memory_space<vmem>> -> memref<32x5x128xf32, #tpu.memory_space<vmem>>
    %dma_start3A_1146 = arith.constant 10 : i32
    %dma_start3A_1147 = arith.constant 0 : i32
    %dma_start3A_1148 = tpu.memref_slice %arg4[%select_n3A, %mul3A_34, %dma_start3A_1141, %dma_start3A_1146, %dma_start3A_1147] : memref<2x512x16x16x128xf32, #tpu.memory_space<hbm>> -> memref<1x32x1x5x128xf32, #tpu.memory_space<hbm>>
    %dma_start3A_1149 = tpu.memref_squeeze %dma_start3A_1148 : memref<1x32x1x5x128xf32, #tpu.memory_space<hbm>> -> memref<32x5x128xf32, #tpu.memory_space<hbm>>
    %dma_start3A_1150 = arith.constant 10 : i32
    %dma_start3A_1151 = arith.constant 0 : i32
    %dma_start3A_1152 = tpu.memref_slice %arg4[%select_n3A, %mul3A_34, %dma_start3A_1141, %dma_start3A_1150, %dma_start3A_1151] : memref<2x512x16x16x128xf32, #tpu.memory_space<hbm>> -> memref<1x32x1x5x128xf32, #tpu.memory_space<hbm>>
    %dma_start3A_1153 = tpu.memref_squeeze %dma_start3A_1152 : memref<1x32x1x5x128xf32, #tpu.memory_space<hbm>> -> memref<32x5x128xf32, #tpu.memory_space<hbm>>
    %dma_start3A_1154 = arith.constant 0 : i32
    %dma_start3A_1155 = arith.constant 11 : i32
    %dma_start3A_1156 = arith.constant 0 : i32
    %dma_start3A_1157 = tpu.memref_slice %arg6[%dma_start3A_1154, %dma_start3A_1155, %dma_start3A_1156] : memref<32x16x128xf32, #tpu.memory_space<vmem>> -> memref<32x5x128xf32, #tpu.memory_space<vmem>>
    tpu.enqueue_dma source(%dma_start3A_1157 : memref<32x5x128xf32, #tpu.memory_space<vmem>>) target(%dma_start3A_1153 : memref<32x5x128xf32, #tpu.memory_space<hbm>>) target_semaphore(%arg8 : memref<!tpu.dma_semaphore, #tpu.memory_space<semaphore_mem>>)
    %dma_start3A_1158 = arith.constant 11 : i32
    %dma_start3A_1159 = arith.constant 0 : i32
    %dma_start3A_1160 = arith.constant 0 : i32
    %dma_start3A_1161 = arith.constant 0 : i32
    %dma_start3A_1162 = tpu.memref_slice %arg6[%dma_start3A_1159, %dma_start3A_1160, %dma_start3A_1161] : memref<32x16x128xf32, #tpu.memory_space<vmem>> -> memref<32x11x128xf32, #tpu.memory_space<vmem>>
    %dma_start3A_1163 = arith.constant 0 : i32
    %dma_start3A_1164 = arith.constant 0 : i32
    %dma_start3A_1165 = tpu.memref_slice %arg4[%select_n3A, %mul3A_34, %dma_start3A_1158, %dma_start3A_1163, %dma_start3A_1164] : memref<2x512x16x16x128xf32, #tpu.memory_space<hbm>> -> memref<1x32x1x11x128xf32, #tpu.memory_space<hbm>>
    %dma_start3A_1166 = tpu.memref_squeeze %dma_start3A_1165 : memref<1x32x1x11x128xf32, #tpu.memory_space<hbm>> -> memref<32x11x128xf32, #tpu.memory_space<hbm>>
    %dma_start3A_1167 = arith.constant 0 : i32
    %dma_start3A_1168 = arith.constant 0 : i32
    %dma_start3A_1169 = tpu.memref_slice %arg4[%select_n3A, %mul3A_34, %dma_start3A_1158, %dma_start3A_1167, %dma_start3A_1168] : memref<2x512x16x16x128xf32, #tpu.memory_space<hbm>> -> memref<1x32x1x11x128xf32, #tpu.memory_space<hbm>>
    %dma_start3A_1170 = tpu.memref_squeeze %dma_start3A_1169 : memref<1x32x1x11x128xf32, #tpu.memory_space<hbm>> -> memref<32x11x128xf32, #tpu.memory_space<hbm>>
    %dma_start3A_1171 = arith.constant 0 : i32
    %dma_start3A_1172 = arith.constant 0 : i32
    %dma_start3A_1173 = arith.constant 0 : i32
    %dma_start3A_1174 = tpu.memref_slice %arg6[%dma_start3A_1171, %dma_start3A_1172, %dma_start3A_1173] : memref<32x16x128xf32, #tpu.memory_space<vmem>> -> memref<32x11x128xf32, #tpu.memory_space<vmem>>
    tpu.enqueue_dma source(%dma_start3A_1174 : memref<32x11x128xf32, #tpu.memory_space<vmem>>) target(%dma_start3A_1170 : memref<32x11x128xf32, #tpu.memory_space<hbm>>) target_semaphore(%arg8 : memref<!tpu.dma_semaphore, #tpu.memory_space<semaphore_mem>>)
    %dma_start3A_1175 = arith.constant 11 : i32
    %dma_start3A_1176 = arith.constant 0 : i32
    %dma_start3A_1177 = arith.constant 12 : i32
    %dma_start3A_1178 = arith.constant 0 : i32
    %dma_start3A_1179 = tpu.memref_slice %arg6[%dma_start3A_1176, %dma_start3A_1177, %dma_start3A_1178] : memref<32x16x128xf32, #tpu.memory_space<vmem>> -> memref<32x4x128xf32, #tpu.memory_space<vmem>>
    %dma_start3A_1180 = arith.constant 11 : i32
    %dma_start3A_1181 = arith.constant 0 : i32
    %dma_start3A_1182 = tpu.memref_slice %arg4[%select_n3A, %mul3A_34, %dma_start3A_1175, %dma_start3A_1180, %dma_start3A_1181] : memref<2x512x16x16x128xf32, #tpu.memory_space<hbm>> -> memref<1x32x1x4x128xf32, #tpu.memory_space<hbm>>
    %dma_start3A_1183 = tpu.memref_squeeze %dma_start3A_1182 : memref<1x32x1x4x128xf32, #tpu.memory_space<hbm>> -> memref<32x4x128xf32, #tpu.memory_space<hbm>>
    %dma_start3A_1184 = arith.constant 11 : i32
    %dma_start3A_1185 = arith.constant 0 : i32
    %dma_start3A_1186 = tpu.memref_slice %arg4[%select_n3A, %mul3A_34, %dma_start3A_1175, %dma_start3A_1184, %dma_start3A_1185] : memref<2x512x16x16x128xf32, #tpu.memory_space<hbm>> -> memref<1x32x1x4x128xf32, #tpu.memory_space<hbm>>
    %dma_start3A_1187 = tpu.memref_squeeze %dma_start3A_1186 : memref<1x32x1x4x128xf32, #tpu.memory_space<hbm>> -> memref<32x4x128xf32, #tpu.memory_space<hbm>>
    %dma_start3A_1188 = arith.constant 0 : i32
    %dma_start3A_1189 = arith.constant 12 : i32
    %dma_start3A_1190 = arith.constant 0 : i32
    %dma_start3A_1191 = tpu.memref_slice %arg6[%dma_start3A_1188, %dma_start3A_1189, %dma_start3A_1190] : memref<32x16x128xf32, #tpu.memory_space<vmem>> -> memref<32x4x128xf32, #tpu.memory_space<vmem>>
    tpu.enqueue_dma source(%dma_start3A_1191 : memref<32x4x128xf32, #tpu.memory_space<vmem>>) target(%dma_start3A_1187 : memref<32x4x128xf32, #tpu.memory_space<hbm>>) target_semaphore(%arg8 : memref<!tpu.dma_semaphore, #tpu.memory_space<semaphore_mem>>)
    %dma_start3A_1192 = arith.constant 12 : i32
    %dma_start3A_1193 = arith.constant 0 : i32
    %dma_start3A_1194 = arith.constant 0 : i32
    %dma_start3A_1195 = arith.constant 0 : i32
    %dma_start3A_1196 = tpu.memref_slice %arg6[%dma_start3A_1193, %dma_start3A_1194, %dma_start3A_1195] : memref<32x16x128xf32, #tpu.memory_space<vmem>> -> memref<32x12x128xf32, #tpu.memory_space<vmem>>
    %dma_start3A_1197 = arith.constant 0 : i32
    %dma_start3A_1198 = arith.constant 0 : i32
    %dma_start3A_1199 = tpu.memref_slice %arg4[%select_n3A, %mul3A_34, %dma_start3A_1192, %dma_start3A_1197, %dma_start3A_1198] : memref<2x512x16x16x128xf32, #tpu.memory_space<hbm>> -> memref<1x32x1x12x128xf32, #tpu.memory_space<hbm>>
    %dma_start3A_1200 = tpu.memref_squeeze %dma_start3A_1199 : memref<1x32x1x12x128xf32, #tpu.memory_space<hbm>> -> memref<32x12x128xf32, #tpu.memory_space<hbm>>
    %dma_start3A_1201 = arith.constant 0 : i32
    %dma_start3A_1202 = arith.constant 0 : i32
    %dma_start3A_1203 = tpu.memref_slice %arg4[%select_n3A, %mul3A_34, %dma_start3A_1192, %dma_start3A_1201, %dma_start3A_1202] : memref<2x512x16x16x128xf32, #tpu.memory_space<hbm>> -> memref<1x32x1x12x128xf32, #tpu.memory_space<hbm>>
    %dma_start3A_1204 = tpu.memref_squeeze %dma_start3A_1203 : memref<1x32x1x12x128xf32, #tpu.memory_space<hbm>> -> memref<32x12x128xf32, #tpu.memory_space<hbm>>
    %dma_start3A_1205 = arith.constant 0 : i32
    %dma_start3A_1206 = arith.constant 0 : i32
    %dma_start3A_1207 = arith.constant 0 : i32
    %dma_start3A_1208 = tpu.memref_slice %arg6[%dma_start3A_1205, %dma_start3A_1206, %dma_start3A_1207] : memref<32x16x128xf32, #tpu.memory_space<vmem>> -> memref<32x12x128xf32, #tpu.memory_space<vmem>>
    tpu.enqueue_dma source(%dma_start3A_1208 : memref<32x12x128xf32, #tpu.memory_space<vmem>>) target(%dma_start3A_1204 : memref<32x12x128xf32, #tpu.memory_space<hbm>>) target_semaphore(%arg8 : memref<!tpu.dma_semaphore, #tpu.memory_space<semaphore_mem>>)
    %dma_start3A_1209 = arith.constant 12 : i32
    %dma_start3A_1210 = arith.constant 0 : i32
    %dma_start3A_1211 = arith.constant 13 : i32
    %dma_start3A_1212 = arith.constant 0 : i32
    %dma_start3A_1213 = tpu.memref_slice %arg6[%dma_start3A_1210, %dma_start3A_1211, %dma_start3A_1212] : memref<32x16x128xf32, #tpu.memory_space<vmem>> -> memref<32x3x128xf32, #tpu.memory_space<vmem>>
    %dma_start3A_1214 = arith.constant 12 : i32
    %dma_start3A_1215 = arith.constant 0 : i32
    %dma_start3A_1216 = tpu.memref_slice %arg4[%select_n3A, %mul3A_34, %dma_start3A_1209, %dma_start3A_1214, %dma_start3A_1215] : memref<2x512x16x16x128xf32, #tpu.memory_space<hbm>> -> memref<1x32x1x3x128xf32, #tpu.memory_space<hbm>>
    %dma_start3A_1217 = tpu.memref_squeeze %dma_start3A_1216 : memref<1x32x1x3x128xf32, #tpu.memory_space<hbm>> -> memref<32x3x128xf32, #tpu.memory_space<hbm>>
    %dma_start3A_1218 = arith.constant 12 : i32
    %dma_start3A_1219 = arith.constant 0 : i32
    %dma_start3A_1220 = tpu.memref_slice %arg4[%select_n3A, %mul3A_34, %dma_start3A_1209, %dma_start3A_1218, %dma_start3A_1219] : memref<2x512x16x16x128xf32, #tpu.memory_space<hbm>> -> memref<1x32x1x3x128xf32, #tpu.memory_space<hbm>>
    %dma_start3A_1221 = tpu.memref_squeeze %dma_start3A_1220 : memref<1x32x1x3x128xf32, #tpu.memory_space<hbm>> -> memref<32x3x128xf32, #tpu.memory_space<hbm>>
    %dma_start3A_1222 = arith.constant 0 : i32
    %dma_start3A_1223 = arith.constant 13 : i32
    %dma_start3A_1224 = arith.constant 0 : i32
    %dma_start3A_1225 = tpu.memref_slice %arg6[%dma_start3A_1222, %dma_start3A_1223, %dma_start3A_1224] : memref<32x16x128xf32, #tpu.memory_space<vmem>> -> memref<32x3x128xf32, #tpu.memory_space<vmem>>
    tpu.enqueue_dma source(%dma_start3A_1225 : memref<32x3x128xf32, #tpu.memory_space<vmem>>) target(%dma_start3A_1221 : memref<32x3x128xf32, #tpu.memory_space<hbm>>) target_semaphore(%arg8 : memref<!tpu.dma_semaphore, #tpu.memory_space<semaphore_mem>>)
    %dma_start3A_1226 = arith.constant 13 : i32
    %dma_start3A_1227 = arith.constant 0 : i32
    %dma_start3A_1228 = arith.constant 0 : i32
    %dma_start3A_1229 = arith.constant 0 : i32
    %dma_start3A_1230 = tpu.memref_slice %arg6[%dma_start3A_1227, %dma_start3A_1228, %dma_start3A_1229] : memref<32x16x128xf32, #tpu.memory_space<vmem>> -> memref<32x13x128xf32, #tpu.memory_space<vmem>>
    %dma_start3A_1231 = arith.constant 0 : i32
    %dma_start3A_1232 = arith.constant 0 : i32
    %dma_start3A_1233 = tpu.memref_slice %arg4[%select_n3A, %mul3A_34, %dma_start3A_1226, %dma_start3A_1231, %dma_start3A_1232] : memref<2x512x16x16x128xf32, #tpu.memory_space<hbm>> -> memref<1x32x1x13x128xf32, #tpu.memory_space<hbm>>
    %dma_start3A_1234 = tpu.memref_squeeze %dma_start3A_1233 : memref<1x32x1x13x128xf32, #tpu.memory_space<hbm>> -> memref<32x13x128xf32, #tpu.memory_space<hbm>>
    %dma_start3A_1235 = arith.constant 0 : i32
    %dma_start3A_1236 = arith.constant 0 : i32
    %dma_start3A_1237 = tpu.memref_slice %arg4[%select_n3A, %mul3A_34, %dma_start3A_1226, %dma_start3A_1235, %dma_start3A_1236] : memref<2x512x16x16x128xf32, #tpu.memory_space<hbm>> -> memref<1x32x1x13x128xf32, #tpu.memory_space<hbm>>
    %dma_start3A_1238 = tpu.memref_squeeze %dma_start3A_1237 : memref<1x32x1x13x128xf32, #tpu.memory_space<hbm>> -> memref<32x13x128xf32, #tpu.memory_space<hbm>>
    %dma_start3A_1239 = arith.constant 0 : i32
    %dma_start3A_1240 = arith.constant 0 : i32
    %dma_start3A_1241 = arith.constant 0 : i32
    %dma_start3A_1242 = tpu.memref_slice %arg6[%dma_start3A_1239, %dma_start3A_1240, %dma_start3A_1241] : memref<32x16x128xf32, #tpu.memory_space<vmem>> -> memref<32x13x128xf32, #tpu.memory_space<vmem>>
    tpu.enqueue_dma source(%dma_start3A_1242 : memref<32x13x128xf32, #tpu.memory_space<vmem>>) target(%dma_start3A_1238 : memref<32x13x128xf32, #tpu.memory_space<hbm>>) target_semaphore(%arg8 : memref<!tpu.dma_semaphore, #tpu.memory_space<semaphore_mem>>)
    %dma_start3A_1243 = arith.constant 13 : i32
    %dma_start3A_1244 = arith.constant 0 : i32
    %dma_start3A_1245 = arith.constant 14 : i32
    %dma_start3A_1246 = arith.constant 0 : i32
    %dma_start3A_1247 = tpu.memref_slice %arg6[%dma_start3A_1244, %dma_start3A_1245, %dma_start3A_1246] : memref<32x16x128xf32, #tpu.memory_space<vmem>> -> memref<32x2x128xf32, #tpu.memory_space<vmem>>
    %dma_start3A_1248 = arith.constant 13 : i32
    %dma_start3A_1249 = arith.constant 0 : i32
    %dma_start3A_1250 = tpu.memref_slice %arg4[%select_n3A, %mul3A_34, %dma_start3A_1243, %dma_start3A_1248, %dma_start3A_1249] : memref<2x512x16x16x128xf32, #tpu.memory_space<hbm>> -> memref<1x32x1x2x128xf32, #tpu.memory_space<hbm>>
    %dma_start3A_1251 = tpu.memref_squeeze %dma_start3A_1250 : memref<1x32x1x2x128xf32, #tpu.memory_space<hbm>> -> memref<32x2x128xf32, #tpu.memory_space<hbm>>
    %dma_start3A_1252 = arith.constant 13 : i32
    %dma_start3A_1253 = arith.constant 0 : i32
    %dma_start3A_1254 = tpu.memref_slice %arg4[%select_n3A, %mul3A_34, %dma_start3A_1243, %dma_start3A_1252, %dma_start3A_1253] : memref<2x512x16x16x128xf32, #tpu.memory_space<hbm>> -> memref<1x32x1x2x128xf32, #tpu.memory_space<hbm>>
    %dma_start3A_1255 = tpu.memref_squeeze %dma_start3A_1254 : memref<1x32x1x2x128xf32, #tpu.memory_space<hbm>> -> memref<32x2x128xf32, #tpu.memory_space<hbm>>
    %dma_start3A_1256 = arith.constant 0 : i32
    %dma_start3A_1257 = arith.constant 14 : i32
    %dma_start3A_1258 = arith.constant 0 : i32
    %dma_start3A_1259 = tpu.memref_slice %arg6[%dma_start3A_1256, %dma_start3A_1257, %dma_start3A_1258] : memref<32x16x128xf32, #tpu.memory_space<vmem>> -> memref<32x2x128xf32, #tpu.memory_space<vmem>>
    tpu.enqueue_dma source(%dma_start3A_1259 : memref<32x2x128xf32, #tpu.memory_space<vmem>>) target(%dma_start3A_1255 : memref<32x2x128xf32, #tpu.memory_space<hbm>>) target_semaphore(%arg8 : memref<!tpu.dma_semaphore, #tpu.memory_space<semaphore_mem>>)
    %dma_start3A_1260 = arith.constant 14 : i32
    %dma_start3A_1261 = arith.constant 0 : i32
    %dma_start3A_1262 = arith.constant 0 : i32
    %dma_start3A_1263 = arith.constant 0 : i32
    %dma_start3A_1264 = tpu.memref_slice %arg6[%dma_start3A_1261, %dma_start3A_1262, %dma_start3A_1263] : memref<32x16x128xf32, #tpu.memory_space<vmem>> -> memref<32x14x128xf32, #tpu.memory_space<vmem>>
    %dma_start3A_1265 = arith.constant 0 : i32
    %dma_start3A_1266 = arith.constant 0 : i32
    %dma_start3A_1267 = tpu.memref_slice %arg4[%select_n3A, %mul3A_34, %dma_start3A_1260, %dma_start3A_1265, %dma_start3A_1266] : memref<2x512x16x16x128xf32, #tpu.memory_space<hbm>> -> memref<1x32x1x14x128xf32, #tpu.memory_space<hbm>>
    %dma_start3A_1268 = tpu.memref_squeeze %dma_start3A_1267 : memref<1x32x1x14x128xf32, #tpu.memory_space<hbm>> -> memref<32x14x128xf32, #tpu.memory_space<hbm>>
    %dma_start3A_1269 = arith.constant 0 : i32
    %dma_start3A_1270 = arith.constant 0 : i32
    %dma_start3A_1271 = tpu.memref_slice %arg4[%select_n3A, %mul3A_34, %dma_start3A_1260, %dma_start3A_1269, %dma_start3A_1270] : memref<2x512x16x16x128xf32, #tpu.memory_space<hbm>> -> memref<1x32x1x14x128xf32, #tpu.memory_space<hbm>>
    %dma_start3A_1272 = tpu.memref_squeeze %dma_start3A_1271 : memref<1x32x1x14x128xf32, #tpu.memory_space<hbm>> -> memref<32x14x128xf32, #tpu.memory_space<hbm>>
    %dma_start3A_1273 = arith.constant 0 : i32
    %dma_start3A_1274 = arith.constant 0 : i32
    %dma_start3A_1275 = arith.constant 0 : i32
    %dma_start3A_1276 = tpu.memref_slice %arg6[%dma_start3A_1273, %dma_start3A_1274, %dma_start3A_1275] : memref<32x16x128xf32, #tpu.memory_space<vmem>> -> memref<32x14x128xf32, #tpu.memory_space<vmem>>
    tpu.enqueue_dma source(%dma_start3A_1276 : memref<32x14x128xf32, #tpu.memory_space<vmem>>) target(%dma_start3A_1272 : memref<32x14x128xf32, #tpu.memory_space<hbm>>) target_semaphore(%arg8 : memref<!tpu.dma_semaphore, #tpu.memory_space<semaphore_mem>>)
    %dma_start3A_1277 = arith.constant 14 : i32
    %dma_start3A_1278 = arith.constant 0 : i32
    %dma_start3A_1279 = arith.constant 15 : i32
    %dma_start3A_1280 = arith.constant 0 : i32
    %dma_start3A_1281 = tpu.memref_slice %arg6[%dma_start3A_1278, %dma_start3A_1279, %dma_start3A_1280] : memref<32x16x128xf32, #tpu.memory_space<vmem>> -> memref<32x1x128xf32, #tpu.memory_space<vmem>>
    %dma_start3A_1282 = arith.constant 14 : i32
    %dma_start3A_1283 = arith.constant 0 : i32
    %dma_start3A_1284 = tpu.memref_slice %arg4[%select_n3A, %mul3A_34, %dma_start3A_1277, %dma_start3A_1282, %dma_start3A_1283] : memref<2x512x16x16x128xf32, #tpu.memory_space<hbm>> -> memref<1x32x1x1x128xf32, #tpu.memory_space<hbm>>
    %dma_start3A_1285 = tpu.memref_squeeze %dma_start3A_1284 : memref<1x32x1x1x128xf32, #tpu.memory_space<hbm>> -> memref<32x1x128xf32, #tpu.memory_space<hbm>>
    %dma_start3A_1286 = arith.constant 14 : i32
    %dma_start3A_1287 = arith.constant 0 : i32
    %dma_start3A_1288 = tpu.memref_slice %arg4[%select_n3A, %mul3A_34, %dma_start3A_1277, %dma_start3A_1286, %dma_start3A_1287] : memref<2x512x16x16x128xf32, #tpu.memory_space<hbm>> -> memref<1x32x1x1x128xf32, #tpu.memory_space<hbm>>
    %dma_start3A_1289 = tpu.memref_squeeze %dma_start3A_1288 : memref<1x32x1x1x128xf32, #tpu.memory_space<hbm>> -> memref<32x1x128xf32, #tpu.memory_space<hbm>>
    %dma_start3A_1290 = arith.constant 0 : i32
    %dma_start3A_1291 = arith.constant 15 : i32
    %dma_start3A_1292 = arith.constant 0 : i32
    %dma_start3A_1293 = tpu.memref_slice %arg6[%dma_start3A_1290, %dma_start3A_1291, %dma_start3A_1292] : memref<32x16x128xf32, #tpu.memory_space<vmem>> -> memref<32x1x128xf32, #tpu.memory_space<vmem>>
    tpu.enqueue_dma source(%dma_start3A_1293 : memref<32x1x128xf32, #tpu.memory_space<vmem>>) target(%dma_start3A_1289 : memref<32x1x128xf32, #tpu.memory_space<hbm>>) target_semaphore(%arg8 : memref<!tpu.dma_semaphore, #tpu.memory_space<semaphore_mem>>)
    %dma_start3A_1294 = arith.constant 15 : i32
    %dma_start3A_1295 = arith.constant 0 : i32
    %dma_start3A_1296 = arith.constant 0 : i32
    %dma_start3A_1297 = arith.constant 0 : i32
    %dma_start3A_1298 = tpu.memref_slice %arg6[%dma_start3A_1295, %dma_start3A_1296, %dma_start3A_1297] : memref<32x16x128xf32, #tpu.memory_space<vmem>> -> memref<32x15x128xf32, #tpu.memory_space<vmem>>
    %dma_start3A_1299 = arith.constant 0 : i32
    %dma_start3A_1300 = arith.constant 0 : i32
    %dma_start3A_1301 = tpu.memref_slice %arg4[%select_n3A, %mul3A_34, %dma_start3A_1294, %dma_start3A_1299, %dma_start3A_1300] : memref<2x512x16x16x128xf32, #tpu.memory_space<hbm>> -> memref<1x32x1x15x128xf32, #tpu.memory_space<hbm>>
    %dma_start3A_1302 = tpu.memref_squeeze %dma_start3A_1301 : memref<1x32x1x15x128xf32, #tpu.memory_space<hbm>> -> memref<32x15x128xf32, #tpu.memory_space<hbm>>
    %dma_start3A_1303 = arith.constant 0 : i32
    %dma_start3A_1304 = arith.constant 0 : i32
    %dma_start3A_1305 = tpu.memref_slice %arg4[%select_n3A, %mul3A_34, %dma_start3A_1294, %dma_start3A_1303, %dma_start3A_1304] : memref<2x512x16x16x128xf32, #tpu.memory_space<hbm>> -> memref<1x32x1x15x128xf32, #tpu.memory_space<hbm>>
    %dma_start3A_1306 = tpu.memref_squeeze %dma_start3A_1305 : memref<1x32x1x15x128xf32, #tpu.memory_space<hbm>> -> memref<32x15x128xf32, #tpu.memory_space<hbm>>
    %dma_start3A_1307 = arith.constant 0 : i32
    %dma_start3A_1308 = arith.constant 0 : i32
    %dma_start3A_1309 = arith.constant 0 : i32
    %dma_start3A_1310 = tpu.memref_slice %arg6[%dma_start3A_1307, %dma_start3A_1308, %dma_start3A_1309] : memref<32x16x128xf32, #tpu.memory_space<vmem>> -> memref<32x15x128xf32, #tpu.memory_space<vmem>>
    tpu.enqueue_dma source(%dma_start3A_1310 : memref<32x15x128xf32, #tpu.memory_space<vmem>>) target(%dma_start3A_1306 : memref<32x15x128xf32, #tpu.memory_space<hbm>>) target_semaphore(%arg8 : memref<!tpu.dma_semaphore, #tpu.memory_space<semaphore_mem>>)
    %dma_wait3A_1311 = arith.constant 0 : i32
    %dma_wait3A_1312 = arith.constant 0 : i32
    %dma_wait3A_1313 = arith.constant 1 : i32
    %dma_wait3A_1314 = arith.constant 0 : i32
    %dma_wait3A_1315 = tpu.memref_slice %arg6[%dma_wait3A_1312, %dma_wait3A_1313, %dma_wait3A_1314] : memref<32x16x128xf32, #tpu.memory_space<vmem>> -> memref<32x15x128xf32, #tpu.memory_space<vmem>>
    %dma_wait3A_1316 = arith.constant 0 : i32
    %dma_wait3A_1317 = arith.constant 0 : i32
    %dma_wait3A_1318 = tpu.memref_slice %arg4[%select_n3A, %mul3A_34, %dma_wait3A_1311, %dma_wait3A_1316, %dma_wait3A_1317] : memref<2x512x16x16x128xf32, #tpu.memory_space<hbm>> -> memref<1x32x1x15x128xf32, #tpu.memory_space<hbm>>
    %dma_wait3A_1319 = tpu.memref_squeeze %dma_wait3A_1318 : memref<1x32x1x15x128xf32, #tpu.memory_space<hbm>> -> memref<32x15x128xf32, #tpu.memory_space<hbm>>
    %dma_wait3A_1320 = arith.constant 0 : i32
    %dma_wait3A_1321 = arith.constant 0 : i32
    %dma_wait3A_1322 = tpu.memref_slice %arg4[%select_n3A, %mul3A_34, %dma_wait3A_1311, %dma_wait3A_1320, %dma_wait3A_1321] : memref<2x512x16x16x128xf32, #tpu.memory_space<hbm>> -> memref<1x32x1x15x128xf32, #tpu.memory_space<hbm>>
    %dma_wait3A_1323 = tpu.memref_squeeze %dma_wait3A_1322 : memref<1x32x1x15x128xf32, #tpu.memory_space<hbm>> -> memref<32x15x128xf32, #tpu.memory_space<hbm>>
    %dma_wait3A_1324 = arith.constant 0 : i32
    %dma_wait3A_1325 = arith.constant 1 : i32
    %dma_wait3A_1326 = arith.constant 0 : i32
    %dma_wait3A_1327 = tpu.memref_slice %arg6[%dma_wait3A_1324, %dma_wait3A_1325, %dma_wait3A_1326] : memref<32x16x128xf32, #tpu.memory_space<vmem>> -> memref<32x15x128xf32, #tpu.memory_space<vmem>>
    tpu.wait_dma2 semaphore(%arg8 : memref<!tpu.dma_semaphore, #tpu.memory_space<semaphore_mem>>) src(%dma_wait3A_1327 : memref<32x15x128xf32, #tpu.memory_space<vmem>>) dst(%dma_wait3A_1323 : memref<32x15x128xf32, #tpu.memory_space<hbm>>)
    %dma_wait3A_1328 = arith.constant 1 : i32
    %dma_wait3A_1329 = arith.constant 0 : i32
    %dma_wait3A_1330 = arith.constant 0 : i32
    %dma_wait3A_1331 = arith.constant 0 : i32
    %dma_wait3A_1332 = tpu.memref_slice %arg6[%dma_wait3A_1329, %dma_wait3A_1330, %dma_wait3A_1331] : memref<32x16x128xf32, #tpu.memory_space<vmem>> -> memref<32x1x128xf32, #tpu.memory_space<vmem>>
    %dma_wait3A_1333 = arith.constant 0 : i32
    %dma_wait3A_1334 = arith.constant 0 : i32
    %dma_wait3A_1335 = tpu.memref_slice %arg4[%select_n3A, %mul3A_34, %dma_wait3A_1328, %dma_wait3A_1333, %dma_wait3A_1334] : memref<2x512x16x16x128xf32, #tpu.memory_space<hbm>> -> memref<1x32x1x1x128xf32, #tpu.memory_space<hbm>>
    %dma_wait3A_1336 = tpu.memref_squeeze %dma_wait3A_1335 : memref<1x32x1x1x128xf32, #tpu.memory_space<hbm>> -> memref<32x1x128xf32, #tpu.memory_space<hbm>>
    %dma_wait3A_1337 = arith.constant 0 : i32
    %dma_wait3A_1338 = arith.constant 0 : i32
    %dma_wait3A_1339 = tpu.memref_slice %arg4[%select_n3A, %mul3A_34, %dma_wait3A_1328, %dma_wait3A_1337, %dma_wait3A_1338] : memref<2x512x16x16x128xf32, #tpu.memory_space<hbm>> -> memref<1x32x1x1x128xf32, #tpu.memory_space<hbm>>
    %dma_wait3A_1340 = tpu.memref_squeeze %dma_wait3A_1339 : memref<1x32x1x1x128xf32, #tpu.memory_space<hbm>> -> memref<32x1x128xf32, #tpu.memory_space<hbm>>
    %dma_wait3A_1341 = arith.constant 0 : i32
    %dma_wait3A_1342 = arith.constant 0 : i32
    %dma_wait3A_1343 = arith.constant 0 : i32
    %dma_wait3A_1344 = tpu.memref_slice %arg6[%dma_wait3A_1341, %dma_wait3A_1342, %dma_wait3A_1343] : memref<32x16x128xf32, #tpu.memory_space<vmem>> -> memref<32x1x128xf32, #tpu.memory_space<vmem>>
    tpu.wait_dma2 semaphore(%arg8 : memref<!tpu.dma_semaphore, #tpu.memory_space<semaphore_mem>>) src(%dma_wait3A_1344 : memref<32x1x128xf32, #tpu.memory_space<vmem>>) dst(%dma_wait3A_1340 : memref<32x1x128xf32, #tpu.memory_space<hbm>>)
    %dma_wait3A_1345 = arith.constant 1 : i32
    %dma_wait3A_1346 = arith.constant 0 : i32
    %dma_wait3A_1347 = arith.constant 2 : i32
    %dma_wait3A_1348 = arith.constant 0 : i32
    %dma_wait3A_1349 = tpu.memref_slice %arg6[%dma_wait3A_1346, %dma_wait3A_1347, %dma_wait3A_1348] : memref<32x16x128xf32, #tpu.memory_space<vmem>> -> memref<32x14x128xf32, #tpu.memory_space<vmem>>
    %dma_wait3A_1350 = arith.constant 1 : i32
    %dma_wait3A_1351 = arith.constant 0 : i32
    %dma_wait3A_1352 = tpu.memref_slice %arg4[%select_n3A, %mul3A_34, %dma_wait3A_1345, %dma_wait3A_1350, %dma_wait3A_1351] : memref<2x512x16x16x128xf32, #tpu.memory_space<hbm>> -> memref<1x32x1x14x128xf32, #tpu.memory_space<hbm>>
    %dma_wait3A_1353 = tpu.memref_squeeze %dma_wait3A_1352 : memref<1x32x1x14x128xf32, #tpu.memory_space<hbm>> -> memref<32x14x128xf32, #tpu.memory_space<hbm>>
    %dma_wait3A_1354 = arith.constant 1 : i32
    %dma_wait3A_1355 = arith.constant 0 : i32
    %dma_wait3A_1356 = tpu.memref_slice %arg4[%select_n3A, %mul3A_34, %dma_wait3A_1345, %dma_wait3A_1354, %dma_wait3A_1355] : memref<2x512x16x16x128xf32, #tpu.memory_space<hbm>> -> memref<1x32x1x14x128xf32, #tpu.memory_space<hbm>>
    %dma_wait3A_1357 = tpu.memref_squeeze %dma_wait3A_1356 : memref<1x32x1x14x128xf32, #tpu.memory_space<hbm>> -> memref<32x14x128xf32, #tpu.memory_space<hbm>>
    %dma_wait3A_1358 = arith.constant 0 : i32
    %dma_wait3A_1359 = arith.constant 2 : i32
    %dma_wait3A_1360 = arith.constant 0 : i32
    %dma_wait3A_1361 = tpu.memref_slice %arg6[%dma_wait3A_1358, %dma_wait3A_1359, %dma_wait3A_1360] : memref<32x16x128xf32, #tpu.memory_space<vmem>> -> memref<32x14x128xf32, #tpu.memory_space<vmem>>
    tpu.wait_dma2 semaphore(%arg8 : memref<!tpu.dma_semaphore, #tpu.memory_space<semaphore_mem>>) src(%dma_wait3A_1361 : memref<32x14x128xf32, #tpu.memory_space<vmem>>) dst(%dma_wait3A_1357 : memref<32x14x128xf32, #tpu.memory_space<hbm>>)
    %dma_wait3A_1362 = arith.constant 2 : i32
    %dma_wait3A_1363 = arith.constant 0 : i32
    %dma_wait3A_1364 = arith.constant 0 : i32
    %dma_wait3A_1365 = arith.constant 0 : i32
    %dma_wait3A_1366 = tpu.memref_slice %arg6[%dma_wait3A_1363, %dma_wait3A_1364, %dma_wait3A_1365] : memref<32x16x128xf32, #tpu.memory_space<vmem>> -> memref<32x2x128xf32, #tpu.memory_space<vmem>>
    %dma_wait3A_1367 = arith.constant 0 : i32
    %dma_wait3A_1368 = arith.constant 0 : i32
    %dma_wait3A_1369 = tpu.memref_slice %arg4[%select_n3A, %mul3A_34, %dma_wait3A_1362, %dma_wait3A_1367, %dma_wait3A_1368] : memref<2x512x16x16x128xf32, #tpu.memory_space<hbm>> -> memref<1x32x1x2x128xf32, #tpu.memory_space<hbm>>
    %dma_wait3A_1370 = tpu.memref_squeeze %dma_wait3A_1369 : memref<1x32x1x2x128xf32, #tpu.memory_space<hbm>> -> memref<32x2x128xf32, #tpu.memory_space<hbm>>
    %dma_wait3A_1371 = arith.constant 0 : i32
    %dma_wait3A_1372 = arith.constant 0 : i32
    %dma_wait3A_1373 = tpu.memref_slice %arg4[%select_n3A, %mul3A_34, %dma_wait3A_1362, %dma_wait3A_1371, %dma_wait3A_1372] : memref<2x512x16x16x128xf32, #tpu.memory_space<hbm>> -> memref<1x32x1x2x128xf32, #tpu.memory_space<hbm>>
    %dma_wait3A_1374 = tpu.memref_squeeze %dma_wait3A_1373 : memref<1x32x1x2x128xf32, #tpu.memory_space<hbm>> -> memref<32x2x128xf32, #tpu.memory_space<hbm>>
    %dma_wait3A_1375 = arith.constant 0 : i32
    %dma_wait3A_1376 = arith.constant 0 : i32
    %dma_wait3A_1377 = arith.constant 0 : i32
    %dma_wait3A_1378 = tpu.memref_slice %arg6[%dma_wait3A_1375, %dma_wait3A_1376, %dma_wait3A_1377] : memref<32x16x128xf32, #tpu.memory_space<vmem>> -> memref<32x2x128xf32, #tpu.memory_space<vmem>>
    tpu.wait_dma2 semaphore(%arg8 : memref<!tpu.dma_semaphore, #tpu.memory_space<semaphore_mem>>) src(%dma_wait3A_1378 : memref<32x2x128xf32, #tpu.memory_space<vmem>>) dst(%dma_wait3A_1374 : memref<32x2x128xf32, #tpu.memory_space<hbm>>)
    %dma_wait3A_1379 = arith.constant 2 : i32
    %dma_wait3A_1380 = arith.constant 0 : i32
    %dma_wait3A_1381 = arith.constant 3 : i32
    %dma_wait3A_1382 = arith.constant 0 : i32
    %dma_wait3A_1383 = tpu.memref_slice %arg6[%dma_wait3A_1380, %dma_wait3A_1381, %dma_wait3A_1382] : memref<32x16x128xf32, #tpu.memory_space<vmem>> -> memref<32x13x128xf32, #tpu.memory_space<vmem>>
    %dma_wait3A_1384 = arith.constant 2 : i32
    %dma_wait3A_1385 = arith.constant 0 : i32
    %dma_wait3A_1386 = tpu.memref_slice %arg4[%select_n3A, %mul3A_34, %dma_wait3A_1379, %dma_wait3A_1384, %dma_wait3A_1385] : memref<2x512x16x16x128xf32, #tpu.memory_space<hbm>> -> memref<1x32x1x13x128xf32, #tpu.memory_space<hbm>>
    %dma_wait3A_1387 = tpu.memref_squeeze %dma_wait3A_1386 : memref<1x32x1x13x128xf32, #tpu.memory_space<hbm>> -> memref<32x13x128xf32, #tpu.memory_space<hbm>>
    %dma_wait3A_1388 = arith.constant 2 : i32
    %dma_wait3A_1389 = arith.constant 0 : i32
    %dma_wait3A_1390 = tpu.memref_slice %arg4[%select_n3A, %mul3A_34, %dma_wait3A_1379, %dma_wait3A_1388, %dma_wait3A_1389] : memref<2x512x16x16x128xf32, #tpu.memory_space<hbm>> -> memref<1x32x1x13x128xf32, #tpu.memory_space<hbm>>
    %dma_wait3A_1391 = tpu.memref_squeeze %dma_wait3A_1390 : memref<1x32x1x13x128xf32, #tpu.memory_space<hbm>> -> memref<32x13x128xf32, #tpu.memory_space<hbm>>
    %dma_wait3A_1392 = arith.constant 0 : i32
    %dma_wait3A_1393 = arith.constant 3 : i32
    %dma_wait3A_1394 = arith.constant 0 : i32
    %dma_wait3A_1395 = tpu.memref_slice %arg6[%dma_wait3A_1392, %dma_wait3A_1393, %dma_wait3A_1394] : memref<32x16x128xf32, #tpu.memory_space<vmem>> -> memref<32x13x128xf32, #tpu.memory_space<vmem>>
    tpu.wait_dma2 semaphore(%arg8 : memref<!tpu.dma_semaphore, #tpu.memory_space<semaphore_mem>>) src(%dma_wait3A_1395 : memref<32x13x128xf32, #tpu.memory_space<vmem>>) dst(%dma_wait3A_1391 : memref<32x13x128xf32, #tpu.memory_space<hbm>>)
    %dma_wait3A_1396 = arith.constant 3 : i32
    %dma_wait3A_1397 = arith.constant 0 : i32
    %dma_wait3A_1398 = arith.constant 0 : i32
    %dma_wait3A_1399 = arith.constant 0 : i32
    %dma_wait3A_1400 = tpu.memref_slice %arg6[%dma_wait3A_1397, %dma_wait3A_1398, %dma_wait3A_1399] : memref<32x16x128xf32, #tpu.memory_space<vmem>> -> memref<32x3x128xf32, #tpu.memory_space<vmem>>
    %dma_wait3A_1401 = arith.constant 0 : i32
    %dma_wait3A_1402 = arith.constant 0 : i32
    %dma_wait3A_1403 = tpu.memref_slice %arg4[%select_n3A, %mul3A_34, %dma_wait3A_1396, %dma_wait3A_1401, %dma_wait3A_1402] : memref<2x512x16x16x128xf32, #tpu.memory_space<hbm>> -> memref<1x32x1x3x128xf32, #tpu.memory_space<hbm>>
    %dma_wait3A_1404 = tpu.memref_squeeze %dma_wait3A_1403 : memref<1x32x1x3x128xf32, #tpu.memory_space<hbm>> -> memref<32x3x128xf32, #tpu.memory_space<hbm>>
    %dma_wait3A_1405 = arith.constant 0 : i32
    %dma_wait3A_1406 = arith.constant 0 : i32
    %dma_wait3A_1407 = tpu.memref_slice %arg4[%select_n3A, %mul3A_34, %dma_wait3A_1396, %dma_wait3A_1405, %dma_wait3A_1406] : memref<2x512x16x16x128xf32, #tpu.memory_space<hbm>> -> memref<1x32x1x3x128xf32, #tpu.memory_space<hbm>>
    %dma_wait3A_1408 = tpu.memref_squeeze %dma_wait3A_1407 : memref<1x32x1x3x128xf32, #tpu.memory_space<hbm>> -> memref<32x3x128xf32, #tpu.memory_space<hbm>>
    %dma_wait3A_1409 = arith.constant 0 : i32
    %dma_wait3A_1410 = arith.constant 0 : i32
    %dma_wait3A_1411 = arith.constant 0 : i32
    %dma_wait3A_1412 = tpu.memref_slice %arg6[%dma_wait3A_1409, %dma_wait3A_1410, %dma_wait3A_1411] : memref<32x16x128xf32, #tpu.memory_space<vmem>> -> memref<32x3x128xf32, #tpu.memory_space<vmem>>
    tpu.wait_dma2 semaphore(%arg8 : memref<!tpu.dma_semaphore, #tpu.memory_space<semaphore_mem>>) src(%dma_wait3A_1412 : memref<32x3x128xf32, #tpu.memory_space<vmem>>) dst(%dma_wait3A_1408 : memref<32x3x128xf32, #tpu.memory_space<hbm>>)
    %dma_wait3A_1413 = arith.constant 3 : i32
    %dma_wait3A_1414 = arith.constant 0 : i32
    %dma_wait3A_1415 = arith.constant 4 : i32
    %dma_wait3A_1416 = arith.constant 0 : i32
    %dma_wait3A_1417 = tpu.memref_slice %arg6[%dma_wait3A_1414, %dma_wait3A_1415, %dma_wait3A_1416] : memref<32x16x128xf32, #tpu.memory_space<vmem>> -> memref<32x12x128xf32, #tpu.memory_space<vmem>>
    %dma_wait3A_1418 = arith.constant 3 : i32
    %dma_wait3A_1419 = arith.constant 0 : i32
    %dma_wait3A_1420 = tpu.memref_slice %arg4[%select_n3A, %mul3A_34, %dma_wait3A_1413, %dma_wait3A_1418, %dma_wait3A_1419] : memref<2x512x16x16x128xf32, #tpu.memory_space<hbm>> -> memref<1x32x1x12x128xf32, #tpu.memory_space<hbm>>
    %dma_wait3A_1421 = tpu.memref_squeeze %dma_wait3A_1420 : memref<1x32x1x12x128xf32, #tpu.memory_space<hbm>> -> memref<32x12x128xf32, #tpu.memory_space<hbm>>
    %dma_wait3A_1422 = arith.constant 3 : i32
    %dma_wait3A_1423 = arith.constant 0 : i32
    %dma_wait3A_1424 = tpu.memref_slice %arg4[%select_n3A, %mul3A_34, %dma_wait3A_1413, %dma_wait3A_1422, %dma_wait3A_1423] : memref<2x512x16x16x128xf32, #tpu.memory_space<hbm>> -> memref<1x32x1x12x128xf32, #tpu.memory_space<hbm>>
    %dma_wait3A_1425 = tpu.memref_squeeze %dma_wait3A_1424 : memref<1x32x1x12x128xf32, #tpu.memory_space<hbm>> -> memref<32x12x128xf32, #tpu.memory_space<hbm>>
    %dma_wait3A_1426 = arith.constant 0 : i32
    %dma_wait3A_1427 = arith.constant 4 : i32
    %dma_wait3A_1428 = arith.constant 0 : i32
    %dma_wait3A_1429 = tpu.memref_slice %arg6[%dma_wait3A_1426, %dma_wait3A_1427, %dma_wait3A_1428] : memref<32x16x128xf32, #tpu.memory_space<vmem>> -> memref<32x12x128xf32, #tpu.memory_space<vmem>>
    tpu.wait_dma2 semaphore(%arg8 : memref<!tpu.dma_semaphore, #tpu.memory_space<semaphore_mem>>) src(%dma_wait3A_1429 : memref<32x12x128xf32, #tpu.memory_space<vmem>>) dst(%dma_wait3A_1425 : memref<32x12x128xf32, #tpu.memory_space<hbm>>)
    %dma_wait3A_1430 = arith.constant 4 : i32
    %dma_wait3A_1431 = arith.constant 0 : i32
    %dma_wait3A_1432 = arith.constant 0 : i32
    %dma_wait3A_1433 = arith.constant 0 : i32
    %dma_wait3A_1434 = tpu.memref_slice %arg6[%dma_wait3A_1431, %dma_wait3A_1432, %dma_wait3A_1433] : memref<32x16x128xf32, #tpu.memory_space<vmem>> -> memref<32x4x128xf32, #tpu.memory_space<vmem>>
    %dma_wait3A_1435 = arith.constant 0 : i32
    %dma_wait3A_1436 = arith.constant 0 : i32
    %dma_wait3A_1437 = tpu.memref_slice %arg4[%select_n3A, %mul3A_34, %dma_wait3A_1430, %dma_wait3A_1435, %dma_wait3A_1436] : memref<2x512x16x16x128xf32, #tpu.memory_space<hbm>> -> memref<1x32x1x4x128xf32, #tpu.memory_space<hbm>>
    %dma_wait3A_1438 = tpu.memref_squeeze %dma_wait3A_1437 : memref<1x32x1x4x128xf32, #tpu.memory_space<hbm>> -> memref<32x4x128xf32, #tpu.memory_space<hbm>>
    %dma_wait3A_1439 = arith.constant 0 : i32
    %dma_wait3A_1440 = arith.constant 0 : i32
    %dma_wait3A_1441 = tpu.memref_slice %arg4[%select_n3A, %mul3A_34, %dma_wait3A_1430, %dma_wait3A_1439, %dma_wait3A_1440] : memref<2x512x16x16x128xf32, #tpu.memory_space<hbm>> -> memref<1x32x1x4x128xf32, #tpu.memory_space<hbm>>
    %dma_wait3A_1442 = tpu.memref_squeeze %dma_wait3A_1441 : memref<1x32x1x4x128xf32, #tpu.memory_space<hbm>> -> memref<32x4x128xf32, #tpu.memory_space<hbm>>
    %dma_wait3A_1443 = arith.constant 0 : i32
    %dma_wait3A_1444 = arith.constant 0 : i32
    %dma_wait3A_1445 = arith.constant 0 : i32
    %dma_wait3A_1446 = tpu.memref_slice %arg6[%dma_wait3A_1443, %dma_wait3A_1444, %dma_wait3A_1445] : memref<32x16x128xf32, #tpu.memory_space<vmem>> -> memref<32x4x128xf32, #tpu.memory_space<vmem>>
    tpu.wait_dma2 semaphore(%arg8 : memref<!tpu.dma_semaphore, #tpu.memory_space<semaphore_mem>>) src(%dma_wait3A_1446 : memref<32x4x128xf32, #tpu.memory_space<vmem>>) dst(%dma_wait3A_1442 : memref<32x4x128xf32, #tpu.memory_space<hbm>>)
    %dma_wait3A_1447 = arith.constant 4 : i32
    %dma_wait3A_1448 = arith.constant 0 : i32
    %dma_wait3A_1449 = arith.constant 5 : i32
    %dma_wait3A_1450 = arith.constant 0 : i32
    %dma_wait3A_1451 = tpu.memref_slice %arg6[%dma_wait3A_1448, %dma_wait3A_1449, %dma_wait3A_1450] : memref<32x16x128xf32, #tpu.memory_space<vmem>> -> memref<32x11x128xf32, #tpu.memory_space<vmem>>
    %dma_wait3A_1452 = arith.constant 4 : i32
    %dma_wait3A_1453 = arith.constant 0 : i32
    %dma_wait3A_1454 = tpu.memref_slice %arg4[%select_n3A, %mul3A_34, %dma_wait3A_1447, %dma_wait3A_1452, %dma_wait3A_1453] : memref<2x512x16x16x128xf32, #tpu.memory_space<hbm>> -> memref<1x32x1x11x128xf32, #tpu.memory_space<hbm>>
    %dma_wait3A_1455 = tpu.memref_squeeze %dma_wait3A_1454 : memref<1x32x1x11x128xf32, #tpu.memory_space<hbm>> -> memref<32x11x128xf32, #tpu.memory_space<hbm>>
    %dma_wait3A_1456 = arith.constant 4 : i32
    %dma_wait3A_1457 = arith.constant 0 : i32
    %dma_wait3A_1458 = tpu.memref_slice %arg4[%select_n3A, %mul3A_34, %dma_wait3A_1447, %dma_wait3A_1456, %dma_wait3A_1457] : memref<2x512x16x16x128xf32, #tpu.memory_space<hbm>> -> memref<1x32x1x11x128xf32, #tpu.memory_space<hbm>>
    %dma_wait3A_1459 = tpu.memref_squeeze %dma_wait3A_1458 : memref<1x32x1x11x128xf32, #tpu.memory_space<hbm>> -> memref<32x11x128xf32, #tpu.memory_space<hbm>>
    %dma_wait3A_1460 = arith.constant 0 : i32
    %dma_wait3A_1461 = arith.constant 5 : i32
    %dma_wait3A_1462 = arith.constant 0 : i32
    %dma_wait3A_1463 = tpu.memref_slice %arg6[%dma_wait3A_1460, %dma_wait3A_1461, %dma_wait3A_1462] : memref<32x16x128xf32, #tpu.memory_space<vmem>> -> memref<32x11x128xf32, #tpu.memory_space<vmem>>
    tpu.wait_dma2 semaphore(%arg8 : memref<!tpu.dma_semaphore, #tpu.memory_space<semaphore_mem>>) src(%dma_wait3A_1463 : memref<32x11x128xf32, #tpu.memory_space<vmem>>) dst(%dma_wait3A_1459 : memref<32x11x128xf32, #tpu.memory_space<hbm>>)
    %dma_wait3A_1464 = arith.constant 5 : i32
    %dma_wait3A_1465 = arith.constant 0 : i32
    %dma_wait3A_1466 = arith.constant 0 : i32
    %dma_wait3A_1467 = arith.constant 0 : i32
    %dma_wait3A_1468 = tpu.memref_slice %arg6[%dma_wait3A_1465, %dma_wait3A_1466, %dma_wait3A_1467] : memref<32x16x128xf32, #tpu.memory_space<vmem>> -> memref<32x5x128xf32, #tpu.memory_space<vmem>>
    %dma_wait3A_1469 = arith.constant 0 : i32
    %dma_wait3A_1470 = arith.constant 0 : i32
    %dma_wait3A_1471 = tpu.memref_slice %arg4[%select_n3A, %mul3A_34, %dma_wait3A_1464, %dma_wait3A_1469, %dma_wait3A_1470] : memref<2x512x16x16x128xf32, #tpu.memory_space<hbm>> -> memref<1x32x1x5x128xf32, #tpu.memory_space<hbm>>
    %dma_wait3A_1472 = tpu.memref_squeeze %dma_wait3A_1471 : memref<1x32x1x5x128xf32, #tpu.memory_space<hbm>> -> memref<32x5x128xf32, #tpu.memory_space<hbm>>
    %dma_wait3A_1473 = arith.constant 0 : i32
    %dma_wait3A_1474 = arith.constant 0 : i32
    %dma_wait3A_1475 = tpu.memref_slice %arg4[%select_n3A, %mul3A_34, %dma_wait3A_1464, %dma_wait3A_1473, %dma_wait3A_1474] : memref<2x512x16x16x128xf32, #tpu.memory_space<hbm>> -> memref<1x32x1x5x128xf32, #tpu.memory_space<hbm>>
    %dma_wait3A_1476 = tpu.memref_squeeze %dma_wait3A_1475 : memref<1x32x1x5x128xf32, #tpu.memory_space<hbm>> -> memref<32x5x128xf32, #tpu.memory_space<hbm>>
    %dma_wait3A_1477 = arith.constant 0 : i32
    %dma_wait3A_1478 = arith.constant 0 : i32
    %dma_wait3A_1479 = arith.constant 0 : i32
    %dma_wait3A_1480 = tpu.memref_slice %arg6[%dma_wait3A_1477, %dma_wait3A_1478, %dma_wait3A_1479] : memref<32x16x128xf32, #tpu.memory_space<vmem>> -> memref<32x5x128xf32, #tpu.memory_space<vmem>>
    tpu.wait_dma2 semaphore(%arg8 : memref<!tpu.dma_semaphore, #tpu.memory_space<semaphore_mem>>) src(%dma_wait3A_1480 : memref<32x5x128xf32, #tpu.memory_space<vmem>>) dst(%dma_wait3A_1476 : memref<32x5x128xf32, #tpu.memory_space<hbm>>)
    %dma_wait3A_1481 = arith.constant 5 : i32
    %dma_wait3A_1482 = arith.constant 0 : i32
    %dma_wait3A_1483 = arith.constant 6 : i32
    %dma_wait3A_1484 = arith.constant 0 : i32
    %dma_wait3A_1485 = tpu.memref_slice %arg6[%dma_wait3A_1482, %dma_wait3A_1483, %dma_wait3A_1484] : memref<32x16x128xf32, #tpu.memory_space<vmem>> -> memref<32x10x128xf32, #tpu.memory_space<vmem>>
    %dma_wait3A_1486 = arith.constant 5 : i32
    %dma_wait3A_1487 = arith.constant 0 : i32
    %dma_wait3A_1488 = tpu.memref_slice %arg4[%select_n3A, %mul3A_34, %dma_wait3A_1481, %dma_wait3A_1486, %dma_wait3A_1487] : memref<2x512x16x16x128xf32, #tpu.memory_space<hbm>> -> memref<1x32x1x10x128xf32, #tpu.memory_space<hbm>>
    %dma_wait3A_1489 = tpu.memref_squeeze %dma_wait3A_1488 : memref<1x32x1x10x128xf32, #tpu.memory_space<hbm>> -> memref<32x10x128xf32, #tpu.memory_space<hbm>>
    %dma_wait3A_1490 = arith.constant 5 : i32
    %dma_wait3A_1491 = arith.constant 0 : i32
    %dma_wait3A_1492 = tpu.memref_slice %arg4[%select_n3A, %mul3A_34, %dma_wait3A_1481, %dma_wait3A_1490, %dma_wait3A_1491] : memref<2x512x16x16x128xf32, #tpu.memory_space<hbm>> -> memref<1x32x1x10x128xf32, #tpu.memory_space<hbm>>
    %dma_wait3A_1493 = tpu.memref_squeeze %dma_wait3A_1492 : memref<1x32x1x10x128xf32, #tpu.memory_space<hbm>> -> memref<32x10x128xf32, #tpu.memory_space<hbm>>
    %dma_wait3A_1494 = arith.constant 0 : i32
    %dma_wait3A_1495 = arith.constant 6 : i32
    %dma_wait3A_1496 = arith.constant 0 : i32
    %dma_wait3A_1497 = tpu.memref_slice %arg6[%dma_wait3A_1494, %dma_wait3A_1495, %dma_wait3A_1496] : memref<32x16x128xf32, #tpu.memory_space<vmem>> -> memref<32x10x128xf32, #tpu.memory_space<vmem>>
    tpu.wait_dma2 semaphore(%arg8 : memref<!tpu.dma_semaphore, #tpu.memory_space<semaphore_mem>>) src(%dma_wait3A_1497 : memref<32x10x128xf32, #tpu.memory_space<vmem>>) dst(%dma_wait3A_1493 : memref<32x10x128xf32, #tpu.memory_space<hbm>>)
    %dma_wait3A_1498 = arith.constant 6 : i32
    %dma_wait3A_1499 = arith.constant 0 : i32
    %dma_wait3A_1500 = arith.constant 0 : i32
    %dma_wait3A_1501 = arith.constant 0 : i32
    %dma_wait3A_1502 = tpu.memref_slice %arg6[%dma_wait3A_1499, %dma_wait3A_1500, %dma_wait3A_1501] : memref<32x16x128xf32, #tpu.memory_space<vmem>> -> memref<32x6x128xf32, #tpu.memory_space<vmem>>
    %dma_wait3A_1503 = arith.constant 0 : i32
    %dma_wait3A_1504 = arith.constant 0 : i32
    %dma_wait3A_1505 = tpu.memref_slice %arg4[%select_n3A, %mul3A_34, %dma_wait3A_1498, %dma_wait3A_1503, %dma_wait3A_1504] : memref<2x512x16x16x128xf32, #tpu.memory_space<hbm>> -> memref<1x32x1x6x128xf32, #tpu.memory_space<hbm>>
    %dma_wait3A_1506 = tpu.memref_squeeze %dma_wait3A_1505 : memref<1x32x1x6x128xf32, #tpu.memory_space<hbm>> -> memref<32x6x128xf32, #tpu.memory_space<hbm>>
    %dma_wait3A_1507 = arith.constant 0 : i32
    %dma_wait3A_1508 = arith.constant 0 : i32
    %dma_wait3A_1509 = tpu.memref_slice %arg4[%select_n3A, %mul3A_34, %dma_wait3A_1498, %dma_wait3A_1507, %dma_wait3A_1508] : memref<2x512x16x16x128xf32, #tpu.memory_space<hbm>> -> memref<1x32x1x6x128xf32, #tpu.memory_space<hbm>>
    %dma_wait3A_1510 = tpu.memref_squeeze %dma_wait3A_1509 : memref<1x32x1x6x128xf32, #tpu.memory_space<hbm>> -> memref<32x6x128xf32, #tpu.memory_space<hbm>>
    %dma_wait3A_1511 = arith.constant 0 : i32
    %dma_wait3A_1512 = arith.constant 0 : i32
    %dma_wait3A_1513 = arith.constant 0 : i32
    %dma_wait3A_1514 = tpu.memref_slice %arg6[%dma_wait3A_1511, %dma_wait3A_1512, %dma_wait3A_1513] : memref<32x16x128xf32, #tpu.memory_space<vmem>> -> memref<32x6x128xf32, #tpu.memory_space<vmem>>
    tpu.wait_dma2 semaphore(%arg8 : memref<!tpu.dma_semaphore, #tpu.memory_space<semaphore_mem>>) src(%dma_wait3A_1514 : memref<32x6x128xf32, #tpu.memory_space<vmem>>) dst(%dma_wait3A_1510 : memref<32x6x128xf32, #tpu.memory_space<hbm>>)
    %dma_wait3A_1515 = arith.constant 6 : i32
    %dma_wait3A_1516 = arith.constant 0 : i32
    %dma_wait3A_1517 = arith.constant 7 : i32
    %dma_wait3A_1518 = arith.constant 0 : i32
    %dma_wait3A_1519 = tpu.memref_slice %arg6[%dma_wait3A_1516, %dma_wait3A_1517, %dma_wait3A_1518] : memref<32x16x128xf32, #tpu.memory_space<vmem>> -> memref<32x9x128xf32, #tpu.memory_space<vmem>>
    %dma_wait3A_1520 = arith.constant 6 : i32
    %dma_wait3A_1521 = arith.constant 0 : i32
    %dma_wait3A_1522 = tpu.memref_slice %arg4[%select_n3A, %mul3A_34, %dma_wait3A_1515, %dma_wait3A_1520, %dma_wait3A_1521] : memref<2x512x16x16x128xf32, #tpu.memory_space<hbm>> -> memref<1x32x1x9x128xf32, #tpu.memory_space<hbm>>
    %dma_wait3A_1523 = tpu.memref_squeeze %dma_wait3A_1522 : memref<1x32x1x9x128xf32, #tpu.memory_space<hbm>> -> memref<32x9x128xf32, #tpu.memory_space<hbm>>
    %dma_wait3A_1524 = arith.constant 6 : i32
    %dma_wait3A_1525 = arith.constant 0 : i32
    %dma_wait3A_1526 = tpu.memref_slice %arg4[%select_n3A, %mul3A_34, %dma_wait3A_1515, %dma_wait3A_1524, %dma_wait3A_1525] : memref<2x512x16x16x128xf32, #tpu.memory_space<hbm>> -> memref<1x32x1x9x128xf32, #tpu.memory_space<hbm>>
    %dma_wait3A_1527 = tpu.memref_squeeze %dma_wait3A_1526 : memref<1x32x1x9x128xf32, #tpu.memory_space<hbm>> -> memref<32x9x128xf32, #tpu.memory_space<hbm>>
    %dma_wait3A_1528 = arith.constant 0 : i32
    %dma_wait3A_1529 = arith.constant 7 : i32
    %dma_wait3A_1530 = arith.constant 0 : i32
    %dma_wait3A_1531 = tpu.memref_slice %arg6[%dma_wait3A_1528, %dma_wait3A_1529, %dma_wait3A_1530] : memref<32x16x128xf32, #tpu.memory_space<vmem>> -> memref<32x9x128xf32, #tpu.memory_space<vmem>>
    tpu.wait_dma2 semaphore(%arg8 : memref<!tpu.dma_semaphore, #tpu.memory_space<semaphore_mem>>) src(%dma_wait3A_1531 : memref<32x9x128xf32, #tpu.memory_space<vmem>>) dst(%dma_wait3A_1527 : memref<32x9x128xf32, #tpu.memory_space<hbm>>)
    %dma_wait3A_1532 = arith.constant 7 : i32
    %dma_wait3A_1533 = arith.constant 0 : i32
    %dma_wait3A_1534 = arith.constant 0 : i32
    %dma_wait3A_1535 = arith.constant 0 : i32
    %dma_wait3A_1536 = tpu.memref_slice %arg6[%dma_wait3A_1533, %dma_wait3A_1534, %dma_wait3A_1535] : memref<32x16x128xf32, #tpu.memory_space<vmem>> -> memref<32x7x128xf32, #tpu.memory_space<vmem>>
    %dma_wait3A_1537 = arith.constant 0 : i32
    %dma_wait3A_1538 = arith.constant 0 : i32
    %dma_wait3A_1539 = tpu.memref_slice %arg4[%select_n3A, %mul3A_34, %dma_wait3A_1532, %dma_wait3A_1537, %dma_wait3A_1538] : memref<2x512x16x16x128xf32, #tpu.memory_space<hbm>> -> memref<1x32x1x7x128xf32, #tpu.memory_space<hbm>>
    %dma_wait3A_1540 = tpu.memref_squeeze %dma_wait3A_1539 : memref<1x32x1x7x128xf32, #tpu.memory_space<hbm>> -> memref<32x7x128xf32, #tpu.memory_space<hbm>>
    %dma_wait3A_1541 = arith.constant 0 : i32
    %dma_wait3A_1542 = arith.constant 0 : i32
    %dma_wait3A_1543 = tpu.memref_slice %arg4[%select_n3A, %mul3A_34, %dma_wait3A_1532, %dma_wait3A_1541, %dma_wait3A_1542] : memref<2x512x16x16x128xf32, #tpu.memory_space<hbm>> -> memref<1x32x1x7x128xf32, #tpu.memory_space<hbm>>
    %dma_wait3A_1544 = tpu.memref_squeeze %dma_wait3A_1543 : memref<1x32x1x7x128xf32, #tpu.memory_space<hbm>> -> memref<32x7x128xf32, #tpu.memory_space<hbm>>
    %dma_wait3A_1545 = arith.constant 0 : i32
    %dma_wait3A_1546 = arith.constant 0 : i32
    %dma_wait3A_1547 = arith.constant 0 : i32
    %dma_wait3A_1548 = tpu.memref_slice %arg6[%dma_wait3A_1545, %dma_wait3A_1546, %dma_wait3A_1547] : memref<32x16x128xf32, #tpu.memory_space<vmem>> -> memref<32x7x128xf32, #tpu.memory_space<vmem>>
    tpu.wait_dma2 semaphore(%arg8 : memref<!tpu.dma_semaphore, #tpu.memory_space<semaphore_mem>>) src(%dma_wait3A_1548 : memref<32x7x128xf32, #tpu.memory_space<vmem>>) dst(%dma_wait3A_1544 : memref<32x7x128xf32, #tpu.memory_space<hbm>>)
    %dma_wait3A_1549 = arith.constant 7 : i32
    %dma_wait3A_1550 = arith.constant 0 : i32
    %dma_wait3A_1551 = arith.constant 8 : i32
    %dma_wait3A_1552 = arith.constant 0 : i32
    %dma_wait3A_1553 = tpu.memref_slice %arg6[%dma_wait3A_1550, %dma_wait3A_1551, %dma_wait3A_1552] : memref<32x16x128xf32, #tpu.memory_space<vmem>> -> memref<32x8x128xf32, #tpu.memory_space<vmem>>
    %dma_wait3A_1554 = arith.constant 7 : i32
    %dma_wait3A_1555 = arith.constant 0 : i32
    %dma_wait3A_1556 = tpu.memref_slice %arg4[%select_n3A, %mul3A_34, %dma_wait3A_1549, %dma_wait3A_1554, %dma_wait3A_1555] : memref<2x512x16x16x128xf32, #tpu.memory_space<hbm>> -> memref<1x32x1x8x128xf32, #tpu.memory_space<hbm>>
    %dma_wait3A_1557 = tpu.memref_squeeze %dma_wait3A_1556 : memref<1x32x1x8x128xf32, #tpu.memory_space<hbm>> -> memref<32x8x128xf32, #tpu.memory_space<hbm>>
    %dma_wait3A_1558 = arith.constant 7 : i32
    %dma_wait3A_1559 = arith.constant 0 : i32
    %dma_wait3A_1560 = tpu.memref_slice %arg4[%select_n3A, %mul3A_34, %dma_wait3A_1549, %dma_wait3A_1558, %dma_wait3A_1559] : memref<2x512x16x16x128xf32, #tpu.memory_space<hbm>> -> memref<1x32x1x8x128xf32, #tpu.memory_space<hbm>>
    %dma_wait3A_1561 = tpu.memref_squeeze %dma_wait3A_1560 : memref<1x32x1x8x128xf32, #tpu.memory_space<hbm>> -> memref<32x8x128xf32, #tpu.memory_space<hbm>>
    %dma_wait3A_1562 = arith.constant 0 : i32
    %dma_wait3A_1563 = arith.constant 8 : i32
    %dma_wait3A_1564 = arith.constant 0 : i32
    %dma_wait3A_1565 = tpu.memref_slice %arg6[%dma_wait3A_1562, %dma_wait3A_1563, %dma_wait3A_1564] : memref<32x16x128xf32, #tpu.memory_space<vmem>> -> memref<32x8x128xf32, #tpu.memory_space<vmem>>
    tpu.wait_dma2 semaphore(%arg8 : memref<!tpu.dma_semaphore, #tpu.memory_space<semaphore_mem>>) src(%dma_wait3A_1565 : memref<32x8x128xf32, #tpu.memory_space<vmem>>) dst(%dma_wait3A_1561 : memref<32x8x128xf32, #tpu.memory_space<hbm>>)
    %dma_wait3A_1566 = arith.constant 8 : i32
    %dma_wait3A_1567 = arith.constant 0 : i32
    %dma_wait3A_1568 = arith.constant 0 : i32
    %dma_wait3A_1569 = arith.constant 0 : i32
    %dma_wait3A_1570 = tpu.memref_slice %arg6[%dma_wait3A_1567, %dma_wait3A_1568, %dma_wait3A_1569] : memref<32x16x128xf32, #tpu.memory_space<vmem>> -> memref<32x8x128xf32, #tpu.memory_space<vmem>>
    %dma_wait3A_1571 = arith.constant 0 : i32
    %dma_wait3A_1572 = arith.constant 0 : i32
    %dma_wait3A_1573 = tpu.memref_slice %arg4[%select_n3A, %mul3A_34, %dma_wait3A_1566, %dma_wait3A_1571, %dma_wait3A_1572] : memref<2x512x16x16x128xf32, #tpu.memory_space<hbm>> -> memref<1x32x1x8x128xf32, #tpu.memory_space<hbm>>
    %dma_wait3A_1574 = tpu.memref_squeeze %dma_wait3A_1573 : memref<1x32x1x8x128xf32, #tpu.memory_space<hbm>> -> memref<32x8x128xf32, #tpu.memory_space<hbm>>
    %dma_wait3A_1575 = arith.constant 0 : i32
    %dma_wait3A_1576 = arith.constant 0 : i32
    %dma_wait3A_1577 = tpu.memref_slice %arg4[%select_n3A, %mul3A_34, %dma_wait3A_1566, %dma_wait3A_1575, %dma_wait3A_1576] : memref<2x512x16x16x128xf32, #tpu.memory_space<hbm>> -> memref<1x32x1x8x128xf32, #tpu.memory_space<hbm>>
    %dma_wait3A_1578 = tpu.memref_squeeze %dma_wait3A_1577 : memref<1x32x1x8x128xf32, #tpu.memory_space<hbm>> -> memref<32x8x128xf32, #tpu.memory_space<hbm>>
    %dma_wait3A_1579 = arith.constant 0 : i32
    %dma_wait3A_1580 = arith.constant 0 : i32
    %dma_wait3A_1581 = arith.constant 0 : i32
    %dma_wait3A_1582 = tpu.memref_slice %arg6[%dma_wait3A_1579, %dma_wait3A_1580, %dma_wait3A_1581] : memref<32x16x128xf32, #tpu.memory_space<vmem>> -> memref<32x8x128xf32, #tpu.memory_space<vmem>>
    tpu.wait_dma2 semaphore(%arg8 : memref<!tpu.dma_semaphore, #tpu.memory_space<semaphore_mem>>) src(%dma_wait3A_1582 : memref<32x8x128xf32, #tpu.memory_space<vmem>>) dst(%dma_wait3A_1578 : memref<32x8x128xf32, #tpu.memory_space<hbm>>)
    %dma_wait3A_1583 = arith.constant 8 : i32
    %dma_wait3A_1584 = arith.constant 0 : i32
    %dma_wait3A_1585 = arith.constant 9 : i32
    %dma_wait3A_1586 = arith.constant 0 : i32
    %dma_wait3A_1587 = tpu.memref_slice %arg6[%dma_wait3A_1584, %dma_wait3A_1585, %dma_wait3A_1586] : memref<32x16x128xf32, #tpu.memory_space<vmem>> -> memref<32x7x128xf32, #tpu.memory_space<vmem>>
    %dma_wait3A_1588 = arith.constant 8 : i32
    %dma_wait3A_1589 = arith.constant 0 : i32
    %dma_wait3A_1590 = tpu.memref_slice %arg4[%select_n3A, %mul3A_34, %dma_wait3A_1583, %dma_wait3A_1588, %dma_wait3A_1589] : memref<2x512x16x16x128xf32, #tpu.memory_space<hbm>> -> memref<1x32x1x7x128xf32, #tpu.memory_space<hbm>>
    %dma_wait3A_1591 = tpu.memref_squeeze %dma_wait3A_1590 : memref<1x32x1x7x128xf32, #tpu.memory_space<hbm>> -> memref<32x7x128xf32, #tpu.memory_space<hbm>>
    %dma_wait3A_1592 = arith.constant 8 : i32
    %dma_wait3A_1593 = arith.constant 0 : i32
    %dma_wait3A_1594 = tpu.memref_slice %arg4[%select_n3A, %mul3A_34, %dma_wait3A_1583, %dma_wait3A_1592, %dma_wait3A_1593] : memref<2x512x16x16x128xf32, #tpu.memory_space<hbm>> -> memref<1x32x1x7x128xf32, #tpu.memory_space<hbm>>
    %dma_wait3A_1595 = tpu.memref_squeeze %dma_wait3A_1594 : memref<1x32x1x7x128xf32, #tpu.memory_space<hbm>> -> memref<32x7x128xf32, #tpu.memory_space<hbm>>
    %dma_wait3A_1596 = arith.constant 0 : i32
    %dma_wait3A_1597 = arith.constant 9 : i32
    %dma_wait3A_1598 = arith.constant 0 : i32
    %dma_wait3A_1599 = tpu.memref_slice %arg6[%dma_wait3A_1596, %dma_wait3A_1597, %dma_wait3A_1598] : memref<32x16x128xf32, #tpu.memory_space<vmem>> -> memref<32x7x128xf32, #tpu.memory_space<vmem>>
    tpu.wait_dma2 semaphore(%arg8 : memref<!tpu.dma_semaphore, #tpu.memory_space<semaphore_mem>>) src(%dma_wait3A_1599 : memref<32x7x128xf32, #tpu.memory_space<vmem>>) dst(%dma_wait3A_1595 : memref<32x7x128xf32, #tpu.memory_space<hbm>>)
    %dma_wait3A_1600 = arith.constant 9 : i32
    %dma_wait3A_1601 = arith.constant 0 : i32
    %dma_wait3A_1602 = arith.constant 0 : i32
    %dma_wait3A_1603 = arith.constant 0 : i32
    %dma_wait3A_1604 = tpu.memref_slice %arg6[%dma_wait3A_1601, %dma_wait3A_1602, %dma_wait3A_1603] : memref<32x16x128xf32, #tpu.memory_space<vmem>> -> memref<32x9x128xf32, #tpu.memory_space<vmem>>
    %dma_wait3A_1605 = arith.constant 0 : i32
    %dma_wait3A_1606 = arith.constant 0 : i32
    %dma_wait3A_1607 = tpu.memref_slice %arg4[%select_n3A, %mul3A_34, %dma_wait3A_1600, %dma_wait3A_1605, %dma_wait3A_1606] : memref<2x512x16x16x128xf32, #tpu.memory_space<hbm>> -> memref<1x32x1x9x128xf32, #tpu.memory_space<hbm>>
    %dma_wait3A_1608 = tpu.memref_squeeze %dma_wait3A_1607 : memref<1x32x1x9x128xf32, #tpu.memory_space<hbm>> -> memref<32x9x128xf32, #tpu.memory_space<hbm>>
    %dma_wait3A_1609 = arith.constant 0 : i32
    %dma_wait3A_1610 = arith.constant 0 : i32
    %dma_wait3A_1611 = tpu.memref_slice %arg4[%select_n3A, %mul3A_34, %dma_wait3A_1600, %dma_wait3A_1609, %dma_wait3A_1610] : memref<2x512x16x16x128xf32, #tpu.memory_space<hbm>> -> memref<1x32x1x9x128xf32, #tpu.memory_space<hbm>>
    %dma_wait3A_1612 = tpu.memref_squeeze %dma_wait3A_1611 : memref<1x32x1x9x128xf32, #tpu.memory_space<hbm>> -> memref<32x9x128xf32, #tpu.memory_space<hbm>>
    %dma_wait3A_1613 = arith.constant 0 : i32
    %dma_wait3A_1614 = arith.constant 0 : i32
    %dma_wait3A_1615 = arith.constant 0 : i32
    %dma_wait3A_1616 = tpu.memref_slice %arg6[%dma_wait3A_1613, %dma_wait3A_1614, %dma_wait3A_1615] : memref<32x16x128xf32, #tpu.memory_space<vmem>> -> memref<32x9x128xf32, #tpu.memory_space<vmem>>
    tpu.wait_dma2 semaphore(%arg8 : memref<!tpu.dma_semaphore, #tpu.memory_space<semaphore_mem>>) src(%dma_wait3A_1616 : memref<32x9x128xf32, #tpu.memory_space<vmem>>) dst(%dma_wait3A_1612 : memref<32x9x128xf32, #tpu.memory_space<hbm>>)
    %dma_wait3A_1617 = arith.constant 9 : i32
    %dma_wait3A_1618 = arith.constant 0 : i32
    %dma_wait3A_1619 = arith.constant 10 : i32
    %dma_wait3A_1620 = arith.constant 0 : i32
    %dma_wait3A_1621 = tpu.memref_slice %arg6[%dma_wait3A_1618, %dma_wait3A_1619, %dma_wait3A_1620] : memref<32x16x128xf32, #tpu.memory_space<vmem>> -> memref<32x6x128xf32, #tpu.memory_space<vmem>>
    %dma_wait3A_1622 = arith.constant 9 : i32
    %dma_wait3A_1623 = arith.constant 0 : i32
    %dma_wait3A_1624 = tpu.memref_slice %arg4[%select_n3A, %mul3A_34, %dma_wait3A_1617, %dma_wait3A_1622, %dma_wait3A_1623] : memref<2x512x16x16x128xf32, #tpu.memory_space<hbm>> -> memref<1x32x1x6x128xf32, #tpu.memory_space<hbm>>
    %dma_wait3A_1625 = tpu.memref_squeeze %dma_wait3A_1624 : memref<1x32x1x6x128xf32, #tpu.memory_space<hbm>> -> memref<32x6x128xf32, #tpu.memory_space<hbm>>
    %dma_wait3A_1626 = arith.constant 9 : i32
    %dma_wait3A_1627 = arith.constant 0 : i32
    %dma_wait3A_1628 = tpu.memref_slice %arg4[%select_n3A, %mul3A_34, %dma_wait3A_1617, %dma_wait3A_1626, %dma_wait3A_1627] : memref<2x512x16x16x128xf32, #tpu.memory_space<hbm>> -> memref<1x32x1x6x128xf32, #tpu.memory_space<hbm>>
    %dma_wait3A_1629 = tpu.memref_squeeze %dma_wait3A_1628 : memref<1x32x1x6x128xf32, #tpu.memory_space<hbm>> -> memref<32x6x128xf32, #tpu.memory_space<hbm>>
    %dma_wait3A_1630 = arith.constant 0 : i32
    %dma_wait3A_1631 = arith.constant 10 : i32
    %dma_wait3A_1632 = arith.constant 0 : i32
    %dma_wait3A_1633 = tpu.memref_slice %arg6[%dma_wait3A_1630, %dma_wait3A_1631, %dma_wait3A_1632] : memref<32x16x128xf32, #tpu.memory_space<vmem>> -> memref<32x6x128xf32, #tpu.memory_space<vmem>>
    tpu.wait_dma2 semaphore(%arg8 : memref<!tpu.dma_semaphore, #tpu.memory_space<semaphore_mem>>) src(%dma_wait3A_1633 : memref<32x6x128xf32, #tpu.memory_space<vmem>>) dst(%dma_wait3A_1629 : memref<32x6x128xf32, #tpu.memory_space<hbm>>)
    %dma_wait3A_1634 = arith.constant 10 : i32
    %dma_wait3A_1635 = arith.constant 0 : i32
    %dma_wait3A_1636 = arith.constant 0 : i32
    %dma_wait3A_1637 = arith.constant 0 : i32
    %dma_wait3A_1638 = tpu.memref_slice %arg6[%dma_wait3A_1635, %dma_wait3A_1636, %dma_wait3A_1637] : memref<32x16x128xf32, #tpu.memory_space<vmem>> -> memref<32x10x128xf32, #tpu.memory_space<vmem>>
    %dma_wait3A_1639 = arith.constant 0 : i32
    %dma_wait3A_1640 = arith.constant 0 : i32
    %dma_wait3A_1641 = tpu.memref_slice %arg4[%select_n3A, %mul3A_34, %dma_wait3A_1634, %dma_wait3A_1639, %dma_wait3A_1640] : memref<2x512x16x16x128xf32, #tpu.memory_space<hbm>> -> memref<1x32x1x10x128xf32, #tpu.memory_space<hbm>>
    %dma_wait3A_1642 = tpu.memref_squeeze %dma_wait3A_1641 : memref<1x32x1x10x128xf32, #tpu.memory_space<hbm>> -> memref<32x10x128xf32, #tpu.memory_space<hbm>>
    %dma_wait3A_1643 = arith.constant 0 : i32
    %dma_wait3A_1644 = arith.constant 0 : i32
    %dma_wait3A_1645 = tpu.memref_slice %arg4[%select_n3A, %mul3A_34, %dma_wait3A_1634, %dma_wait3A_1643, %dma_wait3A_1644] : memref<2x512x16x16x128xf32, #tpu.memory_space<hbm>> -> memref<1x32x1x10x128xf32, #tpu.memory_space<hbm>>
    %dma_wait3A_1646 = tpu.memref_squeeze %dma_wait3A_1645 : memref<1x32x1x10x128xf32, #tpu.memory_space<hbm>> -> memref<32x10x128xf32, #tpu.memory_space<hbm>>
    %dma_wait3A_1647 = arith.constant 0 : i32
    %dma_wait3A_1648 = arith.constant 0 : i32
    %dma_wait3A_1649 = arith.constant 0 : i32
    %dma_wait3A_1650 = tpu.memref_slice %arg6[%dma_wait3A_1647, %dma_wait3A_1648, %dma_wait3A_1649] : memref<32x16x128xf32, #tpu.memory_space<vmem>> -> memref<32x10x128xf32, #tpu.memory_space<vmem>>
    tpu.wait_dma2 semaphore(%arg8 : memref<!tpu.dma_semaphore, #tpu.memory_space<semaphore_mem>>) src(%dma_wait3A_1650 : memref<32x10x128xf32, #tpu.memory_space<vmem>>) dst(%dma_wait3A_1646 : memref<32x10x128xf32, #tpu.memory_space<hbm>>)
    %dma_wait3A_1651 = arith.constant 10 : i32
    %dma_wait3A_1652 = arith.constant 0 : i32
    %dma_wait3A_1653 = arith.constant 11 : i32
    %dma_wait3A_1654 = arith.constant 0 : i32
    %dma_wait3A_1655 = tpu.memref_slice %arg6[%dma_wait3A_1652, %dma_wait3A_1653, %dma_wait3A_1654] : memref<32x16x128xf32, #tpu.memory_space<vmem>> -> memref<32x5x128xf32, #tpu.memory_space<vmem>>
    %dma_wait3A_1656 = arith.constant 10 : i32
    %dma_wait3A_1657 = arith.constant 0 : i32
    %dma_wait3A_1658 = tpu.memref_slice %arg4[%select_n3A, %mul3A_34, %dma_wait3A_1651, %dma_wait3A_1656, %dma_wait3A_1657] : memref<2x512x16x16x128xf32, #tpu.memory_space<hbm>> -> memref<1x32x1x5x128xf32, #tpu.memory_space<hbm>>
    %dma_wait3A_1659 = tpu.memref_squeeze %dma_wait3A_1658 : memref<1x32x1x5x128xf32, #tpu.memory_space<hbm>> -> memref<32x5x128xf32, #tpu.memory_space<hbm>>
    %dma_wait3A_1660 = arith.constant 10 : i32
    %dma_wait3A_1661 = arith.constant 0 : i32
    %dma_wait3A_1662 = tpu.memref_slice %arg4[%select_n3A, %mul3A_34, %dma_wait3A_1651, %dma_wait3A_1660, %dma_wait3A_1661] : memref<2x512x16x16x128xf32, #tpu.memory_space<hbm>> -> memref<1x32x1x5x128xf32, #tpu.memory_space<hbm>>
    %dma_wait3A_1663 = tpu.memref_squeeze %dma_wait3A_1662 : memref<1x32x1x5x128xf32, #tpu.memory_space<hbm>> -> memref<32x5x128xf32, #tpu.memory_space<hbm>>
    %dma_wait3A_1664 = arith.constant 0 : i32
    %dma_wait3A_1665 = arith.constant 11 : i32
    %dma_wait3A_1666 = arith.constant 0 : i32
    %dma_wait3A_1667 = tpu.memref_slice %arg6[%dma_wait3A_1664, %dma_wait3A_1665, %dma_wait3A_1666] : memref<32x16x128xf32, #tpu.memory_space<vmem>> -> memref<32x5x128xf32, #tpu.memory_space<vmem>>
    tpu.wait_dma2 semaphore(%arg8 : memref<!tpu.dma_semaphore, #tpu.memory_space<semaphore_mem>>) src(%dma_wait3A_1667 : memref<32x5x128xf32, #tpu.memory_space<vmem>>) dst(%dma_wait3A_1663 : memref<32x5x128xf32, #tpu.memory_space<hbm>>)
    %dma_wait3A_1668 = arith.constant 11 : i32
    %dma_wait3A_1669 = arith.constant 0 : i32
    %dma_wait3A_1670 = arith.constant 0 : i32
    %dma_wait3A_1671 = arith.constant 0 : i32
    %dma_wait3A_1672 = tpu.memref_slice %arg6[%dma_wait3A_1669, %dma_wait3A_1670, %dma_wait3A_1671] : memref<32x16x128xf32, #tpu.memory_space<vmem>> -> memref<32x11x128xf32, #tpu.memory_space<vmem>>
    %dma_wait3A_1673 = arith.constant 0 : i32
    %dma_wait3A_1674 = arith.constant 0 : i32
    %dma_wait3A_1675 = tpu.memref_slice %arg4[%select_n3A, %mul3A_34, %dma_wait3A_1668, %dma_wait3A_1673, %dma_wait3A_1674] : memref<2x512x16x16x128xf32, #tpu.memory_space<hbm>> -> memref<1x32x1x11x128xf32, #tpu.memory_space<hbm>>
    %dma_wait3A_1676 = tpu.memref_squeeze %dma_wait3A_1675 : memref<1x32x1x11x128xf32, #tpu.memory_space<hbm>> -> memref<32x11x128xf32, #tpu.memory_space<hbm>>
    %dma_wait3A_1677 = arith.constant 0 : i32
    %dma_wait3A_1678 = arith.constant 0 : i32
    %dma_wait3A_1679 = tpu.memref_slice %arg4[%select_n3A, %mul3A_34, %dma_wait3A_1668, %dma_wait3A_1677, %dma_wait3A_1678] : memref<2x512x16x16x128xf32, #tpu.memory_space<hbm>> -> memref<1x32x1x11x128xf32, #tpu.memory_space<hbm>>
    %dma_wait3A_1680 = tpu.memref_squeeze %dma_wait3A_1679 : memref<1x32x1x11x128xf32, #tpu.memory_space<hbm>> -> memref<32x11x128xf32, #tpu.memory_space<hbm>>
    %dma_wait3A_1681 = arith.constant 0 : i32
    %dma_wait3A_1682 = arith.constant 0 : i32
    %dma_wait3A_1683 = arith.constant 0 : i32
    %dma_wait3A_1684 = tpu.memref_slice %arg6[%dma_wait3A_1681, %dma_wait3A_1682, %dma_wait3A_1683] : memref<32x16x128xf32, #tpu.memory_space<vmem>> -> memref<32x11x128xf32, #tpu.memory_space<vmem>>
    tpu.wait_dma2 semaphore(%arg8 : memref<!tpu.dma_semaphore, #tpu.memory_space<semaphore_mem>>) src(%dma_wait3A_1684 : memref<32x11x128xf32, #tpu.memory_space<vmem>>) dst(%dma_wait3A_1680 : memref<32x11x128xf32, #tpu.memory_space<hbm>>)
    %dma_wait3A_1685 = arith.constant 11 : i32
    %dma_wait3A_1686 = arith.constant 0 : i32
    %dma_wait3A_1687 = arith.constant 12 : i32
    %dma_wait3A_1688 = arith.constant 0 : i32
    %dma_wait3A_1689 = tpu.memref_slice %arg6[%dma_wait3A_1686, %dma_wait3A_1687, %dma_wait3A_1688] : memref<32x16x128xf32, #tpu.memory_space<vmem>> -> memref<32x4x128xf32, #tpu.memory_space<vmem>>
    %dma_wait3A_1690 = arith.constant 11 : i32
    %dma_wait3A_1691 = arith.constant 0 : i32
    %dma_wait3A_1692 = tpu.memref_slice %arg4[%select_n3A, %mul3A_34, %dma_wait3A_1685, %dma_wait3A_1690, %dma_wait3A_1691] : memref<2x512x16x16x128xf32, #tpu.memory_space<hbm>> -> memref<1x32x1x4x128xf32, #tpu.memory_space<hbm>>
    %dma_wait3A_1693 = tpu.memref_squeeze %dma_wait3A_1692 : memref<1x32x1x4x128xf32, #tpu.memory_space<hbm>> -> memref<32x4x128xf32, #tpu.memory_space<hbm>>
    %dma_wait3A_1694 = arith.constant 11 : i32
    %dma_wait3A_1695 = arith.constant 0 : i32
    %dma_wait3A_1696 = tpu.memref_slice %arg4[%select_n3A, %mul3A_34, %dma_wait3A_1685, %dma_wait3A_1694, %dma_wait3A_1695] : memref<2x512x16x16x128xf32, #tpu.memory_space<hbm>> -> memref<1x32x1x4x128xf32, #tpu.memory_space<hbm>>
    %dma_wait3A_1697 = tpu.memref_squeeze %dma_wait3A_1696 : memref<1x32x1x4x128xf32, #tpu.memory_space<hbm>> -> memref<32x4x128xf32, #tpu.memory_space<hbm>>
    %dma_wait3A_1698 = arith.constant 0 : i32
    %dma_wait3A_1699 = arith.constant 12 : i32
    %dma_wait3A_1700 = arith.constant 0 : i32
    %dma_wait3A_1701 = tpu.memref_slice %arg6[%dma_wait3A_1698, %dma_wait3A_1699, %dma_wait3A_1700] : memref<32x16x128xf32, #tpu.memory_space<vmem>> -> memref<32x4x128xf32, #tpu.memory_space<vmem>>
    tpu.wait_dma2 semaphore(%arg8 : memref<!tpu.dma_semaphore, #tpu.memory_space<semaphore_mem>>) src(%dma_wait3A_1701 : memref<32x4x128xf32, #tpu.memory_space<vmem>>) dst(%dma_wait3A_1697 : memref<32x4x128xf32, #tpu.memory_space<hbm>>)
    %dma_wait3A_1702 = arith.constant 12 : i32
    %dma_wait3A_1703 = arith.constant 0 : i32
    %dma_wait3A_1704 = arith.constant 0 : i32
    %dma_wait3A_1705 = arith.constant 0 : i32
    %dma_wait3A_1706 = tpu.memref_slice %arg6[%dma_wait3A_1703, %dma_wait3A_1704, %dma_wait3A_1705] : memref<32x16x128xf32, #tpu.memory_space<vmem>> -> memref<32x12x128xf32, #tpu.memory_space<vmem>>
    %dma_wait3A_1707 = arith.constant 0 : i32
    %dma_wait3A_1708 = arith.constant 0 : i32
    %dma_wait3A_1709 = tpu.memref_slice %arg4[%select_n3A, %mul3A_34, %dma_wait3A_1702, %dma_wait3A_1707, %dma_wait3A_1708] : memref<2x512x16x16x128xf32, #tpu.memory_space<hbm>> -> memref<1x32x1x12x128xf32, #tpu.memory_space<hbm>>
    %dma_wait3A_1710 = tpu.memref_squeeze %dma_wait3A_1709 : memref<1x32x1x12x128xf32, #tpu.memory_space<hbm>> -> memref<32x12x128xf32, #tpu.memory_space<hbm>>
    %dma_wait3A_1711 = arith.constant 0 : i32
    %dma_wait3A_1712 = arith.constant 0 : i32
    %dma_wait3A_1713 = tpu.memref_slice %arg4[%select_n3A, %mul3A_34, %dma_wait3A_1702, %dma_wait3A_1711, %dma_wait3A_1712] : memref<2x512x16x16x128xf32, #tpu.memory_space<hbm>> -> memref<1x32x1x12x128xf32, #tpu.memory_space<hbm>>
    %dma_wait3A_1714 = tpu.memref_squeeze %dma_wait3A_1713 : memref<1x32x1x12x128xf32, #tpu.memory_space<hbm>> -> memref<32x12x128xf32, #tpu.memory_space<hbm>>
    %dma_wait3A_1715 = arith.constant 0 : i32
    %dma_wait3A_1716 = arith.constant 0 : i32
    %dma_wait3A_1717 = arith.constant 0 : i32
    %dma_wait3A_1718 = tpu.memref_slice %arg6[%dma_wait3A_1715, %dma_wait3A_1716, %dma_wait3A_1717] : memref<32x16x128xf32, #tpu.memory_space<vmem>> -> memref<32x12x128xf32, #tpu.memory_space<vmem>>
    tpu.wait_dma2 semaphore(%arg8 : memref<!tpu.dma_semaphore, #tpu.memory_space<semaphore_mem>>) src(%dma_wait3A_1718 : memref<32x12x128xf32, #tpu.memory_space<vmem>>) dst(%dma_wait3A_1714 : memref<32x12x128xf32, #tpu.memory_space<hbm>>)
    %dma_wait3A_1719 = arith.constant 12 : i32
    %dma_wait3A_1720 = arith.constant 0 : i32
    %dma_wait3A_1721 = arith.constant 13 : i32
    %dma_wait3A_1722 = arith.constant 0 : i32
    %dma_wait3A_1723 = tpu.memref_slice %arg6[%dma_wait3A_1720, %dma_wait3A_1721, %dma_wait3A_1722] : memref<32x16x128xf32, #tpu.memory_space<vmem>> -> memref<32x3x128xf32, #tpu.memory_space<vmem>>
    %dma_wait3A_1724 = arith.constant 12 : i32
    %dma_wait3A_1725 = arith.constant 0 : i32
    %dma_wait3A_1726 = tpu.memref_slice %arg4[%select_n3A, %mul3A_34, %dma_wait3A_1719, %dma_wait3A_1724, %dma_wait3A_1725] : memref<2x512x16x16x128xf32, #tpu.memory_space<hbm>> -> memref<1x32x1x3x128xf32, #tpu.memory_space<hbm>>
    %dma_wait3A_1727 = tpu.memref_squeeze %dma_wait3A_1726 : memref<1x32x1x3x128xf32, #tpu.memory_space<hbm>> -> memref<32x3x128xf32, #tpu.memory_space<hbm>>
    %dma_wait3A_1728 = arith.constant 12 : i32
    %dma_wait3A_1729 = arith.constant 0 : i32
    %dma_wait3A_1730 = tpu.memref_slice %arg4[%select_n3A, %mul3A_34, %dma_wait3A_1719, %dma_wait3A_1728, %dma_wait3A_1729] : memref<2x512x16x16x128xf32, #tpu.memory_space<hbm>> -> memref<1x32x1x3x128xf32, #tpu.memory_space<hbm>>
    %dma_wait3A_1731 = tpu.memref_squeeze %dma_wait3A_1730 : memref<1x32x1x3x128xf32, #tpu.memory_space<hbm>> -> memref<32x3x128xf32, #tpu.memory_space<hbm>>
    %dma_wait3A_1732 = arith.constant 0 : i32
    %dma_wait3A_1733 = arith.constant 13 : i32
    %dma_wait3A_1734 = arith.constant 0 : i32
    %dma_wait3A_1735 = tpu.memref_slice %arg6[%dma_wait3A_1732, %dma_wait3A_1733, %dma_wait3A_1734] : memref<32x16x128xf32, #tpu.memory_space<vmem>> -> memref<32x3x128xf32, #tpu.memory_space<vmem>>
    tpu.wait_dma2 semaphore(%arg8 : memref<!tpu.dma_semaphore, #tpu.memory_space<semaphore_mem>>) src(%dma_wait3A_1735 : memref<32x3x128xf32, #tpu.memory_space<vmem>>) dst(%dma_wait3A_1731 : memref<32x3x128xf32, #tpu.memory_space<hbm>>)
    %dma_wait3A_1736 = arith.constant 13 : i32
    %dma_wait3A_1737 = arith.constant 0 : i32
    %dma_wait3A_1738 = arith.constant 0 : i32
    %dma_wait3A_1739 = arith.constant 0 : i32
    %dma_wait3A_1740 = tpu.memref_slice %arg6[%dma_wait3A_1737, %dma_wait3A_1738, %dma_wait3A_1739] : memref<32x16x128xf32, #tpu.memory_space<vmem>> -> memref<32x13x128xf32, #tpu.memory_space<vmem>>
    %dma_wait3A_1741 = arith.constant 0 : i32
    %dma_wait3A_1742 = arith.constant 0 : i32
    %dma_wait3A_1743 = tpu.memref_slice %arg4[%select_n3A, %mul3A_34, %dma_wait3A_1736, %dma_wait3A_1741, %dma_wait3A_1742] : memref<2x512x16x16x128xf32, #tpu.memory_space<hbm>> -> memref<1x32x1x13x128xf32, #tpu.memory_space<hbm>>
    %dma_wait3A_1744 = tpu.memref_squeeze %dma_wait3A_1743 : memref<1x32x1x13x128xf32, #tpu.memory_space<hbm>> -> memref<32x13x128xf32, #tpu.memory_space<hbm>>
    %dma_wait3A_1745 = arith.constant 0 : i32
    %dma_wait3A_1746 = arith.constant 0 : i32
    %dma_wait3A_1747 = tpu.memref_slice %arg4[%select_n3A, %mul3A_34, %dma_wait3A_1736, %dma_wait3A_1745, %dma_wait3A_1746] : memref<2x512x16x16x128xf32, #tpu.memory_space<hbm>> -> memref<1x32x1x13x128xf32, #tpu.memory_space<hbm>>
    %dma_wait3A_1748 = tpu.memref_squeeze %dma_wait3A_1747 : memref<1x32x1x13x128xf32, #tpu.memory_space<hbm>> -> memref<32x13x128xf32, #tpu.memory_space<hbm>>
    %dma_wait3A_1749 = arith.constant 0 : i32
    %dma_wait3A_1750 = arith.constant 0 : i32
    %dma_wait3A_1751 = arith.constant 0 : i32
    %dma_wait3A_1752 = tpu.memref_slice %arg6[%dma_wait3A_1749, %dma_wait3A_1750, %dma_wait3A_1751] : memref<32x16x128xf32, #tpu.memory_space<vmem>> -> memref<32x13x128xf32, #tpu.memory_space<vmem>>
    tpu.wait_dma2 semaphore(%arg8 : memref<!tpu.dma_semaphore, #tpu.memory_space<semaphore_mem>>) src(%dma_wait3A_1752 : memref<32x13x128xf32, #tpu.memory_space<vmem>>) dst(%dma_wait3A_1748 : memref<32x13x128xf32, #tpu.memory_space<hbm>>)
    %dma_wait3A_1753 = arith.constant 13 : i32
    %dma_wait3A_1754 = arith.constant 0 : i32
    %dma_wait3A_1755 = arith.constant 14 : i32
    %dma_wait3A_1756 = arith.constant 0 : i32
    %dma_wait3A_1757 = tpu.memref_slice %arg6[%dma_wait3A_1754, %dma_wait3A_1755, %dma_wait3A_1756] : memref<32x16x128xf32, #tpu.memory_space<vmem>> -> memref<32x2x128xf32, #tpu.memory_space<vmem>>
    %dma_wait3A_1758 = arith.constant 13 : i32
    %dma_wait3A_1759 = arith.constant 0 : i32
    %dma_wait3A_1760 = tpu.memref_slice %arg4[%select_n3A, %mul3A_34, %dma_wait3A_1753, %dma_wait3A_1758, %dma_wait3A_1759] : memref<2x512x16x16x128xf32, #tpu.memory_space<hbm>> -> memref<1x32x1x2x128xf32, #tpu.memory_space<hbm>>
    %dma_wait3A_1761 = tpu.memref_squeeze %dma_wait3A_1760 : memref<1x32x1x2x128xf32, #tpu.memory_space<hbm>> -> memref<32x2x128xf32, #tpu.memory_space<hbm>>
    %dma_wait3A_1762 = arith.constant 13 : i32
    %dma_wait3A_1763 = arith.constant 0 : i32
    %dma_wait3A_1764 = tpu.memref_slice %arg4[%select_n3A, %mul3A_34, %dma_wait3A_1753, %dma_wait3A_1762, %dma_wait3A_1763] : memref<2x512x16x16x128xf32, #tpu.memory_space<hbm>> -> memref<1x32x1x2x128xf32, #tpu.memory_space<hbm>>
    %dma_wait3A_1765 = tpu.memref_squeeze %dma_wait3A_1764 : memref<1x32x1x2x128xf32, #tpu.memory_space<hbm>> -> memref<32x2x128xf32, #tpu.memory_space<hbm>>
    %dma_wait3A_1766 = arith.constant 0 : i32
    %dma_wait3A_1767 = arith.constant 14 : i32
    %dma_wait3A_1768 = arith.constant 0 : i32
    %dma_wait3A_1769 = tpu.memref_slice %arg6[%dma_wait3A_1766, %dma_wait3A_1767, %dma_wait3A_1768] : memref<32x16x128xf32, #tpu.memory_space<vmem>> -> memref<32x2x128xf32, #tpu.memory_space<vmem>>
    tpu.wait_dma2 semaphore(%arg8 : memref<!tpu.dma_semaphore, #tpu.memory_space<semaphore_mem>>) src(%dma_wait3A_1769 : memref<32x2x128xf32, #tpu.memory_space<vmem>>) dst(%dma_wait3A_1765 : memref<32x2x128xf32, #tpu.memory_space<hbm>>)
    %dma_wait3A_1770 = arith.constant 14 : i32
    %dma_wait3A_1771 = arith.constant 0 : i32
    %dma_wait3A_1772 = arith.constant 0 : i32
    %dma_wait3A_1773 = arith.constant 0 : i32
    %dma_wait3A_1774 = tpu.memref_slice %arg6[%dma_wait3A_1771, %dma_wait3A_1772, %dma_wait3A_1773] : memref<32x16x128xf32, #tpu.memory_space<vmem>> -> memref<32x14x128xf32, #tpu.memory_space<vmem>>
    %dma_wait3A_1775 = arith.constant 0 : i32
    %dma_wait3A_1776 = arith.constant 0 : i32
    %dma_wait3A_1777 = tpu.memref_slice %arg4[%select_n3A, %mul3A_34, %dma_wait3A_1770, %dma_wait3A_1775, %dma_wait3A_1776] : memref<2x512x16x16x128xf32, #tpu.memory_space<hbm>> -> memref<1x32x1x14x128xf32, #tpu.memory_space<hbm>>
    %dma_wait3A_1778 = tpu.memref_squeeze %dma_wait3A_1777 : memref<1x32x1x14x128xf32, #tpu.memory_space<hbm>> -> memref<32x14x128xf32, #tpu.memory_space<hbm>>
    %dma_wait3A_1779 = arith.constant 0 : i32
    %dma_wait3A_1780 = arith.constant 0 : i32
    %dma_wait3A_1781 = tpu.memref_slice %arg4[%select_n3A, %mul3A_34, %dma_wait3A_1770, %dma_wait3A_1779, %dma_wait3A_1780] : memref<2x512x16x16x128xf32, #tpu.memory_space<hbm>> -> memref<1x32x1x14x128xf32, #tpu.memory_space<hbm>>
    %dma_wait3A_1782 = tpu.memref_squeeze %dma_wait3A_1781 : memref<1x32x1x14x128xf32, #tpu.memory_space<hbm>> -> memref<32x14x128xf32, #tpu.memory_space<hbm>>
    %dma_wait3A_1783 = arith.constant 0 : i32
    %dma_wait3A_1784 = arith.constant 0 : i32
    %dma_wait3A_1785 = arith.constant 0 : i32
    %dma_wait3A_1786 = tpu.memref_slice %arg6[%dma_wait3A_1783, %dma_wait3A_1784, %dma_wait3A_1785] : memref<32x16x128xf32, #tpu.memory_space<vmem>> -> memref<32x14x128xf32, #tpu.memory_space<vmem>>
    tpu.wait_dma2 semaphore(%arg8 : memref<!tpu.dma_semaphore, #tpu.memory_space<semaphore_mem>>) src(%dma_wait3A_1786 : memref<32x14x128xf32, #tpu.memory_space<vmem>>) dst(%dma_wait3A_1782 : memref<32x14x128xf32, #tpu.memory_space<hbm>>)
    %dma_wait3A_1787 = arith.constant 14 : i32
    %dma_wait3A_1788 = arith.constant 0 : i32
    %dma_wait3A_1789 = arith.constant 15 : i32
    %dma_wait3A_1790 = arith.constant 0 : i32
    %dma_wait3A_1791 = tpu.memref_slice %arg6[%dma_wait3A_1788, %dma_wait3A_1789, %dma_wait3A_1790] : memref<32x16x128xf32, #tpu.memory_space<vmem>> -> memref<32x1x128xf32, #tpu.memory_space<vmem>>
    %dma_wait3A_1792 = arith.constant 14 : i32
    %dma_wait3A_1793 = arith.constant 0 : i32
    %dma_wait3A_1794 = tpu.memref_slice %arg4[%select_n3A, %mul3A_34, %dma_wait3A_1787, %dma_wait3A_1792, %dma_wait3A_1793] : memref<2x512x16x16x128xf32, #tpu.memory_space<hbm>> -> memref<1x32x1x1x128xf32, #tpu.memory_space<hbm>>
    %dma_wait3A_1795 = tpu.memref_squeeze %dma_wait3A_1794 : memref<1x32x1x1x128xf32, #tpu.memory_space<hbm>> -> memref<32x1x128xf32, #tpu.memory_space<hbm>>
    %dma_wait3A_1796 = arith.constant 14 : i32
    %dma_wait3A_1797 = arith.constant 0 : i32
    %dma_wait3A_1798 = tpu.memref_slice %arg4[%select_n3A, %mul3A_34, %dma_wait3A_1787, %dma_wait3A_1796, %dma_wait3A_1797] : memref<2x512x16x16x128xf32, #tpu.memory_space<hbm>> -> memref<1x32x1x1x128xf32, #tpu.memory_space<hbm>>
    %dma_wait3A_1799 = tpu.memref_squeeze %dma_wait3A_1798 : memref<1x32x1x1x128xf32, #tpu.memory_space<hbm>> -> memref<32x1x128xf32, #tpu.memory_space<hbm>>
    %dma_wait3A_1800 = arith.constant 0 : i32
    %dma_wait3A_1801 = arith.constant 15 : i32
    %dma_wait3A_1802 = arith.constant 0 : i32
    %dma_wait3A_1803 = tpu.memref_slice %arg6[%dma_wait3A_1800, %dma_wait3A_1801, %dma_wait3A_1802] : memref<32x16x128xf32, #tpu.memory_space<vmem>> -> memref<32x1x128xf32, #tpu.memory_space<vmem>>
    tpu.wait_dma2 semaphore(%arg8 : memref<!tpu.dma_semaphore, #tpu.memory_space<semaphore_mem>>) src(%dma_wait3A_1803 : memref<32x1x128xf32, #tpu.memory_space<vmem>>) dst(%dma_wait3A_1799 : memref<32x1x128xf32, #tpu.memory_space<hbm>>)
    %dma_wait3A_1804 = arith.constant 15 : i32
    %dma_wait3A_1805 = arith.constant 0 : i32
    %dma_wait3A_1806 = arith.constant 0 : i32
    %dma_wait3A_1807 = arith.constant 0 : i32
    %dma_wait3A_1808 = tpu.memref_slice %arg6[%dma_wait3A_1805, %dma_wait3A_1806, %dma_wait3A_1807] : memref<32x16x128xf32, #tpu.memory_space<vmem>> -> memref<32x15x128xf32, #tpu.memory_space<vmem>>
    %dma_wait3A_1809 = arith.constant 0 : i32
    %dma_wait3A_1810 = arith.constant 0 : i32
    %dma_wait3A_1811 = tpu.memref_slice %arg4[%select_n3A, %mul3A_34, %dma_wait3A_1804, %dma_wait3A_1809, %dma_wait3A_1810] : memref<2x512x16x16x128xf32, #tpu.memory_space<hbm>> -> memref<1x32x1x15x128xf32, #tpu.memory_space<hbm>>
    %dma_wait3A_1812 = tpu.memref_squeeze %dma_wait3A_1811 : memref<1x32x1x15x128xf32, #tpu.memory_space<hbm>> -> memref<32x15x128xf32, #tpu.memory_space<hbm>>
    %dma_wait3A_1813 = arith.constant 0 : i32
    %dma_wait3A_1814 = arith.constant 0 : i32
    %dma_wait3A_1815 = tpu.memref_slice %arg4[%select_n3A, %mul3A_34, %dma_wait3A_1804, %dma_wait3A_1813, %dma_wait3A_1814] : memref<2x512x16x16x128xf32, #tpu.memory_space<hbm>> -> memref<1x32x1x15x128xf32, #tpu.memory_space<hbm>>
    %dma_wait3A_1816 = tpu.memref_squeeze %dma_wait3A_1815 : memref<1x32x1x15x128xf32, #tpu.memory_space<hbm>> -> memref<32x15x128xf32, #tpu.memory_space<hbm>>
    %dma_wait3A_1817 = arith.constant 0 : i32
    %dma_wait3A_1818 = arith.constant 0 : i32
    %dma_wait3A_1819 = arith.constant 0 : i32
    %dma_wait3A_1820 = tpu.memref_slice %arg6[%dma_wait3A_1817, %dma_wait3A_1818, %dma_wait3A_1819] : memref<32x16x128xf32, #tpu.memory_space<vmem>> -> memref<32x15x128xf32, #tpu.memory_space<vmem>>
    tpu.wait_dma2 semaphore(%arg8 : memref<!tpu.dma_semaphore, #tpu.memory_space<semaphore_mem>>) src(%dma_wait3A_1820 : memref<32x15x128xf32, #tpu.memory_space<vmem>>) dst(%dma_wait3A_1816 : memref<32x15x128xf32, #tpu.memory_space<hbm>>)
    return
  }
}

</mosaic_0001>

<sc_bundles>
// kernel: kernel.3.cloned.1.call-start
scs
__scs_entry_jumppad:
0x0: {  	(pc) =	sbr.rel $0x88, $3  }
0x1: {  	(tag) =	ssettag $0x0;
	lr =	simm.s32 $0x1  }
0x2: {  	[smem:$0x3F9F] =	sst lr;
	_ =	strace $0xD0000000  }
0x3: {  	_ = 	snop  }
0x4: {  	_ = 	snop  }
0x5: {  	_ = 	snop  }
0x6: {  	_ = 	snop  }
0x7: {  	_ = 	snop  }
__scs_overlays_trampoline_lowered:
0x8: {  	[smem:$0x3FAE] =	sst s0  }
0x9: {  	[smem:$0x3FAF] =	sst s1  }
0xa: {  	[smem:$0x3FB0] =	sst s2  }
0xb: {  	[smem:$0x3FB1] =	sst s3  }
0xc: {  	[smem:$0x3FB2] =	sst s4  }
0xd: {  	[smem:$0x3FB3] =	sst s5  }
0xe: {  	[smem:$0x3FB4] =	sst s6  }
0xf: {  	[smem:$0x3FB5] =	sst s7  }
0x10: {  	[smem:$0x3FB6] =	sst s8  }
0x11: {  	[smem:$0x3FB7] =	sst s9;
	s0 =	simm.s32 @!p0 $0x0  }
0x12: {  	s1 =	sld [smem:$0x3F9D];
	s0 =	simm.s32 @p0 $0x1  }
0x13: {  	[smem:$0x3FB8] =	sst s0;
	s0 =	simm.s32 @!p1 $0x0  }
0x14: {  	s2 =	sld [smem:$0x3F9C];
	s0 =	simm.s32 @p1 $0x1  }
0x15: {  	[smem:$0x3FB9] =	sst s0;
	s0 =	simm.s32 @!p2 $0x0  }
0x16: {  	s3 =	sld [smem:$0x3FDB];
	s0 =	simm.s32 @p2 $0x1  }
0x17: {  	s4 =	simm.s32 $0x1BF5;
	[smem:$0x3FBB] =	sst s0  }
0x18: {  	s0 =	sld [smem:$0x3F9E];
	_ =	swait.ge [sflag:s4], $0x0  }
0x19: {  	s7 =	sld [smem:$0x3F9F]  }
0x1a: {  	s8 =	sadd.s32 $0xFFFFE003, lr  }
0x1b: {  	s9 =	sadd.s32 $0xFFFFFEF7, lr;
	s5 =	simm.s32 $0xFFFFFFFF;
	p2 =	slt.u32 s8, $0xFFFFF086  }
0x1c: {  	p1 =	slt.u32 s9, $0xF7A;
	s5 =	simm.s32 @!p2 $0x0  }
0x1d: {  	s5 =	simm.s32 @p1 $0x1;
	p0 =	seq.s32 s7, s2  }
0x1e: {  	s7 =	smul.u32 @!p0 $0xF7A, s2;
	p2 =	seq.s32 @!p0 s5, $0x0  }
0x1f: {  	s9 =	smul.u32 $0xF7A, s1;
	s8 =	simm.s32 @!p0 $0x1BF5;
	p2 =	por !p2, p0  }
0x20: {  	[sflag:s8] =	ssyncset.s32 @!p0 $0xFFFFF086;
	s6 =	sadd.s32 @!p0 s3, s7;
	s7 =	simm.s32 @!p0 $0x108  }
0x21: {  	s3 =	sadd.s32 s3, s9;
	s6 =	sadd.s32 @!p0 $0x88, s6;
	s7 =	simm.s32 @p2 $0x1082  }
0x22: {  	[simem:s7], [sflag:s8] =	dma.local @!p0 [hbm:s6], $0xF7A  }
0x23: {  	s9 =	sor.u32 $0xD0000000, s2;
	s6 =	simm.s32 $0x108;
	_ =	swait.ge @!p0 [sflag:s8], $0x0  }
0x24: {  	s3 =	sadd.s32 $0x88, s3;
	s6 =	simm.s32 @!p1 $0x1082;
	[sflag:s4] =	ssyncset.s32 $0xFFFFF086  }
0x25: {  	[simem:s6], [sflag:s4] =	dma.local [hbm:s3], $0xF7A  }
0x26: {  	[smem:$0x3F9F] =	sst s1;
	(tag) =	ssettag s2;
	_ =	strace s9  }
0x27: {  	s1 =	sld [smem:$0x3FAF]  }
0x28: {  	s2 =	sld [smem:$0x3FB0]  }
0x29: {  	s4 =	sld [smem:$0x3FB2]  }
0x2a: {  	p0 =	seq.s32 s5, $0x0;
	s5 =	sld [smem:$0x3FB3]  }
0x2b: {  	s6 =	sld [smem:$0x3FB4]  }
0x2c: {  	s7 =	sld [smem:$0x3FB5]  }
0x2d: {  	s3 =	simm.s32 $0x108;
	s8 =	sld [smem:$0x3FB6]  }
0x2e: {  	s3 =	simm.s32 @!p0 $0x1082;
	s9 =	sld [smem:$0x3FB7]  }
0x2f: {  	lr =	sadd.s32 s0, s3;
	s0 =	sld [smem:$0x3FAE]  }
0x30: {  	s3 =	sld [smem:$0x3FB1]  }
0x31: {  	[smem:$0x3FBA] =	sst s10  }
0x32: {  	s10 =	sld [smem:$0x3FB8];
	_ =	sdelay $0x3  }
0x33: {  	p0 =	seq.s32 s10, $0x1;
	s10 =	sld [smem:$0x3FBA];
	_ =	sdelay $0x3  }
0x34: {  	[smem:$0x3FBA] =	sst s10  }
0x35: {  	s10 =	sld [smem:$0x3FB9];
	_ =	sdelay $0x3  }
0x36: {  	p1 =	seq.s32 s10, $0x1;
	s10 =	sld [smem:$0x3FBA];
	_ =	sdelay $0x3  }
0x37: {  	[smem:$0x3FBA] =	sst s10  }
0x38: {  	s10 =	sld [smem:$0x3FBB]  }
0x39: {  	_ = 	snop;
	(pc) =	sbr.ind lr, $3  }
0x3a: {  	_ = 	snop  }
0x3b: {  	_ = 	snop  }
0x3c: {  	p2 =	seq.s32 s10, $0x1;
	s10 =	sld [smem:$0x3FBA]  }
0x3d: {  	_ =	shalt  }
0x3e: {  	_ =	shalt  }
0x3f: {  	_ =	shalt  }
0x40: {  	_ =	shalt  }
0x41: {  	_ =	shalt  }
0x42: {  	_ =	shalt  }
0x43: {  	_ =	shalt  }
0x44: {  	_ =	shalt  }
0x45: {  	_ =	shalt  }
0x46: {  	_ =	shalt  }
0x47: {  	_ =	shalt  }
0x48: {  	_ =	shalt  }
0x49: {  	_ =	shalt  }
0x4a: {  	_ =	shalt  }
0x4b: {  	_ =	shalt  }
0x4c: {  	_ =	shalt  }
0x4d: {  	_ =	shalt  }
0x4e: {  	_ =	shalt  }
0x4f: {  	_ =	shalt  }
0x50: {  	_ =	shalt  }
0x51: {  	_ =	shalt  }
0x52: {  	_ =	shalt  }
0x53: {  	_ =	shalt  }
0x54: {  	_ =	shalt  }
0x55: {  	_ =	shalt  }
0x56: {  	_ =	shalt  }
0x57: {  	_ =	shalt  }
0x58: {  	_ =	shalt  }
0x59: {  	_ =	shalt  }
0x5a: {  	_ =	shalt  }
0x5b: {  	_ =	shalt  }
0x5c: {  	_ =	shalt  }
0x5d: {  	_ =	shalt  }
0x5e: {  	_ =	shalt  }
0x5f: {  	_ =	shalt  }
0x60: {  	_ =	shalt  }
0x61: {  	_ =	shalt  }
0x62: {  	_ =	shalt  }
0x63: {  	_ =	shalt  }
0x64: {  	_ =	shalt  }
0x65: {  	_ =	shalt  }
0x66: {  	_ =	shalt  }
0x67: {  	_ =	shalt  }
0x68: {  	_ =	shalt  }
0x69: {  	_ =	shalt  }
0x6a: {  	_ =	shalt  }
0x6b: {  	_ =	shalt  }
0x6c: {  	_ =	shalt  }
0x6d: {  	_ =	shalt  }
0x6e: {  	_ =	shalt  }
0x6f: {  	_ =	shalt  }
0x70: {  	_ =	shalt  }
0x71: {  	_ =	shalt  }
0x72: {  	_ =	shalt  }
0x73: {  	_ =	shalt  }
0x74: {  	_ =	shalt  }
0x75: {  	_ =	shalt  }
0x76: {  	_ =	shalt  }
0x77: {  	_ =	shalt  }
0x78: {  	_ =	shalt  }
0x79: {  	_ =	shalt  }
0x7a: {  	_ =	shalt  }
0x7b: {  	_ =	shalt  }
0x7c: {  	_ =	shalt  }
0x7d: {  	_ =	shalt  }
0x7e: {  	_ =	shalt  }
0x7f: {  	_ =	shalt  }
0x80: {  	_ =	shalt  }
0x81: {  	_ =	shalt  }
0x82: {  	_ =	shalt  }
0x83: {  	_ =	shalt  }
0x84: {  	_ =	shalt  }
0x85: {  	_ =	shalt  }
0x86: {  	_ =	shalt  }
0x87: {  	_ =	shalt  }
.Lfunc_end0:
.L_simem_size_0:
called_computation.1_lowered:
.L_overlay_start_0:
0x88: {  	s2 =	sld [smem:$0x3FD9]  }
0x89: {  	s3 =	sld [smem:$0x3FFE];
	_ =	sdelay $0x1  }
0x8a: {  	s1 =	srdreg.scid  }
0x8b: {  	s0 =	sand.u32 $0x1, s1  }
0x8c: {  	s17 =	sshll.u32 s0, $0xA;
	s2 =	sadd.s32 s3, s2  }
0x8d: {  	s2 =	sadd.s32 s2, s17  }
0x8e: {  	[smem:$0x3FC6] =	sst s2  }
0x8f: {  	_ = 	snop  }
0x90: {  	s2 =	sld [smem:$0x3FC9]  }
0x91: {  	s18 =	sld [smem:$0x3FD0];
	(tm) =	ssettm $0x1  }
0x92: {  	s4 =	sld [smem:$0x3FFB];
	_ =	sdelay $0x3  }
0x93: {  	_ =	strace s4  }
0x94: {  	s4 =	sld [smem:$0x3FFC];
	_ =	sdelay $0x3  }
0x95: {  	_ =	strace s4  }
0x96: {  	s4 =	sld [smem:$0x3FFD];
	_ =	sdelay $0x3  }
0x97: {  	_ =	strace s4  }
0x98: {  	_ =	strace $0x8FFFFFFF  }
0x99: {  	s19 =	sld [smem:$0x3FDB];
	_ =	sdelay $0x1  }
0x9a: {  	s5 =	simm.s32 $_scs_section_size  }
0x9b: {  	s6 =	simm.s32 $_size__tile_overlayer_lowered;
	s7 =	simm.s32 $_tile_overlayer_lowered  }
0x9c: {  	s22 =	simm.s32 $0x1BFF;
	s21 =	sshll.u32 s7, $0x1;
	s4 =	sadd.s32 s5, s19  }
0x9d: {  	s8 =	simm.s32 $0x0;
	s20 =	sshll.u32 s6, $0x1;
	s6 =	sadd.s32 s21, s4  }
0x9e: {  	[timem:s8], [sflag:s22] =	dma.local [hbm:s6], s20  }
0x9f: {  	_ =	swait.ge [sflag:s22], s20  }
0xa0: {  	s5 =	ssub.s32 $0x0, s20;
	[sflag:s22] =	ssyncset.done $0x0  }
0xa1: {  	[sflag:s22] =	ssyncadd.s32 s5;
	_ =	sdelay $0x1  }
0xa2: {  	s23 =	simm.s32 $0x1B8B  }
0xa3: {  	_ =	swait.ge [sflag:s23], $0x1  }
0xa4: {  	[sflag:s23] =	ssyncset.done $0x0  }
0xa5: {  	s25 =	simm.s32 $0x1B8E;
	s24 =	sld [smem:$0x3FFE];
	[sflag:s23] =	ssyncadd.s32 $0xFFFFFFFF  }
0xa6: {  	s26 =	simm.s32 $execute0_lowered;
	[smem:$0x3FD2] =	sst s25  }
0xa7: {  	s6 =	sshll.u32 s26, $0x1;
	_ =	strace $0x80000046;
	[dreg:$0x1] =	wrdreg $0xFFFFFFFF  }
0xa8: {  	s28 =	simm.s32 $_size_execute0_lowered;
	s4 =	sadd.s32 s4, s6;
	[dreg:$0x0] =	wrdreg $0x0  }
0xa9: {  	s6 =	sshll.u32 s28, $0x1;
	[dreg:$0x2] =	wrdreg s4  }
0xaa: {  	[dreg:$0x3] =	wrdreg s6  }
0xab: {  	[dreg:$0x4] =	wrdreg $0xC0  }
0xac: {  	_ =	task [dreg:s8], $0x5FFFF  }
0xad: {  	[dreg:$0x1] =	wrdreg $0xFFFFFFFF  }
0xae: {  	[dreg:$0x0] =	wrdreg $0x60  }
0xaf: {  	[dreg:$0x2] =	wrdreg s2  }
0xb0: {  	[dreg:$0x3] =	wrdreg s18  }
0xb1: {  	[dreg:$0x4] =	wrdreg s24  }
0xb2: {  	[dreg:$0x5] =	wrdreg $0x9  }
0xb3: {  	_ =	task.clear_ibuf [dreg:s8], $0x6FFFF;
	_ =	strace $0x90000046  }
0xb4: {  	s29 =	simm.s32 $0x9;
	_ =	strace $0x80000048  }
0xb5: {  	_ =	swait.ge [sflag:s29], $0x1  }
0xb6: {  	[sflag:s29] =	ssyncadd.s32 $0xFFFFFFFF  }
0xb7: {  	_ =	strace $0x90000048  }
0xb8: {  	_ =	sfence  }
0xb9: {  	s30 =	sld [smem:$0x0];
	_ =	sdelay $0x2  }
0xba: {  	s31 =	sshll.u32 s1, $0xD;
	s1 =	sshrl.u32 s1, $0x2  }
0xbb: {  	s3 =	sand.u32 $0x4000, s31;
	s1 =	sadd.s32 s1, s30  }
0xbc: {  	s0 =	sor.u32 s3, s0;
	s1 =	sshll.u32 s1, $0x11  }
0xbd: {  	s0 =	sor.u32 s1, s0  }
0xbe: {  	s0 =	sadd.s32 $0x8F2B, s0  }
0xbf: {  	[sflag:s0] =	ssyncadd.remote.s32 $0x1  }
0xc0: {  	_ =	sfence.sel $0xFFFF  }
0xc1: {  	[dreg:$0x0] =	wrdreg $0xFFFFFFFF;
	(pc) =	sbr.abs _section_cstart, $3  }
0xc2: {  	[dreg:$0x1] =	wrdreg $0xFFFFFFFF  }
0xc3: {  	_ =	task.clear_ibuf [dreg:s8], $0x2FFFF;
	_ =	strace $0x9FFFFFFF  }
0xc4: {  	(tm) =	ssettm $0x7FFFFFFF  }
0xc5: {  	_ =	shalt  }
tec
execute0_lowered:
.L_overlay_start_1:
0x0: {  	(tag) =	ssettag $0x1  }
0x1: {  	s0 =	rddreg [dreg:$0x1]  }
0x2: {  	s1 =	srdreg.scid;
	s6 =	stileid.u32  }
0x3: {  	s2 =	rddreg [dreg:$0x2];
	s1 =	sand.u32 $0x1, s1;
	s4 =	sshll.u32 s6, $0x1  }
0x4: {  	s3 =	simm.s32 $0x0;
	s6 =	sshll.u32 s6, $0x12;
	s4 =	sor.u32 s1, s4  }
0x5: {  	[smem:$0x7FF] =	sst s3;
	s6 =	sand.u32 $0x200000, s6;
	s5 =	sshll.u32 s4, $0x11  }
0x6: {  	s1 =	ssub.s32 $0x2, s1;
	_ =	strace $0x80000047;
	s5 =	sand.u32 $0x1E0000, s5  }
0x7: {  	s25 =	sshrl.u32 s1, $0x1;
	s26 =	sshll.u32 s4, $0x6;
	s5 =	sor.u32 s6, s5  }
0x8: {  	s0 =	sadd.s32 s0, s26;
	s6 =	ssub.s32 s1, s25;
	s5 =	sadd.s32 s5, s2  }
0x9: {  	[dreg:$0x4] =	wrdreg s0;
	s8 =	smax.u32 s6, $0x1;
	s7 =	sadd.s32 $0x800, s5  }
0xa: {  	s9 =	sadd.s32 $0x900, s5;
	s1 =	sadd.s32 $0x910, s5;
	s10 =	sadd.s32 $0xA00, s5  }
0xb: {  	s2 =	sadd.s32 $0xA20, s5;
	s11 =	sadd.s32 $0xB00, s5;
	s4 =	sadd.s32 $0xB30, s5  }
0xc: {  	s12 =	sadd.s32 $0xC00, s5;
	s13 =	sadd.s32 $0xC40, s5;
	s14 =	sadd.s32 $0xD00, s5  }
0xd: {  	s15 =	sadd.s32 $0xD50, s5;
	s16 =	sadd.s32 $0xE00, s5;
	s17 =	sadd.s32 $0xE60, s5  }
0xe: {  	s18 =	sadd.s32 $0xF00, s5;
	s19 =	sadd.s32 $0xF70, s5;
	[dreg:$0xd] =	wrdreg s8  }
0xf: {  	s20 =	sadd.s32 $0x1000, s5;
	s21 =	sadd.s32 $0x1080, s5;
	[dreg:$0x7] =	wrdreg s1  }
0x10: {  	s22 =	sadd.s32 $0x1100, s5;
	s23 =	sadd.s32 $0x1190, s5;
	[dreg:$0x9] =	wrdreg s2  }
0x11: {  	s24 =	sadd.s32 $0x1200, s5;
	s25 =	sadd.s32 $0x12A0, s5;
	[dreg:$0xb] =	wrdreg s4  }
0x12: {  	s26 =	sadd.s32 $0x1300, s5;
	s28 =	sadd.s32 $0x13B0, s5;
	[dreg:$0x5] =	wrdreg s7  }
0x13: {  	s29 =	sadd.s32 $0x1400, s5;
	s30 =	sadd.s32 $0x14C0, s5;
	[dreg:$0x6] =	wrdreg s9  }
0x14: {  	s31 =	sadd.s32 $0x1500, s5;
	s0 =	sadd.s32 $0x1600, s5;
	[dreg:$0x8] =	wrdreg s10  }
0x15: {  	s8 =	simm.s32 $0x0;
	s2 =	sadd.s32 $0x15D0, s5;
	[dreg:$0xa] =	wrdreg s11  }
0x16: {  	s4 =	sadd.s32 $0x16E0, s5;
	s1 =	sadd.s32 $0x1700, s5;
	[dreg:$0xc] =	wrdreg s12  }
.LBB2_1:
0x17: {  	[dreg:$0xe] =	wrdreg s8  }
0x18: {  	s5 =	rddreg [dreg:$0x4];
	s9 =	simm.s32 $0x3  }
0x19: {  	[tilespmem:s3], [sflag:$0x3] =	stream.linear.gather [hbm4b:s5+s3], $0x200, $0x38;
	[tilespmem:$0x10200] =	vst v63  }
0x1a: {  	_ =	swait.ge [sflag:s9], $0x200  }
0x1b: {  	[sflag:s9] =	ssyncset.done $0x0  }
0x1c: {  	[sflag:s9] =	ssyncadd.s32 $0xFFFFFE00  }
0x1d: {  	s6 =	simm.s32 $0x10;
	s10 =	simm.s32 $0x200;
	s5 =	rddreg [dreg:$0x0]  }
0x1e: {  	[tilespmem:s10], [sflag:$0x1] =	stream.indirect.gather [hbm4b:s5+s6], $0x80, s3, s6, $0xb8;
	[tilespmem:$0x10200] =	vst v63  }
0x1f: {  	s11 =	simm.s32 $0xA00  }
0x20: {  	[tilespmem:s11], [sflag:$0x1] =	stream.indirect.gather [hbm4b:s5+s6], $0x80, s6, s6, $0xb8;
	[tilespmem:$0x10200] =	vst v63  }
0x21: {  	s12 =	simm.s32 $0x20;
	s9 =	simm.s32 $0x1200  }
0x22: {  	[tilespmem:s9], [sflag:$0x1] =	stream.indirect.gather [hbm4b:s5+s6], $0x80, s12, s6, $0xb8;
	[tilespmem:$0x10200] =	vst v63  }
0x23: {  	s10 =	simm.s32 $0x1A00;
	s9 =	simm.s32 $0x30  }
0x24: {  	[tilespmem:s10], [sflag:$0x1] =	stream.indirect.gather [hbm4b:s5+s6], $0x80, s9, s6, $0xb8;
	[tilespmem:$0x10200] =	vst v63  }
0x25: {  	s11 =	simm.s32 $0x40;
	s12 =	simm.s32 $0x2200  }
0x26: {  	[tilespmem:s12], [sflag:$0x1] =	stream.indirect.gather [hbm4b:s5+s6], $0x80, s11, s6, $0xb8;
	[tilespmem:$0x10200] =	vst v63  }
0x27: {  	s9 =	simm.s32 $0x50;
	s10 =	simm.s32 $0x2A00  }
0x28: {  	[tilespmem:s10], [sflag:$0x1] =	stream.indirect.gather [hbm4b:s5+s6], $0x80, s9, s6, $0xb8;
	[tilespmem:$0x10200] =	vst v63  }
0x29: {  	s11 =	simm.s32 $0x60;
	s12 =	simm.s32 $0x3200  }
0x2a: {  	[tilespmem:s12], [sflag:$0x1] =	stream.indirect.gather [hbm4b:s5+s6], $0x80, s11, s6, $0xb8;
	[tilespmem:$0x10200] =	vst v63  }
0x2b: {  	s9 =	simm.s32 $0x70;
	s10 =	simm.s32 $0x3A00  }
0x2c: {  	[tilespmem:s10], [sflag:$0x1] =	stream.indirect.gather [hbm4b:s5+s6], $0x80, s9, s6, $0xb8;
	[tilespmem:$0x10200] =	vst v63  }
0x2d: {  	s11 =	simm.s32 $0x80;
	s12 =	simm.s32 $0x4200  }
0x2e: {  	[tilespmem:s12], [sflag:$0x1] =	stream.indirect.gather [hbm4b:s5+s6], $0x80, s11, s6, $0xb8;
	[tilespmem:$0x10200] =	vst v63  }
0x2f: {  	s9 =	simm.s32 $0x90;
	s10 =	simm.s32 $0x4A00  }
0x30: {  	[tilespmem:s10], [sflag:$0x1] =	stream.indirect.gather [hbm4b:s5+s6], $0x80, s9, s6, $0xb8;
	[tilespmem:$0x10200] =	vst v63  }
0x31: {  	s11 =	simm.s32 $0xA0;
	s12 =	simm.s32 $0x5200  }
0x32: {  	[tilespmem:s12], [sflag:$0x1] =	stream.indirect.gather [hbm4b:s5+s6], $0x80, s11, s6, $0xb8;
	[tilespmem:$0x10200] =	vst v63  }
0x33: {  	s9 =	simm.s32 $0xB0;
	s10 =	simm.s32 $0x5A00  }
0x34: {  	[tilespmem:s10], [sflag:$0x1] =	stream.indirect.gather [hbm4b:s5+s6], $0x80, s9, s6, $0xb8;
	[tilespmem:$0x10200] =	vst v63  }
0x35: {  	s11 =	simm.s32 $0xC0;
	s12 =	simm.s32 $0x6200  }
0x36: {  	[tilespmem:s12], [sflag:$0x1] =	stream.indirect.gather [hbm4b:s5+s6], $0x80, s11, s6, $0xb8;
	[tilespmem:$0x10200] =	vst v63  }
0x37: {  	s9 =	simm.s32 $0xD0;
	s10 =	simm.s32 $0x6A00  }
0x38: {  	[tilespmem:s10], [sflag:$0x1] =	stream.indirect.gather [hbm4b:s5+s6], $0x80, s9, s6, $0xb8;
	[tilespmem:$0x10200] =	vst v63  }
0x39: {  	s11 =	simm.s32 $0xE0;
	s12 =	simm.s32 $0x7200  }
0x3a: {  	[tilespmem:s12], [sflag:$0x1] =	stream.indirect.gather [hbm4b:s5+s6], $0x80, s11, s6, $0xb8;
	[tilespmem:$0x10200] =	vst v63  }
0x3b: {  	s9 =	simm.s32 $0xF0;
	s10 =	simm.s32 $0x7A00  }
0x3c: {  	[tilespmem:s10], [sflag:$0x1] =	stream.indirect.gather [hbm4b:s5+s6], $0x80, s9, s6, $0xb8;
	[tilespmem:$0x10200] =	vst v63  }
0x3d: {  	s11 =	simm.s32 $0x100;
	s12 =	simm.s32 $0x8200  }
0x3e: {  	[tilespmem:s12], [sflag:$0x1] =	stream.indirect.gather [hbm4b:s5+s6], $0x80, s11, s6, $0xb8;
	[tilespmem:$0x10200] =	vst v63  }
0x3f: {  	s9 =	simm.s32 $0x110;
	s10 =	simm.s32 $0x8A00  }
0x40: {  	[tilespmem:s10], [sflag:$0x1] =	stream.indirect.gather [hbm4b:s5+s6], $0x80, s9, s6, $0xb8;
	[tilespmem:$0x10200] =	vst v63  }
0x41: {  	s11 =	simm.s32 $0x120;
	s12 =	simm.s32 $0x9200  }
0x42: {  	[tilespmem:s12], [sflag:$0x1] =	stream.indirect.gather [hbm4b:s5+s6], $0x80, s11, s6, $0xb8;
	[tilespmem:$0x10200] =	vst v63  }
0x43: {  	s9 =	simm.s32 $0x130;
	s10 =	simm.s32 $0x9A00  }
0x44: {  	[tilespmem:s10], [sflag:$0x1] =	stream.indirect.gather [hbm4b:s5+s6], $0x80, s9, s6, $0xb8;
	[tilespmem:$0x10200] =	vst v63  }
0x45: {  	s11 =	simm.s32 $0x140;
	s12 =	simm.s32 $0xA200  }
0x46: {  	[tilespmem:s12], [sflag:$0x1] =	stream.indirect.gather [hbm4b:s5+s6], $0x80, s11, s6, $0xb8;
	[tilespmem:$0x10200] =	vst v63  }
0x47: {  	s9 =	simm.s32 $0x150;
	s10 =	simm.s32 $0xAA00  }
0x48: {  	[tilespmem:s10], [sflag:$0x1] =	stream.indirect.gather [hbm4b:s5+s6], $0x80, s9, s6, $0xb8;
	[tilespmem:$0x10200] =	vst v63  }
0x49: {  	s11 =	simm.s32 $0x160;
	s12 =	simm.s32 $0xB200  }
0x4a: {  	[tilespmem:s12], [sflag:$0x1] =	stream.indirect.gather [hbm4b:s5+s6], $0x80, s11, s6, $0xb8;
	[tilespmem:$0x10200] =	vst v63  }
0x4b: {  	s9 =	simm.s32 $0x170;
	s10 =	simm.s32 $0xBA00  }
0x4c: {  	[tilespmem:s10], [sflag:$0x1] =	stream.indirect.gather [hbm4b:s5+s6], $0x80, s9, s6, $0xb8;
	[tilespmem:$0x10200] =	vst v63  }
0x4d: {  	s11 =	simm.s32 $0x180;
	s12 =	simm.s32 $0xC200  }
0x4e: {  	[tilespmem:s12], [sflag:$0x1] =	stream.indirect.gather [hbm4b:s5+s6], $0x80, s11, s6, $0xb8;
	[tilespmem:$0x10200] =	vst v63  }
0x4f: {  	s9 =	simm.s32 $0x190;
	s10 =	simm.s32 $0xCA00  }
0x50: {  	[tilespmem:s10], [sflag:$0x1] =	stream.indirect.gather [hbm4b:s5+s6], $0x80, s9, s6, $0xb8;
	[tilespmem:$0x10200] =	vst v63  }
0x51: {  	s11 =	simm.s32 $0x1A0;
	s12 =	simm.s32 $0xD200  }
0x52: {  	[tilespmem:s12], [sflag:$0x1] =	stream.indirect.gather [hbm4b:s5+s6], $0x80, s11, s6, $0xb8;
	[tilespmem:$0x10200] =	vst v63  }
0x53: {  	s9 =	simm.s32 $0x1B0;
	s10 =	simm.s32 $0xDA00  }
0x54: {  	[tilespmem:s10], [sflag:$0x1] =	stream.indirect.gather [hbm4b:s5+s6], $0x80, s9, s6, $0xb8;
	[tilespmem:$0x10200] =	vst v63  }
0x55: {  	s11 =	simm.s32 $0x1C0;
	s12 =	simm.s32 $0xE200  }
0x56: {  	[tilespmem:s12], [sflag:$0x1] =	stream.indirect.gather [hbm4b:s5+s6], $0x80, s11, s6, $0xb8;
	[tilespmem:$0x10200] =	vst v63  }
0x57: {  	s9 =	simm.s32 $0x1D0;
	s10 =	simm.s32 $0xEA00  }
0x58: {  	[tilespmem:s10], [sflag:$0x1] =	stream.indirect.gather [hbm4b:s5+s6], $0x80, s9, s6, $0xb8;
	[tilespmem:$0x10200] =	vst v63  }
0x59: {  	s11 =	simm.s32 $0x1E0;
	s12 =	simm.s32 $0xF200  }
0x5a: {  	[tilespmem:s12], [sflag:$0x1] =	stream.indirect.gather [hbm4b:s5+s6], $0x80, s11, s6, $0xb8;
	[tilespmem:$0x10200] =	vst v63  }
0x5b: {  	s10 =	simm.s32 $0x1F0;
	s11 =	simm.s32 $0xFA00;
	s12 =	simm.s32 $0x1  }
0x5c: {  	[tilespmem:s11], [sflag:$0x1] =	stream.indirect.gather [hbm4b:s5+s6], $0x80, s10, s6, $0xb8;
	[tilespmem:$0x10200] =	vst v63  }
0x5d: {  	_ =	swait.ge [sflag:s12], $0x800  }
0x5e: {  	[sflag:s12] =	ssyncset.done $0x0  }
0x5f: {  	[sflag:s12] =	ssyncadd.s32 $0xFFFFF800  }
0x60: {  	_ =	swait.ge [sflag:s12], $0x800  }
0x61: {  	[sflag:s12] =	ssyncset.done $0x0  }
0x62: {  	[sflag:s12] =	ssyncadd.s32 $0xFFFFF800  }
0x63: {  	_ =	swait.ge [sflag:s12], $0x800  }
0x64: {  	[sflag:s12] =	ssyncset.done $0x0  }
0x65: {  	[sflag:s12] =	ssyncadd.s32 $0xFFFFF800  }
0x66: {  	_ =	swait.ge [sflag:s12], $0x800  }
0x67: {  	[sflag:s12] =	ssyncset.done $0x0  }
0x68: {  	[sflag:s12] =	ssyncadd.s32 $0xFFFFF800  }
0x69: {  	_ =	swait.ge [sflag:s12], $0x800  }
0x6a: {  	[sflag:s12] =	ssyncset.done $0x0  }
0x6b: {  	[sflag:s12] =	ssyncadd.s32 $0xFFFFF800  }
0x6c: {  	_ =	swait.ge [sflag:s12], $0x800  }
0x6d: {  	[sflag:s12] =	ssyncset.done $0x0  }
0x6e: {  	[sflag:s12] =	ssyncadd.s32 $0xFFFFF800  }
0x6f: {  	_ =	swait.ge [sflag:s12], $0x800  }
0x70: {  	[sflag:s12] =	ssyncset.done $0x0  }
0x71: {  	[sflag:s12] =	ssyncadd.s32 $0xFFFFF800  }
0x72: {  	_ =	swait.ge [sflag:s12], $0x800  }
0x73: {  	[sflag:s12] =	ssyncset.done $0x0  }
0x74: {  	[sflag:s12] =	ssyncadd.s32 $0xFFFFF800  }
0x75: {  	_ =	swait.ge [sflag:s12], $0x800  }
0x76: {  	[sflag:s12] =	ssyncset.done $0x0  }
0x77: {  	[sflag:s12] =	ssyncadd.s32 $0xFFFFF800  }
0x78: {  	_ =	swait.ge [sflag:s12], $0x800  }
0x79: {  	[sflag:s12] =	ssyncset.done $0x0  }
0x7a: {  	[sflag:s12] =	ssyncadd.s32 $0xFFFFF800  }
0x7b: {  	_ =	swait.ge [sflag:s12], $0x800  }
0x7c: {  	[sflag:s12] =	ssyncset.done $0x0  }
0x7d: {  	[sflag:s12] =	ssyncadd.s32 $0xFFFFF800  }
0x7e: {  	_ =	swait.ge [sflag:s12], $0x800  }
0x7f: {  	[sflag:s12] =	ssyncset.done $0x0  }
0x80: {  	[sflag:s12] =	ssyncadd.s32 $0xFFFFF800  }
0x81: {  	_ =	swait.ge [sflag:s12], $0x800  }
0x82: {  	[sflag:s12] =	ssyncset.done $0x0  }
0x83: {  	[sflag:s12] =	ssyncadd.s32 $0xFFFFF800  }
0x84: {  	_ =	swait.ge [sflag:s12], $0x800  }
0x85: {  	[sflag:s12] =	ssyncset.done $0x0  }
0x86: {  	[sflag:s12] =	ssyncadd.s32 $0xFFFFF800  }
0x87: {  	_ =	swait.ge [sflag:s12], $0x800  }
0x88: {  	[sflag:s12] =	ssyncset.done $0x0  }
0x89: {  	[sflag:s12] =	ssyncadd.s32 $0xFFFFF800  }
0x8a: {  	_ =	swait.ge [sflag:s12], $0x800  }
0x8b: {  	[sflag:s12] =	ssyncset.done $0x0  }
0x8c: {  	[sflag:s12] =	ssyncadd.s32 $0xFFFFF800  }
0x8d: {  	_ =	swait.ge [sflag:s12], $0x800  }
0x8e: {  	[sflag:s12] =	ssyncset.done $0x0  }
0x8f: {  	[sflag:s12] =	ssyncadd.s32 $0xFFFFF800  }
0x90: {  	_ =	swait.ge [sflag:s12], $0x800  }
0x91: {  	[sflag:s12] =	ssyncset.done $0x0  }
0x92: {  	[sflag:s12] =	ssyncadd.s32 $0xFFFFF800  }
0x93: {  	_ =	swait.ge [sflag:s12], $0x800  }
0x94: {  	[sflag:s12] =	ssyncset.done $0x0  }
0x95: {  	[sflag:s12] =	ssyncadd.s32 $0xFFFFF800  }
0x96: {  	_ =	swait.ge [sflag:s12], $0x800  }
0x97: {  	[sflag:s12] =	ssyncset.done $0x0  }
0x98: {  	[sflag:s12] =	ssyncadd.s32 $0xFFFFF800  }
0x99: {  	_ =	swait.ge [sflag:s12], $0x800  }
0x9a: {  	[sflag:s12] =	ssyncset.done $0x0  }
0x9b: {  	[sflag:s12] =	ssyncadd.s32 $0xFFFFF800  }
0x9c: {  	_ =	swait.ge [sflag:s12], $0x800  }
0x9d: {  	[sflag:s12] =	ssyncset.done $0x0  }
0x9e: {  	[sflag:s12] =	ssyncadd.s32 $0xFFFFF800  }
0x9f: {  	_ =	swait.ge [sflag:s12], $0x800  }
0xa0: {  	[sflag:s12] =	ssyncset.done $0x0  }
0xa1: {  	[sflag:s12] =	ssyncadd.s32 $0xFFFFF800  }
0xa2: {  	_ =	swait.ge [sflag:s12], $0x800  }
0xa3: {  	[sflag:s12] =	ssyncset.done $0x0  }
0xa4: {  	[sflag:s12] =	ssyncadd.s32 $0xFFFFF800  }
0xa5: {  	_ =	swait.ge [sflag:s12], $0x800  }
0xa6: {  	[sflag:s12] =	ssyncset.done $0x0  }
0xa7: {  	[sflag:s12] =	ssyncadd.s32 $0xFFFFF800  }
0xa8: {  	_ =	swait.ge [sflag:s12], $0x800  }
0xa9: {  	[sflag:s12] =	ssyncset.done $0x0  }
0xaa: {  	[sflag:s12] =	ssyncadd.s32 $0xFFFFF800  }
0xab: {  	_ =	swait.ge [sflag:s12], $0x800  }
0xac: {  	[sflag:s12] =	ssyncset.done $0x0  }
0xad: {  	[sflag:s12] =	ssyncadd.s32 $0xFFFFF800  }
0xae: {  	_ =	swait.ge [sflag:s12], $0x800  }
0xaf: {  	[sflag:s12] =	ssyncset.done $0x0  }
0xb0: {  	[sflag:s12] =	ssyncadd.s32 $0xFFFFF800  }
0xb1: {  	_ =	swait.ge [sflag:s12], $0x800  }
0xb2: {  	[sflag:s12] =	ssyncset.done $0x0  }
0xb3: {  	[sflag:s12] =	ssyncadd.s32 $0xFFFFF800  }
0xb4: {  	_ =	swait.ge [sflag:s12], $0x800  }
0xb5: {  	[sflag:s12] =	ssyncset.done $0x0  }
0xb6: {  	[sflag:s12] =	ssyncadd.s32 $0xFFFFF800  }
0xb7: {  	_ =	swait.ge [sflag:s12], $0x800  }
0xb8: {  	[sflag:s12] =	ssyncset.done $0x0  }
0xb9: {  	[sflag:s12] =	ssyncadd.s32 $0xFFFFF800  }
0xba: {  	s8 =	sadd.s32 $0x0, s7;
	_ =	swait.ge [sflag:s12], $0x800  }
0xbb: {  	s9 =	smov.u32 s7;
	s7 =	simm.s32 $0xA80;
	[sflag:s12] =	ssyncset.done $0x0  }
0xbc: {  	s5 =	simm.s32 $0x280;
	s6 =	simm.s32 $0x1000;
	[sflag:s12] =	ssyncadd.s32 $0xFFFFF800  }
.LBB2_2:
0xbd: {  	[hbm4b:s8+s3] =	stream.linear.scatter [tilespmem:s5], [sflag:$0x2], $0x780, $0x38;
	[tilespmem:$0x10200] =	vst v63  }
0xbe: {  	s8 =	smov.u32 s6;
	s5 =	smov.u32 s7;
	p0 =	sne.s32 s6, $0x1F000  }
.Ltmp0:
0xbf: {  	s6 =	sadd.s32 $0x1000, s6;
	(pc) =	sbr.rel @p0 .LBB2_2-.Ltmp0, $2  }
0xc0: {  	_ =	sdelay $0x2  }
0xc1: {  	s7 =	sadd.s32 $0x800, s7;
	s8 =	sadd.s32 s8, s9  }
0xc2: {  	[hbm4b:s8+s3] =	stream.linear.scatter [tilespmem:s5], [sflag:$0x2], $0x780, $0x38;
	[tilespmem:$0x10200] =	vst v63  }
0xc3: {  	s5 =	simm.s32 $0x200;
	s9 =	rddreg [dreg:$0x6]  }
0xc4: {  	s6 =	simm.s32 $0x1000;
	s7 =	simm.s32 $0xA00;
	s8 =	sadd.s32 $0x0, s9  }
.LBB2_4:
0xc5: {  	[hbm4b:s8+s3] =	stream.linear.scatter [tilespmem:s5], [sflag:$0x2], $0x80, $0x38;
	[tilespmem:$0x10200] =	vst v63  }
0xc6: {  	s8 =	smov.u32 s6;
	s5 =	smov.u32 s7;
	p0 =	sne.s32 s6, $0x1F000  }
.Ltmp1:
0xc7: {  	s6 =	sadd.s32 $0x1000, s6;
	(pc) =	sbr.rel @p0 .LBB2_4-.Ltmp1, $2  }
0xc8: {  	_ =	sdelay $0x2  }
0xc9: {  	s7 =	sadd.s32 $0x800, s7;
	s8 =	sadd.s32 s8, s9  }
0xca: {  	[hbm4b:s8+s3] =	stream.linear.scatter [tilespmem:s5], [sflag:$0x2], $0x80, $0x38;
	[tilespmem:$0x10200] =	vst v63  }
0xcb: {  	s5 =	simm.s32 $0x300;
	s10 =	rddreg [dreg:$0x7]  }
0xcc: {  	s6 =	simm.s32 $0x1000;
	s7 =	simm.s32 $0xB00;
	s8 =	sadd.s32 $0x0, s10  }
.LBB2_6:
0xcd: {  	[hbm4b:s8+s3] =	stream.linear.scatter [tilespmem:s5], [sflag:$0x2], $0x700, $0x38;
	[tilespmem:$0x10200] =	vst v63  }
0xce: {  	s8 =	smov.u32 s6;
	s5 =	smov.u32 s7;
	p0 =	sne.s32 s6, $0x1F000  }
.Ltmp2:
0xcf: {  	s6 =	sadd.s32 $0x1000, s6;
	(pc) =	sbr.rel @p0 .LBB2_6-.Ltmp2, $2  }
0xd0: {  	_ =	sdelay $0x2  }
0xd1: {  	s7 =	sadd.s32 $0x800, s7;
	s8 =	sadd.s32 s8, s10  }
0xd2: {  	[hbm4b:s8+s3] =	stream.linear.scatter [tilespmem:s5], [sflag:$0x2], $0x700, $0x38;
	[tilespmem:$0x10200] =	vst v63  }
0xd3: {  	s5 =	simm.s32 $0x200;
	s10 =	rddreg [dreg:$0x8]  }
0xd4: {  	s6 =	simm.s32 $0x1000;
	s7 =	simm.s32 $0xA00;
	s8 =	sadd.s32 $0x0, s10  }
.LBB2_8:
0xd5: {  	[hbm4b:s8+s3] =	stream.linear.scatter [tilespmem:s5], [sflag:$0x2], $0x100, $0x38;
	[tilespmem:$0x10200] =	vst v63  }
0xd6: {  	s8 =	smov.u32 s6;
	s5 =	smov.u32 s7;
	p0 =	sne.s32 s6, $0x1F000  }
.Ltmp3:
0xd7: {  	s6 =	sadd.s32 $0x1000, s6;
	(pc) =	sbr.rel @p0 .LBB2_8-.Ltmp3, $2  }
0xd8: {  	_ =	sdelay $0x2  }
0xd9: {  	s7 =	sadd.s32 $0x800, s7;
	s8 =	sadd.s32 s8, s10  }
0xda: {  	[hbm4b:s8+s3] =	stream.linear.scatter [tilespmem:s5], [sflag:$0x2], $0x100, $0x38;
	[tilespmem:$0x10200] =	vst v63  }
0xdb: {  	s5 =	simm.s32 $0x380;
	s11 =	rddreg [dreg:$0x9]  }
0xdc: {  	s6 =	simm.s32 $0x1000;
	s7 =	simm.s32 $0xB80;
	s8 =	sadd.s32 $0x0, s11  }
.LBB2_10:
0xdd: {  	[hbm4b:s8+s3] =	stream.linear.scatter [tilespmem:s5], [sflag:$0x2], $0x680, $0x38;
	[tilespmem:$0x10200] =	vst v63  }
0xde: {  	s8 =	smov.u32 s6;
	s5 =	smov.u32 s7;
	p0 =	sne.s32 s6, $0x1F000  }
.Ltmp4:
0xdf: {  	s6 =	sadd.s32 $0x1000, s6;
	(pc) =	sbr.rel @p0 .LBB2_10-.Ltmp4, $2  }
0xe0: {  	_ =	sdelay $0x2  }
0xe1: {  	s7 =	sadd.s32 $0x800, s7;
	s8 =	sadd.s32 s8, s11  }
0xe2: {  	[hbm4b:s8+s3] =	stream.linear.scatter [tilespmem:s5], [sflag:$0x2], $0x680, $0x38;
	[tilespmem:$0x10200] =	vst v63  }
0xe3: {  	s5 =	simm.s32 $0x200;
	s11 =	rddreg [dreg:$0xa]  }
0xe4: {  	s6 =	simm.s32 $0x1000;
	s7 =	simm.s32 $0xA00;
	s8 =	sadd.s32 $0x0, s11  }
.LBB2_12:
0xe5: {  	[hbm4b:s8+s3] =	stream.linear.scatter [tilespmem:s5], [sflag:$0x2], $0x180, $0x38;
	[tilespmem:$0x10200] =	vst v63  }
0xe6: {  	s8 =	smov.u32 s6;
	s5 =	smov.u32 s7;
	p0 =	sne.s32 s6, $0x1F000  }
.Ltmp5:
0xe7: {  	s6 =	sadd.s32 $0x1000, s6;
	(pc) =	sbr.rel @p0 .LBB2_12-.Ltmp5, $2  }
0xe8: {  	_ =	sdelay $0x2  }
0xe9: {  	s7 =	sadd.s32 $0x800, s7;
	s8 =	sadd.s32 s8, s11  }
0xea: {  	[hbm4b:s8+s3] =	stream.linear.scatter [tilespmem:s5], [sflag:$0x2], $0x180, $0x38;
	[tilespmem:$0x10200] =	vst v63  }
0xeb: {  	s5 =	simm.s32 $0x400;
	s12 =	rddreg [dreg:$0xb]  }
0xec: {  	s6 =	simm.s32 $0x1000;
	s7 =	simm.s32 $0xC00;
	s8 =	sadd.s32 $0x0, s12  }
.LBB2_14:
0xed: {  	[hbm4b:s8+s3] =	stream.linear.scatter [tilespmem:s5], [sflag:$0x2], $0x600, $0x38;
	[tilespmem:$0x10200] =	vst v63  }
0xee: {  	s8 =	smov.u32 s6;
	s5 =	smov.u32 s7;
	p0 =	sne.s32 s6, $0x1F000  }
.Ltmp6:
0xef: {  	s6 =	sadd.s32 $0x1000, s6;
	(pc) =	sbr.rel @p0 .LBB2_14-.Ltmp6, $2  }
0xf0: {  	_ =	sdelay $0x2  }
0xf1: {  	s7 =	sadd.s32 $0x800, s7;
	s8 =	sadd.s32 s8, s12  }
0xf2: {  	[hbm4b:s8+s3] =	stream.linear.scatter [tilespmem:s5], [sflag:$0x2], $0x600, $0x38;
	[tilespmem:$0x10200] =	vst v63  }
0xf3: {  	s5 =	simm.s32 $0x200;
	s12 =	rddreg [dreg:$0xc]  }
0xf4: {  	s6 =	simm.s32 $0x1000;
	s7 =	simm.s32 $0xA00;
	s8 =	sadd.s32 $0x0, s12  }
.LBB2_16:
0xf5: {  	[hbm4b:s8+s3] =	stream.linear.scatter [tilespmem:s5], [sflag:$0x2], $0x200, $0x38;
	[tilespmem:$0x10200] =	vst v63  }
0xf6: {  	s8 =	smov.u32 s6;
	s5 =	smov.u32 s7;
	p0 =	sne.s32 s6, $0x1F000  }
.Ltmp7:
0xf7: {  	s6 =	sadd.s32 $0x1000, s6;
	(pc) =	sbr.rel @p0 .LBB2_16-.Ltmp7, $2  }
0xf8: {  	_ =	sdelay $0x2  }
0xf9: {  	s7 =	sadd.s32 $0x800, s7;
	s8 =	sadd.s32 s8, s12  }
0xfa: {  	[hbm4b:s8+s3] =	stream.linear.scatter [tilespmem:s5], [sflag:$0x2], $0x200, $0x38;
	[tilespmem:$0x10200] =	vst v63  }
0xfb: {  	s5 =	simm.s32 $0x480  }
0xfc: {  	s6 =	simm.s32 $0x1000;
	s8 =	sadd.s32 $0x0, s13;
	s7 =	simm.s32 $0xC80  }
.LBB2_18:
0xfd: {  	[hbm4b:s8+s3] =	stream.linear.scatter [tilespmem:s5], [sflag:$0x2], $0x580, $0x38;
	[tilespmem:$0x10200] =	vst v63  }
0xfe: {  	s8 =	smov.u32 s6;
	s5 =	smov.u32 s7;
	p0 =	sne.s32 s6, $0x1F000  }
.Ltmp8:
0xff: {  	s6 =	sadd.s32 $0x1000, s6;
	(pc) =	sbr.rel @p0 .LBB2_18-.Ltmp8, $2  }
0x100: {  	_ =	sdelay $0x2  }
0x101: {  	s7 =	sadd.s32 $0x800, s7;
	s8 =	sadd.s32 s8, s13  }
0x102: {  	[hbm4b:s8+s3] =	stream.linear.scatter [tilespmem:s5], [sflag:$0x2], $0x580, $0x38;
	[tilespmem:$0x10200] =	vst v63  }
0x103: {  	s5 =	simm.s32 $0x200  }
0x104: {  	s6 =	simm.s32 $0x1000;
	s8 =	sadd.s32 $0x0, s14;
	s7 =	simm.s32 $0xA00  }
.LBB2_20:
0x105: {  	[hbm4b:s8+s3] =	stream.linear.scatter [tilespmem:s5], [sflag:$0x2], $0x280, $0x38;
	[tilespmem:$0x10200] =	vst v63  }
0x106: {  	s8 =	smov.u32 s6;
	s5 =	smov.u32 s7;
	p0 =	sne.s32 s6, $0x1F000  }
.Ltmp9:
0x107: {  	s6 =	sadd.s32 $0x1000, s6;
	(pc) =	sbr.rel @p0 .LBB2_20-.Ltmp9, $2  }
0x108: {  	_ =	sdelay $0x2  }
0x109: {  	s7 =	sadd.s32 $0x800, s7;
	s8 =	sadd.s32 s8, s14  }
0x10a: {  	[hbm4b:s8+s3] =	stream.linear.scatter [tilespmem:s5], [sflag:$0x2], $0x280, $0x38;
	[tilespmem:$0x10200] =	vst v63  }
0x10b: {  	s5 =	simm.s32 $0x500  }
0x10c: {  	s6 =	simm.s32 $0x1000;
	s8 =	sadd.s32 $0x0, s15;
	s7 =	simm.s32 $0xD00  }
.LBB2_22:
0x10d: {  	[hbm4b:s8+s3] =	stream.linear.scatter [tilespmem:s5], [sflag:$0x2], $0x500, $0x38;
	[tilespmem:$0x10200] =	vst v63  }
0x10e: {  	s8 =	smov.u32 s6;
	s5 =	smov.u32 s7;
	p0 =	sne.s32 s6, $0x1F000  }
.Ltmp10:
0x10f: {  	s6 =	sadd.s32 $0x1000, s6;
	(pc) =	sbr.rel @p0 .LBB2_22-.Ltmp10, $2  }
0x110: {  	_ =	sdelay $0x2  }
0x111: {  	s7 =	sadd.s32 $0x800, s7;
	s8 =	sadd.s32 s8, s15  }
0x112: {  	[hbm4b:s8+s3] =	stream.linear.scatter [tilespmem:s5], [sflag:$0x2], $0x500, $0x38;
	[tilespmem:$0x10200] =	vst v63  }
0x113: {  	s5 =	simm.s32 $0x200  }
0x114: {  	s6 =	simm.s32 $0x1000;
	s8 =	sadd.s32 $0x0, s16;
	s7 =	simm.s32 $0xA00  }
.LBB2_24:
0x115: {  	[hbm4b:s8+s3] =	stream.linear.scatter [tilespmem:s5], [sflag:$0x2], $0x300, $0x38;
	[tilespmem:$0x10200] =	vst v63  }
0x116: {  	s8 =	smov.u32 s6;
	s5 =	smov.u32 s7;
	p0 =	sne.s32 s6, $0x1F000  }
.Ltmp11:
0x117: {  	s6 =	sadd.s32 $0x1000, s6;
	(pc) =	sbr.rel @p0 .LBB2_24-.Ltmp11, $2  }
0x118: {  	_ =	sdelay $0x2  }
0x119: {  	s7 =	sadd.s32 $0x800, s7;
	s8 =	sadd.s32 s8, s16  }
0x11a: {  	[hbm4b:s8+s3] =	stream.linear.scatter [tilespmem:s5], [sflag:$0x2], $0x300, $0x38;
	[tilespmem:$0x10200] =	vst v63  }
0x11b: {  	s5 =	simm.s32 $0x580  }
0x11c: {  	s6 =	simm.s32 $0x1000;
	s8 =	sadd.s32 $0x0, s17;
	s7 =	simm.s32 $0xD80  }
.LBB2_26:
0x11d: {  	[hbm4b:s8+s3] =	stream.linear.scatter [tilespmem:s5], [sflag:$0x2], $0x480, $0x38;
	[tilespmem:$0x10200] =	vst v63  }
0x11e: {  	s8 =	smov.u32 s6;
	s5 =	smov.u32 s7;
	p0 =	sne.s32 s6, $0x1F000  }
.Ltmp12:
0x11f: {  	s6 =	sadd.s32 $0x1000, s6;
	(pc) =	sbr.rel @p0 .LBB2_26-.Ltmp12, $2  }
0x120: {  	_ =	sdelay $0x2  }
0x121: {  	s7 =	sadd.s32 $0x800, s7;
	s8 =	sadd.s32 s8, s17  }
0x122: {  	[hbm4b:s8+s3] =	stream.linear.scatter [tilespmem:s5], [sflag:$0x2], $0x480, $0x38;
	[tilespmem:$0x10200] =	vst v63  }
0x123: {  	s5 =	simm.s32 $0x200  }
0x124: {  	s6 =	simm.s32 $0x1000;
	s8 =	sadd.s32 $0x0, s18;
	s7 =	simm.s32 $0xA00  }
.LBB2_28:
0x125: {  	[hbm4b:s8+s3] =	stream.linear.scatter [tilespmem:s5], [sflag:$0x2], $0x380, $0x38;
	[tilespmem:$0x10200] =	vst v63  }
0x126: {  	s8 =	smov.u32 s6;
	s5 =	smov.u32 s7;
	p0 =	sne.s32 s6, $0x1F000  }
.Ltmp13:
0x127: {  	s6 =	sadd.s32 $0x1000, s6;
	(pc) =	sbr.rel @p0 .LBB2_28-.Ltmp13, $2  }
0x128: {  	_ =	sdelay $0x2  }
0x129: {  	s7 =	sadd.s32 $0x800, s7;
	s8 =	sadd.s32 s8, s18  }
0x12a: {  	[hbm4b:s8+s3] =	stream.linear.scatter [tilespmem:s5], [sflag:$0x2], $0x380, $0x38;
	[tilespmem:$0x10200] =	vst v63  }
0x12b: {  	s5 =	simm.s32 $0x600  }
0x12c: {  	s6 =	simm.s32 $0x1000;
	s8 =	sadd.s32 $0x0, s19;
	s7 =	simm.s32 $0xE00  }
.LBB2_30:
0x12d: {  	[hbm4b:s8+s3] =	stream.linear.scatter [tilespmem:s5], [sflag:$0x2], $0x400, $0x38;
	[tilespmem:$0x10200] =	vst v63  }
0x12e: {  	s8 =	smov.u32 s6;
	s5 =	smov.u32 s7;
	p0 =	sne.s32 s6, $0x1F000  }
.Ltmp14:
0x12f: {  	s6 =	sadd.s32 $0x1000, s6;
	(pc) =	sbr.rel @p0 .LBB2_30-.Ltmp14, $2  }
0x130: {  	_ =	sdelay $0x2  }
0x131: {  	s7 =	sadd.s32 $0x800, s7;
	s8 =	sadd.s32 s8, s19  }
0x132: {  	[hbm4b:s8+s3] =	stream.linear.scatter [tilespmem:s5], [sflag:$0x2], $0x400, $0x38;
	[tilespmem:$0x10200] =	vst v63  }
0x133: {  	s5 =	simm.s32 $0x200  }
0x134: {  	s6 =	simm.s32 $0x1000;
	s8 =	sadd.s32 $0x0, s20;
	s7 =	simm.s32 $0xA00  }
.LBB2_32:
0x135: {  	[hbm4b:s8+s3] =	stream.linear.scatter [tilespmem:s5], [sflag:$0x2], $0x400, $0x38;
	[tilespmem:$0x10200] =	vst v63  }
0x136: {  	s8 =	smov.u32 s6;
	s5 =	smov.u32 s7;
	p0 =	sne.s32 s6, $0x1F000  }
.Ltmp15:
0x137: {  	s6 =	sadd.s32 $0x1000, s6;
	(pc) =	sbr.rel @p0 .LBB2_32-.Ltmp15, $2  }
0x138: {  	_ =	sdelay $0x2  }
0x139: {  	s7 =	sadd.s32 $0x800, s7;
	s8 =	sadd.s32 s8, s20  }
0x13a: {  	[hbm4b:s8+s3] =	stream.linear.scatter [tilespmem:s5], [sflag:$0x2], $0x400, $0x38;
	[tilespmem:$0x10200] =	vst v63  }
0x13b: {  	s5 =	simm.s32 $0x680  }
0x13c: {  	s6 =	simm.s32 $0x1000;
	s8 =	sadd.s32 $0x0, s21;
	s7 =	simm.s32 $0xE80  }
.LBB2_34:
0x13d: {  	[hbm4b:s8+s3] =	stream.linear.scatter [tilespmem:s5], [sflag:$0x2], $0x380, $0x38;
	[tilespmem:$0x10200] =	vst v63  }
0x13e: {  	s8 =	smov.u32 s6;
	s5 =	smov.u32 s7;
	p0 =	sne.s32 s6, $0x1F000  }
.Ltmp16:
0x13f: {  	s6 =	sadd.s32 $0x1000, s6;
	(pc) =	sbr.rel @p0 .LBB2_34-.Ltmp16, $2  }
0x140: {  	_ =	sdelay $0x2  }
0x141: {  	s7 =	sadd.s32 $0x800, s7;
	s8 =	sadd.s32 s8, s21  }
0x142: {  	[hbm4b:s8+s3] =	stream.linear.scatter [tilespmem:s5], [sflag:$0x2], $0x380, $0x38;
	[tilespmem:$0x10200] =	vst v63  }
0x143: {  	s5 =	simm.s32 $0x200  }
0x144: {  	s6 =	simm.s32 $0x1000;
	s8 =	sadd.s32 $0x0, s22;
	s7 =	simm.s32 $0xA00  }
.LBB2_36:
0x145: {  	[hbm4b:s8+s3] =	stream.linear.scatter [tilespmem:s5], [sflag:$0x2], $0x480, $0x38;
	[tilespmem:$0x10200] =	vst v63  }
0x146: {  	s8 =	smov.u32 s6;
	s5 =	smov.u32 s7;
	p0 =	sne.s32 s6, $0x1F000  }
.Ltmp17:
0x147: {  	s6 =	sadd.s32 $0x1000, s6;
	(pc) =	sbr.rel @p0 .LBB2_36-.Ltmp17, $2  }
0x148: {  	_ =	sdelay $0x2  }
0x149: {  	s7 =	sadd.s32 $0x800, s7;
	s8 =	sadd.s32 s8, s22  }
0x14a: {  	[hbm4b:s8+s3] =	stream.linear.scatter [tilespmem:s5], [sflag:$0x2], $0x480, $0x38;
	[tilespmem:$0x10200] =	vst v63  }
0x14b: {  	s5 =	simm.s32 $0x700  }
0x14c: {  	s6 =	simm.s32 $0x1000;
	s8 =	sadd.s32 $0x0, s23;
	s7 =	simm.s32 $0xF00  }
.LBB2_38:
0x14d: {  	[hbm4b:s8+s3] =	stream.linear.scatter [tilespmem:s5], [sflag:$0x2], $0x300, $0x38;
	[tilespmem:$0x10200] =	vst v63  }
0x14e: {  	s8 =	smov.u32 s6;
	s5 =	smov.u32 s7;
	p0 =	sne.s32 s6, $0x1F000  }
.Ltmp18:
0x14f: {  	s6 =	sadd.s32 $0x1000, s6;
	(pc) =	sbr.rel @p0 .LBB2_38-.Ltmp18, $2  }
0x150: {  	_ =	sdelay $0x2  }
0x151: {  	s7 =	sadd.s32 $0x800, s7;
	s8 =	sadd.s32 s8, s23  }
0x152: {  	[hbm4b:s8+s3] =	stream.linear.scatter [tilespmem:s5], [sflag:$0x2], $0x300, $0x38;
	[tilespmem:$0x10200] =	vst v63  }
0x153: {  	s5 =	simm.s32 $0x200  }
0x154: {  	s6 =	simm.s32 $0x1000;
	s8 =	sadd.s32 $0x0, s24;
	s7 =	simm.s32 $0xA00  }
.LBB2_40:
0x155: {  	[hbm4b:s8+s3] =	stream.linear.scatter [tilespmem:s5], [sflag:$0x2], $0x500, $0x38;
	[tilespmem:$0x10200] =	vst v63  }
0x156: {  	s8 =	smov.u32 s6;
	s5 =	smov.u32 s7;
	p0 =	sne.s32 s6, $0x1F000  }
.Ltmp19:
0x157: {  	s6 =	sadd.s32 $0x1000, s6;
	(pc) =	sbr.rel @p0 .LBB2_40-.Ltmp19, $2  }
0x158: {  	_ =	sdelay $0x2  }
0x159: {  	s7 =	sadd.s32 $0x800, s7;
	s8 =	sadd.s32 s8, s24  }
0x15a: {  	[hbm4b:s8+s3] =	stream.linear.scatter [tilespmem:s5], [sflag:$0x2], $0x500, $0x38;
	[tilespmem:$0x10200] =	vst v63  }
0x15b: {  	s5 =	simm.s32 $0x780  }
0x15c: {  	s6 =	simm.s32 $0x1000;
	s8 =	sadd.s32 $0x0, s25;
	s7 =	simm.s32 $0xF80  }
.LBB2_42:
0x15d: {  	[hbm4b:s8+s3] =	stream.linear.scatter [tilespmem:s5], [sflag:$0x2], $0x280, $0x38;
	[tilespmem:$0x10200] =	vst v63  }
0x15e: {  	s8 =	smov.u32 s6;
	s5 =	smov.u32 s7;
	p0 =	sne.s32 s6, $0x1F000  }
.Ltmp20:
0x15f: {  	s6 =	sadd.s32 $0x1000, s6;
	(pc) =	sbr.rel @p0 .LBB2_42-.Ltmp20, $2  }
0x160: {  	_ =	sdelay $0x2  }
0x161: {  	s7 =	sadd.s32 $0x800, s7;
	s8 =	sadd.s32 s8, s25  }
0x162: {  	[hbm4b:s8+s3] =	stream.linear.scatter [tilespmem:s5], [sflag:$0x2], $0x280, $0x38;
	[tilespmem:$0x10200] =	vst v63  }
0x163: {  	s5 =	simm.s32 $0x200  }
0x164: {  	s6 =	simm.s32 $0x1000;
	s8 =	sadd.s32 $0x0, s26;
	s7 =	simm.s32 $0xA00  }
.LBB2_44:
0x165: {  	[hbm4b:s8+s3] =	stream.linear.scatter [tilespmem:s5], [sflag:$0x2], $0x580, $0x38;
	[tilespmem:$0x10200] =	vst v63  }
0x166: {  	s8 =	smov.u32 s6;
	s5 =	smov.u32 s7;
	p0 =	sne.s32 s6, $0x1F000  }
.Ltmp21:
0x167: {  	s6 =	sadd.s32 $0x1000, s6;
	(pc) =	sbr.rel @p0 .LBB2_44-.Ltmp21, $2  }
0x168: {  	_ =	sdelay $0x2  }
0x169: {  	s7 =	sadd.s32 $0x800, s7;
	s8 =	sadd.s32 s8, s26  }
0x16a: {  	[hbm4b:s8+s3] =	stream.linear.scatter [tilespmem:s5], [sflag:$0x2], $0x580, $0x38;
	[tilespmem:$0x10200] =	vst v63  }
0x16b: {  	s5 =	simm.s32 $0x800  }
0x16c: {  	s6 =	simm.s32 $0x1000;
	s8 =	sadd.s32 $0x0, s28;
	s7 =	simm.s32 $0x1000  }
.LBB2_46:
0x16d: {  	[hbm4b:s8+s3] =	stream.linear.scatter [tilespmem:s5], [sflag:$0x2], $0x200, $0x38;
	[tilespmem:$0x10200] =	vst v63  }
0x16e: {  	s8 =	smov.u32 s6;
	s5 =	smov.u32 s7;
	p0 =	sne.s32 s6, $0x1F000  }
.Ltmp22:
0x16f: {  	s6 =	sadd.s32 $0x1000, s6;
	(pc) =	sbr.rel @p0 .LBB2_46-.Ltmp22, $2  }
0x170: {  	_ =	sdelay $0x2  }
0x171: {  	s7 =	sadd.s32 $0x800, s7;
	s8 =	sadd.s32 s8, s28  }
0x172: {  	[hbm4b:s8+s3] =	stream.linear.scatter [tilespmem:s5], [sflag:$0x2], $0x200, $0x38;
	[tilespmem:$0x10200] =	vst v63  }
0x173: {  	s5 =	simm.s32 $0x200  }
0x174: {  	s6 =	simm.s32 $0x1000;
	s8 =	sadd.s32 $0x0, s29;
	s7 =	simm.s32 $0xA00  }
.LBB2_48:
0x175: {  	[hbm4b:s8+s3] =	stream.linear.scatter [tilespmem:s5], [sflag:$0x2], $0x600, $0x38;
	[tilespmem:$0x10200] =	vst v63  }
0x176: {  	s8 =	smov.u32 s6;
	s5 =	smov.u32 s7;
	p0 =	sne.s32 s6, $0x1F000  }
.Ltmp23:
0x177: {  	s6 =	sadd.s32 $0x1000, s6;
	(pc) =	sbr.rel @p0 .LBB2_48-.Ltmp23, $2  }
0x178: {  	_ =	sdelay $0x2  }
0x179: {  	s7 =	sadd.s32 $0x800, s7;
	s8 =	sadd.s32 s8, s29  }
0x17a: {  	[hbm4b:s8+s3] =	stream.linear.scatter [tilespmem:s5], [sflag:$0x2], $0x600, $0x38;
	[tilespmem:$0x10200] =	vst v63  }
0x17b: {  	s5 =	simm.s32 $0x880  }
0x17c: {  	s6 =	simm.s32 $0x1000;
	s8 =	sadd.s32 $0x0, s30;
	s7 =	simm.s32 $0x1080  }
.LBB2_50:
0x17d: {  	[hbm4b:s8+s3] =	stream.linear.scatter [tilespmem:s5], [sflag:$0x2], $0x180, $0x38;
	[tilespmem:$0x10200] =	vst v63  }
0x17e: {  	s8 =	smov.u32 s6;
	s5 =	smov.u32 s7;
	p0 =	sne.s32 s6, $0x1F000  }
.Ltmp24:
0x17f: {  	s6 =	sadd.s32 $0x1000, s6;
	(pc) =	sbr.rel @p0 .LBB2_50-.Ltmp24, $2  }
0x180: {  	_ =	sdelay $0x2  }
0x181: {  	s7 =	sadd.s32 $0x800, s7;
	s8 =	sadd.s32 s8, s30  }
0x182: {  	[hbm4b:s8+s3] =	stream.linear.scatter [tilespmem:s5], [sflag:$0x2], $0x180, $0x38;
	[tilespmem:$0x10200] =	vst v63  }
0x183: {  	s5 =	simm.s32 $0x200  }
0x184: {  	s6 =	simm.s32 $0x1000;
	s8 =	sadd.s32 $0x0, s31;
	s7 =	simm.s32 $0xA00  }
.LBB2_52:
0x185: {  	[hbm4b:s8+s3] =	stream.linear.scatter [tilespmem:s5], [sflag:$0x2], $0x680, $0x38;
	[tilespmem:$0x10200] =	vst v63  }
0x186: {  	s8 =	smov.u32 s6;
	s5 =	smov.u32 s7;
	p0 =	sne.s32 s6, $0x1F000  }
.Ltmp25:
0x187: {  	s6 =	sadd.s32 $0x1000, s6;
	(pc) =	sbr.rel @p0 .LBB2_52-.Ltmp25, $2  }
0x188: {  	_ =	sdelay $0x2  }
0x189: {  	s7 =	sadd.s32 $0x800, s7;
	s8 =	sadd.s32 s8, s31  }
0x18a: {  	[hbm4b:s8+s3] =	stream.linear.scatter [tilespmem:s5], [sflag:$0x2], $0x680, $0x38;
	[tilespmem:$0x10200] =	vst v63  }
0x18b: {  	s5 =	simm.s32 $0x900  }
0x18c: {  	s6 =	simm.s32 $0x1000;
	s8 =	sadd.s32 $0x0, s2;
	s7 =	simm.s32 $0x1100  }
.LBB2_54:
0x18d: {  	[hbm4b:s8+s3] =	stream.linear.scatter [tilespmem:s5], [sflag:$0x2], $0x100, $0x38;
	[tilespmem:$0x10200] =	vst v63  }
0x18e: {  	s8 =	smov.u32 s6;
	s5 =	smov.u32 s7;
	p0 =	sne.s32 s6, $0x1F000  }
.Ltmp26:
0x18f: {  	s6 =	sadd.s32 $0x1000, s6;
	(pc) =	sbr.rel @p0 .LBB2_54-.Ltmp26, $2  }
0x190: {  	_ =	sdelay $0x2  }
0x191: {  	s7 =	sadd.s32 $0x800, s7;
	s8 =	sadd.s32 s8, s2  }
0x192: {  	[hbm4b:s8+s3] =	stream.linear.scatter [tilespmem:s5], [sflag:$0x2], $0x100, $0x38;
	[tilespmem:$0x10200] =	vst v63  }
0x193: {  	s5 =	simm.s32 $0x200  }
0x194: {  	s6 =	simm.s32 $0x1000;
	s8 =	sadd.s32 $0x0, s0;
	s7 =	simm.s32 $0xA00  }
.LBB2_56:
0x195: {  	[hbm4b:s8+s3] =	stream.linear.scatter [tilespmem:s5], [sflag:$0x2], $0x700, $0x38;
	[tilespmem:$0x10200] =	vst v63  }
0x196: {  	s8 =	smov.u32 s6;
	s5 =	smov.u32 s7;
	p0 =	sne.s32 s6, $0x1F000  }
.Ltmp27:
0x197: {  	s6 =	sadd.s32 $0x1000, s6;
	(pc) =	sbr.rel @p0 .LBB2_56-.Ltmp27, $2  }
0x198: {  	_ =	sdelay $0x2  }
0x199: {  	s7 =	sadd.s32 $0x800, s7;
	s8 =	sadd.s32 s8, s0  }
0x19a: {  	[hbm4b:s8+s3] =	stream.linear.scatter [tilespmem:s5], [sflag:$0x2], $0x700, $0x38;
	[tilespmem:$0x10200] =	vst v63  }
0x19b: {  	s5 =	simm.s32 $0x980  }
0x19c: {  	s6 =	simm.s32 $0x1000;
	s8 =	sadd.s32 $0x0, s4;
	s7 =	simm.s32 $0x1180  }
.LBB2_58:
0x19d: {  	[hbm4b:s8+s3] =	stream.linear.scatter [tilespmem:s5], [sflag:$0x2], $0x80, $0x38;
	[tilespmem:$0x10200] =	vst v63  }
0x19e: {  	s8 =	smov.u32 s6;
	s5 =	smov.u32 s7;
	p0 =	sne.s32 s6, $0x1F000  }
.Ltmp28:
0x19f: {  	s6 =	sadd.s32 $0x1000, s6;
	(pc) =	sbr.rel @p0 .LBB2_58-.Ltmp28, $2  }
0x1a0: {  	_ =	sdelay $0x2  }
0x1a1: {  	s7 =	sadd.s32 $0x800, s7;
	s8 =	sadd.s32 s8, s4  }
0x1a2: {  	[hbm4b:s8+s3] =	stream.linear.scatter [tilespmem:s5], [sflag:$0x2], $0x80, $0x38;
	[tilespmem:$0x10200] =	vst v63  }
0x1a3: {  	s5 =	simm.s32 $0x200  }
0x1a4: {  	s6 =	simm.s32 $0x1000;
	s8 =	sadd.s32 $0x0, s1;
	s7 =	simm.s32 $0xA00  }
.LBB2_60:
0x1a5: {  	[hbm4b:s8+s3] =	stream.linear.scatter [tilespmem:s5], [sflag:$0x2], $0x780, $0x38;
	[tilespmem:$0x10200] =	vst v63  }
0x1a6: {  	s8 =	smov.u32 s6;
	s5 =	smov.u32 s7;
	p0 =	sne.s32 s6, $0x1F000  }
.Ltmp29:
0x1a7: {  	s6 =	sadd.s32 $0x1000, s6;
	(pc) =	sbr.rel @p0 .LBB2_60-.Ltmp29, $2  }
0x1a8: {  	_ =	sdelay $0x2  }
0x1a9: {  	s7 =	sadd.s32 $0x800, s7;
	s8 =	sadd.s32 s8, s1  }
0x1aa: {  	[hbm4b:s8+s3] =	stream.linear.scatter [tilespmem:s5], [sflag:$0x2], $0x780, $0x38;
	[tilespmem:$0x10200] =	vst v63  }
0x1ab: {  	s6 =	simm.s32 $0x2  }
0x1ac: {  	_ =	swait.ge [sflag:s6], $0xF000  }
0x1ad: {  	[sflag:s6] =	ssyncset.done $0x0  }
0x1ae: {  	[sflag:s6] =	ssyncadd.s32 $0xFFFF1000  }
0x1af: {  	_ =	swait.ge [sflag:s6], $0x1000  }
0x1b0: {  	[sflag:s6] =	ssyncset.done $0x0  }
0x1b1: {  	[sflag:s6] =	ssyncadd.s32 $0xFFFFF000  }
0x1b2: {  	_ =	swait.ge [sflag:s6], $0xE000  }
0x1b3: {  	[sflag:s6] =	ssyncset.done $0x0  }
0x1b4: {  	[sflag:s6] =	ssyncadd.s32 $0xFFFF2000  }
0x1b5: {  	_ =	swait.ge [sflag:s6], $0x2000  }
0x1b6: {  	[sflag:s6] =	ssyncset.done $0x0  }
0x1b7: {  	[sflag:s6] =	ssyncadd.s32 $0xFFFFE000  }
0x1b8: {  	_ =	swait.ge [sflag:s6], $0xD000  }
0x1b9: {  	[sflag:s6] =	ssyncset.done $0x0  }
0x1ba: {  	[sflag:s6] =	ssyncadd.s32 $0xFFFF3000  }
0x1bb: {  	_ =	swait.ge [sflag:s6], $0x3000  }
0x1bc: {  	[sflag:s6] =	ssyncset.done $0x0  }
0x1bd: {  	[sflag:s6] =	ssyncadd.s32 $0xFFFFD000  }
0x1be: {  	_ =	swait.ge [sflag:s6], $0xC000  }
0x1bf: {  	[sflag:s6] =	ssyncset.done $0x0  }
0x1c0: {  	[sflag:s6] =	ssyncadd.s32 $0xFFFF4000  }
0x1c1: {  	_ =	swait.ge [sflag:s6], $0x4000  }
0x1c2: {  	[sflag:s6] =	ssyncset.done $0x0  }
0x1c3: {  	[sflag:s6] =	ssyncadd.s32 $0xFFFFC000  }
0x1c4: {  	_ =	swait.ge [sflag:s6], $0xB000  }
0x1c5: {  	[sflag:s6] =	ssyncset.done $0x0  }
0x1c6: {  	[sflag:s6] =	ssyncadd.s32 $0xFFFF5000  }
0x1c7: {  	_ =	swait.ge [sflag:s6], $0x5000  }
0x1c8: {  	[sflag:s6] =	ssyncset.done $0x0  }
0x1c9: {  	[sflag:s6] =	ssyncadd.s32 $0xFFFFB000  }
0x1ca: {  	_ =	swait.ge [sflag:s6], $0xA000  }
0x1cb: {  	[sflag:s6] =	ssyncset.done $0x0  }
0x1cc: {  	[sflag:s6] =	ssyncadd.s32 $0xFFFF6000  }
0x1cd: {  	_ =	swait.ge [sflag:s6], $0x6000  }
0x1ce: {  	[sflag:s6] =	ssyncset.done $0x0  }
0x1cf: {  	[sflag:s6] =	ssyncadd.s32 $0xFFFFA000  }
0x1d0: {  	_ =	swait.ge [sflag:s6], $0x9000  }
0x1d1: {  	[sflag:s6] =	ssyncset.done $0x0  }
0x1d2: {  	[sflag:s6] =	ssyncadd.s32 $0xFFFF7000  }
0x1d3: {  	_ =	swait.ge [sflag:s6], $0x7000  }
0x1d4: {  	[sflag:s6] =	ssyncset.done $0x0  }
0x1d5: {  	[sflag:s6] =	ssyncadd.s32 $0xFFFF9000  }
0x1d6: {  	_ =	swait.ge [sflag:s6], $0x8000  }
0x1d7: {  	[sflag:s6] =	ssyncset.done $0x0  }
0x1d8: {  	[sflag:s6] =	ssyncadd.s32 $0xFFFF8000  }
0x1d9: {  	_ =	swait.ge [sflag:s6], $0x8000  }
0x1da: {  	[sflag:s6] =	ssyncset.done $0x0  }
0x1db: {  	[sflag:s6] =	ssyncadd.s32 $0xFFFF8000  }
0x1dc: {  	_ =	swait.ge [sflag:s6], $0x7000  }
0x1dd: {  	[sflag:s6] =	ssyncset.done $0x0  }
0x1de: {  	[sflag:s6] =	ssyncadd.s32 $0xFFFF9000  }
0x1df: {  	_ =	swait.ge [sflag:s6], $0x9000  }
0x1e0: {  	[sflag:s6] =	ssyncset.done $0x0  }
0x1e1: {  	[sflag:s6] =	ssyncadd.s32 $0xFFFF7000  }
0x1e2: {  	_ =	swait.ge [sflag:s6], $0x6000  }
0x1e3: {  	[sflag:s6] =	ssyncset.done $0x0  }
0x1e4: {  	[sflag:s6] =	ssyncadd.s32 $0xFFFFA000  }
0x1e5: {  	_ =	swait.ge [sflag:s6], $0xA000  }
0x1e6: {  	[sflag:s6] =	ssyncset.done $0x0  }
0x1e7: {  	[sflag:s6] =	ssyncadd.s32 $0xFFFF6000  }
0x1e8: {  	_ =	swait.ge [sflag:s6], $0x5000  }
0x1e9: {  	[sflag:s6] =	ssyncset.done $0x0  }
0x1ea: {  	[sflag:s6] =	ssyncadd.s32 $0xFFFFB000  }
0x1eb: {  	_ =	swait.ge [sflag:s6], $0xB000  }
0x1ec: {  	[sflag:s6] =	ssyncset.done $0x0  }
0x1ed: {  	[sflag:s6] =	ssyncadd.s32 $0xFFFF5000  }
0x1ee: {  	_ =	swait.ge [sflag:s6], $0x4000  }
0x1ef: {  	[sflag:s6] =	ssyncset.done $0x0  }
0x1f0: {  	[sflag:s6] =	ssyncadd.s32 $0xFFFFC000  }
0x1f1: {  	_ =	swait.ge [sflag:s6], $0xC000  }
0x1f2: {  	[sflag:s6] =	ssyncset.done $0x0  }
0x1f3: {  	[sflag:s6] =	ssyncadd.s32 $0xFFFF4000  }
0x1f4: {  	_ =	swait.ge [sflag:s6], $0x3000  }
0x1f5: {  	[sflag:s6] =	ssyncset.done $0x0  }
0x1f6: {  	[sflag:s6] =	ssyncadd.s32 $0xFFFFD000  }
0x1f7: {  	_ =	swait.ge [sflag:s6], $0xD000  }
0x1f8: {  	[sflag:s6] =	ssyncset.done $0x0  }
0x1f9: {  	[sflag:s6] =	ssyncadd.s32 $0xFFFF3000  }
0x1fa: {  	_ =	swait.ge [sflag:s6], $0x2000  }
0x1fb: {  	[sflag:s6] =	ssyncset.done $0x0  }
0x1fc: {  	[sflag:s6] =	ssyncadd.s32 $0xFFFFE000  }
0x1fd: {  	_ =	swait.ge [sflag:s6], $0xE000  }
0x1fe: {  	[sflag:s6] =	ssyncset.done $0x0  }
0x1ff: {  	[sflag:s6] =	ssyncadd.s32 $0xFFFF2000  }
0x200: {  	_ =	swait.ge [sflag:s6], $0x1000  }
0x201: {  	[sflag:s6] =	ssyncset.done $0x0  }
0x202: {  	[sflag:s6] =	ssyncadd.s32 $0xFFFFF000  }
0x203: {  	_ =	swait.ge [sflag:s6], $0xF000  }
0x204: {  	s11 =	rddreg [dreg:$0xe]  }
0x205: {  	s12 =	rddreg [dreg:$0xd];
	s8 =	sadd.s32 $0x1, s11  }
0x206: {  	p0 =	sne.s32 s8, s12  }
.Ltmp30:
0x207: {  	_ = 	snop;
	(pc) =	sbr.rel @p0 .LBB2_1-.Ltmp30, $3  }
0x208: {  	_ =	sdelay $0x1  }
0x209: {  	[sflag:s6] =	ssyncset.done $0x0  }
0x20a: {  	s7 =	rddreg [dreg:$0x5];
	[sflag:s6] =	ssyncadd.s32 $0xFFFF1000  }
0x20b: {  	_ =	sfence.sel $0x180000  }
0x20c: {  	[bflag:$0x0] =	sbarrier.arrive $0xFFFF  }
0x20d: {  	_ =	strace $0x90000047  }
0x20e: {  	s0 =	stileid.u32;
	[bflag:$0x2] =	sbarrier.arrive $0xFFFF  }
0x20f: {  	p0 =	sne.s32 s0, $0x0;
	s0 =	rddreg [dreg:$0x3]  }
0x210: {  	s0 =	sadd.s32 @!p0 $0x100000, s0  }
0x211: {  	[sflag:s0] =	ssyncadd.tile.s32 @!p0 $0x1;
	_ =	shalt  }
.Lfunc_end2:
_tile_overlayer_lowered:
.L_overlay_start_2:
0x212: {  	(tag) =	ssettag $0x2  }
0x213: {  	s0 =	rddreg [dreg:$0x0];
	s2 =	stileid.u32  }
0x214: {  	s1 =	rddreg [dreg:$0x1];
	p0 =	sne.s32 s2, $0x0  }
0x215: {  	s3 =	rddreg [dreg:$0x2];
	[bflag:$0x3] =	sbarrier.arrive $0xFFFF;
	s2 =	simm.s32 @!p0 $0x1C03  }
0x216: {  	[timem:s3], [sflag:s2] =	dma.local @!p0 [hbm:s0], s1  }
0x217: {  	s0 =	simm.s32 @!p0 $0x3  }
0x218: {  	_ =	swait.ge @!p0 [sflag:s0], s1  }
0x219: {  	s1 =	ssub.s32 @!p0 $0x0, s1;
	[sflag:s0] =	ssyncset.done @!p0 $0x0  }
0x21a: {  	[sflag:s0] =	ssyncadd.s32 @!p0 s1  }
0x21b: {  	[bflag:$0x3] =	sbarrier.arrive $0xFFFF  }
0x21c: {  	_ =	shalt  }

// kernel: sparse-core-data-format-call.cloned.1.call-start
scs
called_computation_lowered:
.L_overlay_start_0:
0x0: {  	s2 =	sld [smem:$0x3FD9]  }
0x1: {  	s3 =	sld [smem:$0x3FFE];
	_ =	sdelay $0x1  }
0x2: {  	s1 =	srdreg.scid  }
0x3: {  	s0 =	sand.u32 $0x1, s1  }
0x4: {  	s18 =	sshll.u32 s0, $0xA;
	s2 =	sadd.s32 s3, s2  }
0x5: {  	s2 =	sadd.s32 s2, s18  }
0x6: {  	[smem:$0x3FC6] =	sst s2  }
0x7: {  	_ = 	snop  }
0x8: {  	s2 =	sld [smem:$0x3FD0];
	(tm) =	ssettm $0x1  }
0x9: {  	s19 =	sld [smem:$0x3FFB];
	_ =	sdelay $0x3  }
0xa: {  	_ =	strace s19  }
0xb: {  	s3 =	sld [smem:$0x3FFC];
	_ =	sdelay $0x3  }
0xc: {  	_ =	strace s3  }
0xd: {  	s3 =	sld [smem:$0x3FFD];
	_ =	sdelay $0x3  }
0xe: {  	_ =	strace s3  }
0xf: {  	_ =	strace $0x8FFFFFFF  }
0x10: {  	s20 =	sld [smem:$0x3FDB];
	_ =	sdelay $0x1  }
0x11: {  	s4 =	simm.s32 $_scs_section_size  }
0x12: {  	s5 =	simm.s32 $_size__tile_overlayer_lowered;
	s6 =	simm.s32 $_tile_overlayer_lowered  }
0x13: {  	s23 =	simm.s32 $0x1BFF;
	s22 =	sshll.u32 s6, $0x1;
	s3 =	sadd.s32 s4, s20  }
0x14: {  	s7 =	simm.s32 $0x0;
	s21 =	sshll.u32 s5, $0x1;
	s5 =	sadd.s32 s22, s3  }
0x15: {  	[timem:s7], [sflag:s23] =	dma.local [hbm:s5], s21  }
0x16: {  	_ =	swait.ge [sflag:s23], s21  }
0x17: {  	s4 =	ssub.s32 $0x0, s21;
	[sflag:s23] =	ssyncset.done $0x0  }
0x18: {  	[sflag:s23] =	ssyncadd.s32 s4;
	_ =	sdelay $0x1  }
0x19: {  	s24 =	simm.s32 $0x1B8B  }
0x1a: {  	_ =	swait.ge [sflag:s24], $0x1  }
0x1b: {  	[sflag:s24] =	ssyncset.done $0x0  }
0x1c: {  	s26 =	simm.s32 $0x1B8E;
	s25 =	sld [smem:$0x3FFE];
	[sflag:s24] =	ssyncadd.s32 $0xFFFFFFFF  }
0x1d: {  	s27 =	simm.s32 $execute0_lowered;
	[smem:$0x3FD2] =	sst s26  }
0x1e: {  	s5 =	sshll.u32 s27, $0x1;
	_ =	strace $0x80000049;
	[dreg:$0x1] =	wrdreg $0xFFFFFFFF  }
0x1f: {  	s28 =	simm.s32 $_size_execute0_lowered;
	s3 =	sadd.s32 s3, s5;
	[dreg:$0x0] =	wrdreg $0x0  }
0x20: {  	s5 =	sshll.u32 s28, $0x1;
	[dreg:$0x2] =	wrdreg s3  }
0x21: {  	[dreg:$0x3] =	wrdreg s5  }
0x22: {  	[dreg:$0x4] =	wrdreg $0xC0  }
0x23: {  	_ =	task [dreg:s7], $0x5FFFF  }
0x24: {  	[dreg:$0x1] =	wrdreg $0xFFFFFFFF  }
0x25: {  	[dreg:$0x0] =	wrdreg $0x60  }
0x26: {  	[dreg:$0x2] =	wrdreg s25  }
0x27: {  	[dreg:$0x3] =	wrdreg s2  }
0x28: {  	[dreg:$0x4] =	wrdreg $0x9  }
0x29: {  	_ =	task.clear_ibuf [dreg:s7], $0x5FFFF;
	_ =	strace $0x90000049  }
0x2a: {  	s29 =	simm.s32 $0x9;
	_ =	strace $0x8000004B  }
0x2b: {  	_ =	swait.ge [sflag:s29], $0x1  }
0x2c: {  	[sflag:s29] =	ssyncadd.s32 $0xFFFFFFFF  }
0x2d: {  	_ =	strace $0x9000004B  }
0x2e: {  	_ =	sfence  }
0x2f: {  	s30 =	sld [smem:$0x0];
	_ =	sdelay $0x2  }
0x30: {  	s31 =	sshll.u32 s1, $0xD;
	s1 =	sshrl.u32 s1, $0x2  }
0x31: {  	s3 =	sand.u32 $0x4000, s31;
	s1 =	sadd.s32 s1, s30  }
0x32: {  	s0 =	sor.u32 s3, s0;
	s1 =	sshll.u32 s1, $0x11  }
0x33: {  	s0 =	sor.u32 s1, s0  }
0x34: {  	s0 =	sadd.s32 $0x8F2B, s0  }
0x35: {  	[sflag:s0] =	ssyncadd.remote.s32 $0x1  }
0x36: {  	_ =	sfence.sel $0xFFFF  }
0x37: {  	[dreg:$0x0] =	wrdreg $0xFFFFFFFF;
	(pc) =	sbr.abs _section_cstart, $3  }
0x38: {  	[dreg:$0x1] =	wrdreg $0xFFFFFFFF  }
0x39: {  	_ =	task.clear_ibuf [dreg:s7], $0x2FFFF;
	_ =	strace $0x9FFFFFFF  }
0x3a: {  	(tm) =	ssettm $0x7FFFFFFF  }
0x3b: {  	_ =	shalt  }
tec
execute0_lowered:
.L_overlay_start_1:
0x0: {  	(tag) =	ssettag $0x1  }
0x1: {  	s0 =	stileid.u32;
	s1 =	srdreg.scid  }
0x2: {  	s2 =	sshll.u32 s0, $0x2;
	s1 =	sshll.u32 s1, $0x6  }
0x3: {  	s7 =	rddreg [dreg:$0x0];
	s8 =	simm.s32 $0x2;
	s1 =	sor.u32 s2, s1  }
0x4: {  	s17 =	simm.s32 $0x0;
	s9 =	simm.s32 $0x800;
	s1 =	sand.u32 $0x78, s1  }
0x5: {  	s10 =	simm.s32 $0x7800;
	s2 =	sand.u32 $0x1, s0;
	s3 =	ssub.s32 $0x200, s1  }
0x6: {  	s11 =	simm.s32 $0x0;
	s4 =	ssub.s32 $0x2, s2;
	s5 =	sand.u32 $0x78, s3  }
0x7: {  	s6 =	sshrl.u32 s4, $0x1;
	p0 =	sne.s32 s5, $0x0;
	s5 =	simm.s32 $0x1  }
0x8: {  	s4 =	sand.u32 $0x1, s4;
	s3 =	sshrl.u32 s3, $0x7;
	s5 =	simm.s32 @!p0 $0x0  }
0x9: {  	s18 =	simm.s32 $0x0;
	s6 =	sadd.s32 s4, s6;
	s3 =	sadd.s32 s5, s3  }
0xa: {  	s19 =	simm.s32 $0x0;
	s20 =	simm.s32 $0x0;
	s6 =	smul.u32 s3, s6  }
.Ltmp0:
0xb: {  	s12 =	simm.s32 $0x0;
	s13 =	simm.s32 $0x0;
	(pc) =	sbr.rel .LBB1_1-.Ltmp0, $4  }
0xc: {  	s16 =	simm.s32 $0x0;
	s4 =	rddreg [dreg:$0x1];
	s5 =	simm.s32 $0x1  }
0xd: {  	s3 =	rddreg [dreg:$0x2];
	_ =	strace $0x8000004A;
	s6 =	smul.u32 $0xF, s6  }
0xe: {  	s7 =	sadd.s32 $0x800, s7;
	s15 =	smov.u32 s2;
	[sflag:s5] =	ssyncpa.u1 $0x0  }
0xf: {  	s14 =	smov.u32 s1;
	[sflag:s8] =	ssyncpa.u1 $0x0;
	s8 =	sadd.s32 $0x1, s6  }
.LBB1_7:
0x10: {  	s21 =	sadd.s32 $0x1, s12  }
0x11: {  	s17 =	sadd.s32 $0x10, s13;
	s22 =	smov.u32 s13;
	p1 =	sgt.s32 s21, $0xE  }
0x12: {  	s22 =	smov.u32 @p1 s17  }
0x13: {  	s23 =	smov.u32 s14;
	s17 =	sadd.s32 $0x80, s14;
	p2 =	sgt.s32 s22, $0xF  }
0x14: {  	s23 =	smov.u32 @p2 s17  }
0x15: {  	s24 =	smov.u32 s15;
	s17 =	sadd.s32 $0x2, s15;
	p3 =	sgt.s32 s23, $0x1FF  }
0x16: {  	p0 =	slt.u32 s16, $0x2;
	s24 =	smov.u32 @p3 s17  }
0x17: {  	s18 =	smov.u32 s13;
	s21 =	simm.s32 @p1 $0x0;
	p1 =	sgt.s32 s24, $0x1  }
0x18: {  	s25 =	simm.s32 @!p0 $0x2;
	s24 =	smov.u32 @p1 s2;
	p1 =	sne.s32 s16, s8  }
.Ltmp1:
0x19: {  	s19 =	smov.u32 s14;
	_ =	swait.ge @!p0 [sflag:s25], $0x4000;
	(pc) =	sbr.rel @!p1 .LBB1_8-.Ltmp1, $4  }
0x1a: {  	s20 =	smov.u32 s15;
	[sflag:s25] =	ssyncset.done @!p0 $0x0;
	s22 =	simm.s32 @p2 $0x0  }
0x1b: {  	s11 =	sadd.s32 $0x4000, s11;
	[sflag:s25] =	ssyncadd.s32 @!p0 $0xFFFFC000;
	s13 =	smov.u32 s22  }
0x1c: {  	s23 =	smov.u32 @p3 s1;
	s17 =	smov.u32 s12;
	s12 =	smov.u32 s21  }
0x1d: {  	s14 =	smov.u32 s23;
	s16 =	sadd.s32 $0x1, s16;
	s15 =	smov.u32 s24  }
.LBB1_1:
0x1e: {  	p0 =	sge.u32 s16, s6  }
0x1f: {  	s31 =	sadd.s32 $0xFFFFFFFF, s16;
	s21 =	sxor.u32 @!p0 $0xFFFFFFFF, s16;
	s22 =	sshll.u32 @!p0 s15, $0x15  }
0x20: {  	s23 =	sshll.u32 @!p0 s14, $0xC;
	s24 =	sshll.u32 @!p0 s13, $0x8;
	s22 =	sadd.s32 @!p0 s7, s22  }
0x21: {  	s25 =	sshll.u32 @!p0 s12, $0x4;
	s21 =	sshll.u32 @!p0 s21, $0xE;
	s22 =	sadd.s32 @!p0 s23, s22  }
0x22: {  	s21 =	sand.u32 @!p0 $0x4000, s21;
	s23 =	sand.u32 @!p0 $0xF0, s25;
	s22 =	sadd.s32 @!p0 s24, s22  }
0x23: {  	s24 =	simm.s32 @!p0 $0x800;
	s22 =	sadd.s32 @!p0 s23, s22;
	s23 =	simm.s32 @!p0 $0x80  }
0x24: {  	[tilespmem:s21], [sflag:$0x1] =	stream.strided.gather @!p0 [hbm4b:s22+s23], $0x4000, s24, s23, $0x38;
	[tilespmem:$0x10000] =	vst v63  }
0x25: {  	p0 =	sge.u32 s31, s6  }
.Ltmp2:
0x26: {  	_ = 	snop;
	(pc) =	sbr.rel @p0 .LBB1_7-.Ltmp2, $1  }
0x27: {  	_ =	sdelay $0x3  }
0x28: {  	s22 =	sand.u32 $0x4000, s11;
	_ =	swait.ge [sflag:s5], $0x4000;
	s21 =	sshll.u32 s16, $0xE  }
0x29: {  	s24 =	simm.s32 $0x0;
	[sflag:s5] =	ssyncset.done $0x0;
	s21 =	sand.u32 $0x4000, s21  }
0x2a: {  	s23 =	sor.u32 $0x8040, s22;
	[sflag:s5] =	ssyncadd.s32 $0xFFFFC000;
	s21 =	sor.u32 $0x8000, s21  }
.LBB1_3:
0x2b: {  	v1 =	vmov s22;
	_ =	sdelay $0x3  }
0x2c: {  	s25 =	simm.s32 $0x0  }
0x2d: {  	v7 =	vld.idx.msk [tilespmem:v1+s25+$0x70 ss:$0x1], $0xffff  }
0x2e: {  	v0 =	vmov s23;
	v8 =	vld.idx.msk [tilespmem:v1+s25+$0x0 ss:$0x1], $0xffff  }
0x2f: {  	v6 =	vld.idx.msk [tilespmem:v1+s25+$0x10 ss:$0x1], $0xffff  }
0x30: {  	v5 =	vld.idx.msk [tilespmem:v1+s25+$0x20 ss:$0x1], $0xffff  }
0x31: {  	v4 =	vld.idx.msk [tilespmem:v1+s25+$0x30 ss:$0x1], $0xffff  }
0x32: {  	v2 =	vld.idx.msk [tilespmem:v1+s25+$0x40 ss:$0x1], $0xffff  }
0x33: {  	v3 =	vld.idx.msk [tilespmem:v1+s25+$0x50 ss:$0x1], $0xffff;
	[tilespmem:v0+s25+$0x30 ss:$0x1] =	vst.idx.msk $0xffff, v7  }
0x34: {  	s26 =	simm.s32 $0x80;
	s27 =	simm.s32 $0x400;
	[tilespmem:v0+s25+$0xFFFFFFC0 ss:$0x1] =	vst.idx.msk $0xffff, v8;
	v7 =	vld.idx.msk [tilespmem:v1+s25+$0x60 ss:$0x1], $0xffff  }
.LBB1_4:
0x35: {  	p0 =	sne.s32 s27, $0x1E00;
	v8 =	vld.idx.msk [tilespmem:v1+s26+$0x70 ss:$0x1], $0xffff;
	[tilespmem:v0+s25+$0xFFFFFFD0 ss:$0x1] =	vst.idx.msk $0xffff, v6  }
0x36: {  	v9 =	vld.idx.msk [tilespmem:v1+s26+$0x0 ss:$0x1], $0xffff;
	[tilespmem:v0+s25+$0xFFFFFFE0 ss:$0x1] =	vst.idx.msk $0xffff, v5  }
0x37: {  	v6 =	vld.idx.msk [tilespmem:v1+s26+$0x10 ss:$0x1], $0xffff;
	[tilespmem:v0+s25+$0xFFFFFFF0 ss:$0x1] =	vst.idx.msk $0xffff, v4  }
.Ltmp3:
0x38: {  	v5 =	vld.idx.msk [tilespmem:v1+s26+$0x20 ss:$0x1], $0xffff;
	[tilespmem:v0+s25+$0x0 ss:$0x1] =	vst.idx.msk $0xffff, v2;
	(pc) =	sbr.rel @p0 .LBB1_4-.Ltmp3, $4  }
0x39: {  	v4 =	vld.idx.msk [tilespmem:v1+s26+$0x30 ss:$0x1], $0xffff;
	[tilespmem:v0+s25+$0x10 ss:$0x1] =	vst.idx.msk $0xffff, v3  }
0x3a: {  	v2 =	vld.idx.msk [tilespmem:v1+s26+$0x40 ss:$0x1], $0xffff;
	[tilespmem:v0+s25+$0x20 ss:$0x1] =	vst.idx.msk $0xffff, v7;
	s25 =	smov.u32 s26  }
0x3b: {  	v3 =	vld.idx.msk [tilespmem:v1+s25+$0x50 ss:$0x1], $0xffff;
	[tilespmem:v0+s25+$0x30 ss:$0x1] =	vst.idx.msk $0xffff, v8  }
0x3c: {  	s26 =	sshra.s32 s27, $0x2;
	s27 =	sadd.s32 $0x200, s27;
	[tilespmem:v0+s25+$0xFFFFFFC0 ss:$0x1] =	vst.idx.msk $0xffff, v9;
	v7 =	vld.idx.msk [tilespmem:v1+s25+$0x60 ss:$0x1], $0xffff  }
0x3d: {  	_ =	sdelay $0x3  }
0x3e: {  	[tilespmem:v0+s25+$0xFFFFFFD0 ss:$0x1] =	vst.idx.msk $0xffff, v6  }
0x3f: {  	v56 =	vld.idx.msk [tilespmem:v1+s26+$0x70 ss:$0x1], $0xffff;
	[tilespmem:v0+s25+$0xFFFFFFE0 ss:$0x1] =	vst.idx.msk $0xffff, v5  }
0x40: {  	v57 =	vld.idx.msk [tilespmem:v1+s26+$0x0 ss:$0x1], $0xffff;
	[tilespmem:v0+s25+$0xFFFFFFF0 ss:$0x1] =	vst.idx.msk $0xffff, v4  }
0x41: {  	v58 =	vld.idx.msk [tilespmem:v1+s26+$0x10 ss:$0x1], $0xffff;
	[tilespmem:v0+s25+$0x0 ss:$0x1] =	vst.idx.msk $0xffff, v2  }
0x42: {  	v59 =	vld.idx.msk [tilespmem:v1+s26+$0x20 ss:$0x1], $0xffff;
	[tilespmem:v0+s25+$0x10 ss:$0x1] =	vst.idx.msk $0xffff, v3  }
0x43: {  	v60 =	vld.idx.msk [tilespmem:v1+s26+$0x30 ss:$0x1], $0xffff;
	[tilespmem:v0+s25+$0x20 ss:$0x1] =	vst.idx.msk $0xffff, v7  }
0x44: {  	v61 =	vld.idx.msk [tilespmem:v1+s26+$0x40 ss:$0x1], $0xffff;
	[tilespmem:v0+s26+$0x30 ss:$0x1] =	vst.idx.msk $0xffff, v56  }
0x45: {  	v62 =	vld.idx.msk [tilespmem:v1+s26+$0x50 ss:$0x1], $0xffff;
	s24 =	sadd.s32 $0x1, s24;
	[tilespmem:v0+s26+$0xFFFFFFC0 ss:$0x1] =	vst.idx.msk $0xffff, v57  }
0x46: {  	v63 =	vld.idx.msk [tilespmem:v1+s26+$0x60 ss:$0x1], $0xffff;
	p0 =	sne.s32 s24, $0x8;
	[tilespmem:v0+s26+$0xFFFFFFD0 ss:$0x1] =	vst.idx.msk $0xffff, v58  }
.Ltmp4:
0x47: {  	[tilespmem:v0+s26+$0xFFFFFFE0 ss:$0x1] =	vst.idx.msk $0xffff, v59;
	(pc) =	sbr.rel @p0 .LBB1_3-.Ltmp4, $4  }
0x48: {  	[tilespmem:v0+s26+$0xFFFFFFF0 ss:$0x1] =	vst.idx.msk $0xffff, v60  }
0x49: {  	[tilespmem:v0+s26+$0x0 ss:$0x1] =	vst.idx.msk $0xffff, v61  }
0x4a: {  	[tilespmem:v0+s26+$0x10 ss:$0x1] =	vst.idx.msk $0xffff, v62  }
0x4b: {  	s22 =	sadd.s32 $0x800, s22;
	s23 =	sadd.s32 $0x800, s23;
	[tilespmem:v0+s26+$0x20 ss:$0x1] =	vst.idx.msk $0xffff, v63  }
0x4c: {  	s20 =	smul.u32 $0x1E0000, s20  }
0x4d: {  	s19 =	smul.u32 $0xF00, s19  }
.Ltmp5:
0x4e: {  	s20 =	sadd.s32 s4, s20;
	(pc) =	sbr.rel .LBB1_7-.Ltmp5, $4  }
0x4f: {  	s17 =	sshll.u32 s17, $0x8;
	s18 =	sshll.u32 s18, $0x4;
	s19 =	sadd.s32 s19, s20  }
0x50: {  	s18 =	sand.u32 $0xF0, s18;
	s17 =	sadd.s32 s17, s19  }
0x51: {  	s17 =	sadd.s32 s18, s17  }
0x52: {  	[hbm4b:s17+s9] =	stream.strided.scatter [tilespmem:s21], [sflag:$0x2], $0x4000, s10, s9, $0x38;
	[tilespmem:$0x10000] =	vst v63  }
.LBB1_8:
0x53: {  	_ =	sfence.sel $0x180000  }
0x54: {  	s1 =	simm.s32 $0x1;
	[bflag:$0x0] =	sbarrier.arrive $0xFFFF  }
0x55: {  	s31 =	simm.s32 $0x2;
	[sflag:s1] =	ssyncpa.u1 $0x1  }
0x56: {  	[sflag:s31] =	ssyncpa.u1 $0x1  }
0x57: {  	p0 =	sne.s32 s0, $0x0;
	_ =	strace $0x9000004A  }
0x58: {  	s0 =	sadd.s32 @!p0 $0x100000, s3;
	[bflag:$0x2] =	sbarrier.arrive $0xFFFF  }
0x59: {  	[sflag:s0] =	ssyncadd.tile.s32 @!p0 $0x1;
	_ =	shalt  }
.Lfunc_end1:
_tile_overlayer_lowered:
.L_overlay_start_2:
0x5a: {  	(tag) =	ssettag $0x2  }
0x5b: {  	s0 =	rddreg [dreg:$0x0];
	s2 =	stileid.u32  }
0x5c: {  	s1 =	rddreg [dreg:$0x1];
	p0 =	sne.s32 s2, $0x0  }
0x5d: {  	s3 =	rddreg [dreg:$0x2];
	[bflag:$0x3] =	sbarrier.arrive $0xFFFF;
	s2 =	simm.s32 @!p0 $0x1C01  }
0x5e: {  	[timem:s3], [sflag:s2] =	dma.local @!p0 [hbm:s0], s1  }
0x5f: {  	s0 =	simm.s32 @!p0 $0x1  }
0x60: {  	_ =	swait.ge @!p0 [sflag:s0], s1  }
0x61: {  	s1 =	ssub.s32 @!p0 $0x0, s1;
	[sflag:s0] =	ssyncset.done @!p0 $0x0  }
0x62: {  	[sflag:s0] =	ssyncadd.s32 @!p0 s1  }
0x63: {  	[bflag:$0x3] =	sbarrier.arrive $0xFFFF  }
0x64: {  	_ =	shalt  }

</sc_bundles>
